<compile_context>
chip_gen: v7x
topology: tpu7x:2x2x1
jax: 0.10.2.dev20260603
libtpu: 0.0.44.dev20260713+nightly
codegen_flags: <defaults>
</compile_context>

<pallas_src>
import functools

import jax
import jax.numpy as jnp
from jax import lax
from jax.experimental import pallas as pl
from jax.experimental.pallas import tpu as pltpu
from jax.experimental.pallas import tpu_sc as plsc

_N = 10000
_D = 128
_H = 64
_NP = 10240
_E = 320000
_C = 128
_NC = 160
_EPT = _NC * _C
_EP = 16 * _EPT
_RPT = _NP // 16
_RING = 5


def _sc_agg_body(with_counts, *refs):
    refs = list(refs)
    x_hbm, src_hbm, dst_hbm, out_hbm = refs[:4]
    del refs[:4]
    if with_counts:
        cnt_hbm = refs.pop(0)
    acc_sh = refs.pop(0)
    if with_counts:
        cnt_sh = refs.pop(0)
    sidx_v, didx_v = refs.pop(0), refs.pop(0)
    rows = [refs.pop(0) for _ in range(_RING)]
    if with_counts:
        ones_v, zs_v = refs.pop(0), refs.pop(0)
    gsem = [refs.pop(0) for _ in range(_RING)]
    ssem = [refs.pop(0) for _ in range(_RING)]
    if with_counts:
        csem = refs.pop(0)
    r0 = rows[0]

    cid = lax.axis_index("c")
    sid = lax.axis_index("s")

    zero16 = jnp.zeros((16,), jnp.float32)

    def _zrow(i, c):
        for j in range(_H // 16):
            r0[i, pl.ds(j * 16, 16)] = zero16
        return c
    lax.fori_loop(0, _C, _zrow, 0)

    base = sid * _RPT
    for r in range(_RPT // _C):
        pltpu.sync_copy(r0, acc_sh.at[pl.ds(base + r * _C, _C)])

    if with_counts:
        ones16 = jnp.full((16,), 1.0, jnp.float32)
        def _zcnt(i, c):
            zs_v[pl.ds(i * 16, 16)] = zero16
            return c
        lax.fori_loop(0, _RPT // 16, _zcnt, 0)
        for j in range(_C // 16):
            ones_v[pl.ds(j * 16, 16)] = ones16

        pltpu.sync_copy(zs_v, cnt_sh.at[pl.ds(base, _RPT)])

    pltpu.sync_copy(src_hbm.at[pl.ds(cid * 16 * _NC + sid * _NC, _NC)],
                    sidx_v)
    pltpu.sync_copy(dst_hbm.at[pl.ds(sid * _NC, _NC)], didx_v)
    for k in range(_RING):
        pltpu.make_async_copy(x_hbm.at[sidx_v.at[k]], rows[k],
                              gsem[k]).start()

    plsc.subcore_barrier()

    def _scat(g, k):
        return pltpu.make_async_copy(rows[k], acc_sh.at[didx_v.at[g]],
                                     ssem[k])

    def _gath(g, k):
        return pltpu.make_async_copy(x_hbm.at[sidx_v.at[g]], rows[k],
                                     gsem[k])

    def _fire(qq):
        for k in range(_RING):
            g = _RING * qq + k
            _gath(g, k).wait()
            _scat(g, k).start(add=True)
            if with_counts:
                @pl.when(lax.rem(g, 2) == cid)
                def _():
                    pltpu.async_copy(ones_v, cnt_sh.at[didx_v.at[g]],
                                     csem, add=True)

    def _quad(qq, c):
        _fire(qq)
        for k in range(_RING):
            g = _RING * qq + k
            _scat(g, k).wait()
            _gath(g + _RING, k).start()
        return c

    lax.fori_loop(0, _NC // _RING - 1, _quad, 0)

    _fire(_NC // _RING - 1)
    for k in range(_RING):
        _scat(_NC - _RING + k, k).wait()
    if with_counts:
        def _drain(i, c):
            pltpu.make_async_copy(ones_v, cnt_sh.at[didx_v.at[0]],
                                  csem).wait()
            return c
        lax.fori_loop(0, _NC // 2, _drain, 0)

    plsc.subcore_barrier()

    out_base = cid * _NP + base
    for r in range(_RPT // _C):
        pltpu.sync_copy(acc_sh.at[pl.ds(base + r * _C, _C)],
                        out_hbm.at[pl.ds(out_base + r * _C, _C)])
    if with_counts:
        pltpu.sync_copy(cnt_sh.at[pl.ds(base, _RPT)],
                        cnt_hbm.at[pl.ds(out_base, _RPT)])


def _make_sc_agg(with_counts):
    mesh = plsc.VectorSubcoreMesh(core_axis_name="c", subcore_axis_name="s")
    out_type = [jax.ShapeDtypeStruct((2 * _NP, _H), jnp.float32)]
    scratch = [
        pltpu.VMEM_SHARED((_NP, _H), jnp.float32),
        pltpu.VMEM((_NC, _C), jnp.int32),
        pltpu.VMEM((_NC, _C), jnp.int32),
    ]
    scratch += [pltpu.VMEM((_C, _H), jnp.float32) for _ in range(_RING)]
    sems = [pltpu.SemaphoreType.DMA] * (2 * _RING)
    if with_counts:
        out_type.append(jax.ShapeDtypeStruct((2 * _NP,), jnp.float32))
        scratch.insert(1, pltpu.VMEM_SHARED((_NP,), jnp.float32))
        scratch.append(pltpu.VMEM((_C,), jnp.float32))
        scratch.append(pltpu.VMEM((_RPT,), jnp.float32))
        sems.append(pltpu.SemaphoreType.DMA)
    assert _NC % _RING == 0
    return pl.kernel(
        functools.partial(_sc_agg_body, with_counts),
        mesh=mesh,
        out_type=out_type,
        scratch_types=scratch + sems,
        compiler_params=pltpu.CompilerParams(use_tc_tiling_on_sc=False),
    )


_sc_agg_counts = _make_sc_agg(True)
_sc_agg_plain = _make_sc_agg(False)


_BLK = 1024


def _dense1_body(plo, phi, c0, c1, xr, wl, wr, b, out):
    j = pl.program_id(1)
    inv = 1.0 / jnp.maximum(c0[...] + c1[...], 1.0)
    agg = jnp.concatenate([plo[...], phi[...]], axis=1) * inv
    acc = (jnp.dot(agg, wl[...], preferred_element_type=jnp.float32)
           + jnp.dot(xr[...], wr[...], preferred_element_type=jnp.float32))
    bv = b[...]
    acc = acc + jnp.where(j == 0, bv[0], bv[1])[None, :]
    out[...] = jnp.maximum(acc, 0.0)


def _make_dense1():
    nrb = _NP // _BLK
    row = pl.BlockSpec((_BLK, _D), lambda i, j: (i, 0))
    lo = pl.BlockSpec((_BLK, _H), lambda i, j: (i, 0))
    hi = pl.BlockSpec((_BLK, _H), lambda i, j: (nrb + i, 0))
    clo = pl.BlockSpec((_BLK, 1), lambda i, j: (i, 0))
    chi = pl.BlockSpec((_BLK, 1), lambda i, j: (nrb + i, 0))
    wsp = pl.BlockSpec((_D, _H), lambda i, j: (j, 0))
    bsp = pl.BlockSpec((2, _H), lambda i, j: (0, 0))
    osp = pl.BlockSpec((_BLK, _H), lambda i, j: (j * nrb + i, 0))
    return pl.pallas_call(
        _dense1_body,
        grid=(nrb, 2),
        in_specs=[lo, hi, clo, chi, row, wsp, wsp, bsp],
        out_specs=osp,
        out_shape=jax.ShapeDtypeStruct((2 * _NP, _H), jnp.float32),
    )


def _dense2_body(plo, phi, c0, c1, xlo, xhi, wl, wr, b, out):
    inv = 1.0 / jnp.maximum(c0[...] + c1[...], 1.0)
    agg = jnp.concatenate([plo[...], phi[...]], axis=1) * inv
    xr = jnp.concatenate([xlo[...], xhi[...]], axis=1)
    acc = (jnp.dot(agg, wl[...], preferred_element_type=jnp.float32)
           + jnp.dot(xr[...], wr[...], preferred_element_type=jnp.float32)
           + b[...])
    out[...] = acc


def _make_dense2():
    nrb = _NP // _BLK
    lo = pl.BlockSpec((_BLK, _H), lambda i: (i, 0))
    hi = pl.BlockSpec((_BLK, _H), lambda i: (nrb + i, 0))
    clo = pl.BlockSpec((_BLK, 1), lambda i: (i, 0))
    chi = pl.BlockSpec((_BLK, 1), lambda i: (nrb + i, 0))
    full = pl.BlockSpec((_D, _D), lambda i: (0, 0))
    bsp = pl.BlockSpec((1, _D), lambda i: (0, 0))
    osp = pl.BlockSpec((_BLK, _D), lambda i: (i, 0))
    return pl.pallas_call(
        _dense2_body,
        grid=(nrb,),
        in_specs=[lo, hi, clo, chi, lo, hi, full, full, bsp],
        out_specs=osp,
        out_shape=jax.ShapeDtypeStruct((_NP, _D), jnp.float32),
    )


_dense1 = _make_dense1()
_dense2 = _make_dense2()


def kernel(x, edge_index, W1_l, W1_r, b1, W2_l, W2_r, b2):
    pad_e = _EP - _E
    src = jnp.concatenate([edge_index[0], jnp.zeros((pad_e,), jnp.int32)])
    dst = jnp.concatenate([edge_index[1],
                           jnp.full((pad_e,), _N, jnp.int32)])
    src2 = jnp.stack([src, src + _NP]).reshape(2 * 16 * _NC, _C)
    dst2 = dst.reshape(16 * _NC, _C)
    x_p = jnp.concatenate(
        [x, jnp.zeros((_NP - _N, _D), jnp.float32)], axis=0)
    xcat = jnp.concatenate([x_p[:, :_H], x_p[:, _H:]], axis=0)
    wl2 = jnp.concatenate([W1_l[:, :_H], W1_l[:, _H:]], axis=0)
    wr2 = jnp.concatenate([W1_r[:, :_H], W1_r[:, _H:]], axis=0)
    b1_r = b1.reshape(2, _H)
    b2_r = b2.reshape(1, _D)

    sums1, cnts = _sc_agg_counts(xcat, src2, dst2)
    cnt = cnts.reshape(2 * _NP, 1)

    h = _dense1(sums1, sums1, cnt, cnt, x_p, wl2, wr2, b1_r)

    (sums2,) = _sc_agg_plain(h, src2, dst2)

    out = _dense2(sums2, sums2, cnt, cnt, h, h, W2_l, W2_r, b2_r)
    return out[:_N]

# --- scband reference (transcript-rebuilt; emitter-appended) ---
"""Pipeline reference for scband-simple-graph-sage-31344671326737 (READ-ONLY COPY).

The authoritative reference and input builder live on the scoring server;
editing this copy changes nothing except your own understanding.
"""

import jax, jax.numpy as jnp
import numpy as np

N, E, D_IN, D_HID, D_OUT = 10000, 320000, 128, 128, 128


def setup_inputs(seed: int = 0) -> dict:
    key = jax.random.key(seed)
    ks = jax.random.split(key, 10)
    x = jax.random.normal(ks[0], (N, D_IN), dtype=jnp.float32)
    edge_index = jax.random.randint(ks[1], (2, E), 0, N, dtype=jnp.int32)
    s1 = 1.0 / np.sqrt(D_IN)
    s2 = 1.0 / np.sqrt(D_HID)
    W1_l = jax.random.normal(ks[2], (D_IN, D_HID), dtype=jnp.float32) * s1
    W1_r = jax.random.normal(ks[3], (D_IN, D_HID), dtype=jnp.float32) * s1
    b1 = jnp.zeros((D_HID,), dtype=jnp.float32)
    W2_l = jax.random.normal(ks[4], (D_HID, D_OUT), dtype=jnp.float32) * s2
    W2_r = jax.random.normal(ks[5], (D_HID, D_OUT), dtype=jnp.float32) * s2
    b2 = jnp.zeros((D_OUT,), dtype=jnp.float32)
    return {"x": x, "edge_index": edge_index, "W1_l": W1_l, "W1_r": W1_r, "b1": b1, "W2_l": W2_l, "W2_r": W2_r, "b2": b2}


def _sage_conv(x, edge_index, W_l, W_r, b):
    # PyG-style SAGEConv with mean aggregation:
    # out = lin_l(mean_{j in N(i)} x_j) + lin_r(x_i)
    src = edge_index[0]
    dst = edge_index[1]
    n = x.shape[0]
    msgs = jnp.take(x, src, axis=0)                      # gather  [E, d]
    summed = jax.ops.segment_sum(msgs, dst, num_segments=n)  # scatter-add [N, d]
    cnt = jax.ops.segment_sum(jnp.ones((edge_index.shape[1],), x.dtype), dst, num_segments=n)
    agg = summed / jnp.maximum(cnt, 1.0)[:, None]
    return agg @ W_l + x @ W_r + b


def reference(x, edge_index, W1_l, W1_r, b1, W2_l, W2_r, b2):
    h = _sage_conv(x, edge_index, W1_l, W1_r, b1)
    h = jax.nn.relu(h)
    # dropout is identity in eval mode (training=False)
    out = _sage_conv(h, edge_index, W2_l, W2_r, b2)
    return out

if __name__ == "__main__":
    import jax
    _d = setup_inputs()
    print(jax.jit(kernel)(*tuple(_d.values())))

</pallas_src>

<mosaic_0001>
#map = affine_map<(d0, d1) -> (0, 0)>
#map1 = affine_map<(d0, d1) -> (0)>
module attributes {stable_mosaic.version = 14 : i64} {
  func.func @_sc_agg_body(%arg0: i32, %arg1: i32, %arg2: memref<20480x64xf32, #tpu.memory_space<hbm>>, %arg3: memref<5120x128xi32, #tpu.memory_space<hbm>>, %arg4: memref<2560x128xi32, #tpu.memory_space<hbm>>, %arg5: memref<20480x64xf32, #tpu.memory_space<hbm>>, %arg6: memref<20480xf32, #tpu.memory_space<hbm>>, %arg7: memref<10240x64xf32, #tpu.memory_space<vmem_shared>>, %arg8: memref<10240xf32, #tpu.memory_space<vmem_shared>>, %arg9: memref<160x128xi32, #tpu.memory_space<vmem>>, %arg10: memref<160x128xi32, #tpu.memory_space<vmem>>, %arg11: memref<128x64xf32, #tpu.memory_space<vmem>>, %arg12: memref<128x64xf32, #tpu.memory_space<vmem>>, %arg13: memref<128x64xf32, #tpu.memory_space<vmem>>, %arg14: memref<128x64xf32, #tpu.memory_space<vmem>>, %arg15: memref<128x64xf32, #tpu.memory_space<vmem>>, %arg16: memref<128xf32, #tpu.memory_space<vmem>>, %arg17: memref<640xf32, #tpu.memory_space<vmem>>, %arg18: memref<!tpu.dma_semaphore, #tpu.memory_space<semaphore_mem>>, %arg19: memref<!tpu.dma_semaphore, #tpu.memory_space<semaphore_mem>>, %arg20: memref<!tpu.dma_semaphore, #tpu.memory_space<semaphore_mem>>, %arg21: memref<!tpu.dma_semaphore, #tpu.memory_space<semaphore_mem>>, %arg22: memref<!tpu.dma_semaphore, #tpu.memory_space<semaphore_mem>>, %arg23: memref<!tpu.dma_semaphore, #tpu.memory_space<semaphore_mem>>, %arg24: memref<!tpu.dma_semaphore, #tpu.memory_space<semaphore_mem>>, %arg25: memref<!tpu.dma_semaphore, #tpu.memory_space<semaphore_mem>>, %arg26: memref<!tpu.dma_semaphore, #tpu.memory_space<semaphore_mem>>, %arg27: memref<!tpu.dma_semaphore, #tpu.memory_space<semaphore_mem>>, %arg28: memref<!tpu.dma_semaphore, #tpu.memory_space<semaphore_mem>>) attributes {dimension_semantics = [#tpu.dimension_semantics<core_parallel>, #tpu.dimension_semantics<subcore_parallel>], iteration_bounds = array<i64: 2, 16>, scalar_prefetch = 0 : i64, scratch_operands = 22 : i64, tpu.core_type = #tpu.core_type<sc_vector_subcore>, window_params = [{transform_indices = #map}, {transform_indices = #map}, {transform_indices = #map}, {transform_indices = #map}, {transform_indices = #map1}]} {
    %broadcast_in_dim3A = arith.constant 0.000000e+00 : f32
    %broadcast_in_dim3A_0 = vector.broadcast %broadcast_in_dim3A : f32 to vector<16xf32>
    %scan3A = arith.constant 0 : i32
    %scan3A_1 = arith.constant 0 : i32
    %scan3A_2 = arith.constant 128 : i32
    %scan3A_3 = arith.addi %scan3A_1, %scan3A_2 : i32
    %scan3A_4 = arith.constant 1 : i32
    scf.for %scan3A_269 = %scan3A_1 to %scan3A_3 step %scan3A_4  : i32 {
      %swap3A_270 = arith.index_cast %scan3A_269 : i32 to index
      %swap3A_271 = arith.constant 0 : index
      %swap3A_272 = tpu.vector_load %arg11[%swap3A_270, %swap3A_271] {strides = array<i32>} : memref<128x64xf32, #tpu.memory_space<vmem>>, vector<1x16xf32>,
      %swap3A_273 = vector.shape_cast %swap3A_272 : vector<1x16xf32> to vector<16xf32>
      %swap3A_274 = vector.shape_cast %broadcast_in_dim3A_0 : vector<16xf32> to vector<1x16xf32>
      tpu.vector_store %arg11[%swap3A_270, %swap3A_271], %swap3A_274 {strides = array<i32>} : memref<128x64xf32, #tpu.memory_space<vmem>>, vector<1x16xf32>,
      %swap3A_275 = arith.index_cast %scan3A_269 : i32 to index
      %swap3A_276 = arith.constant 16 : index
      %swap3A_277 = tpu.vector_load %arg11[%swap3A_275, %swap3A_276] {strides = array<i32>} : memref<128x64xf32, #tpu.memory_space<vmem>>, vector<1x16xf32>,
      %swap3A_278 = vector.shape_cast %swap3A_277 : vector<1x16xf32> to vector<16xf32>
      %swap3A_279 = vector.shape_cast %broadcast_in_dim3A_0 : vector<16xf32> to vector<1x16xf32>
      tpu.vector_store %arg11[%swap3A_275, %swap3A_276], %swap3A_279 {strides = array<i32>} : memref<128x64xf32, #tpu.memory_space<vmem>>, vector<1x16xf32>,
      %swap3A_280 = arith.index_cast %scan3A_269 : i32 to index
      %swap3A_281 = arith.constant 32 : index
      %swap3A_282 = tpu.vector_load %arg11[%swap3A_280, %swap3A_281] {strides = array<i32>} : memref<128x64xf32, #tpu.memory_space<vmem>>, vector<1x16xf32>,
      %swap3A_283 = vector.shape_cast %swap3A_282 : vector<1x16xf32> to vector<16xf32>
      %swap3A_284 = vector.shape_cast %broadcast_in_dim3A_0 : vector<16xf32> to vector<1x16xf32>
      tpu.vector_store %arg11[%swap3A_280, %swap3A_281], %swap3A_284 {strides = array<i32>} : memref<128x64xf32, #tpu.memory_space<vmem>>, vector<1x16xf32>,
      %swap3A_285 = arith.index_cast %scan3A_269 : i32 to index
      %swap3A_286 = arith.constant 48 : index
      %swap3A_287 = tpu.vector_load %arg11[%swap3A_285, %swap3A_286] {strides = array<i32>} : memref<128x64xf32, #tpu.memory_space<vmem>>, vector<1x16xf32>,
      %swap3A_288 = vector.shape_cast %swap3A_287 : vector<1x16xf32> to vector<16xf32>
      %swap3A_289 = vector.shape_cast %broadcast_in_dim3A_0 : vector<16xf32> to vector<1x16xf32>
      tpu.vector_store %arg11[%swap3A_285, %swap3A_286], %swap3A_289 {strides = array<i32>} : memref<128x64xf32, #tpu.memory_space<vmem>>, vector<1x16xf32>,
    }
    %scan3A_5 = arith.constant 128 : i32
    %mul3A = arith.constant 640 : i32
    %mul3A_6 = arith.muli %arg1, %mul3A : i32
    %add3A = arith.constant 0 : i32
    %add3A_7 = arith.addi %mul3A_6, %add3A : i32
    "tpu.region"() ({
      %run_scoped3A = tpu.sem_alloc : memref<!tpu.dma_semaphore, #tpu.memory_space<semaphore_mem>>
      %dma_start3A_269 = arith.constant 0 : i32
      %dma_start3A_270 = tpu.memref_slice %arg7[%add3A_7, %dma_start3A_269] : memref<10240x64xf32, #tpu.memory_space<vmem_shared>> -> memref<128x64xf32, #tpu.memory_space<vmem_shared>>
      %dma_start3A_271 = arith.constant 0 : i32
      %dma_start3A_272 = tpu.memref_slice %arg7[%add3A_7, %dma_start3A_271] : memref<10240x64xf32, #tpu.memory_space<vmem_shared>> -> memref<128x64xf32, #tpu.memory_space<vmem_shared>>
      tpu.enqueue_dma source(%arg11 : memref<128x64xf32, #tpu.memory_space<vmem>>) target(%dma_start3A_272 : memref<128x64xf32, #tpu.memory_space<vmem_shared>>) target_semaphore(%run_scoped3A : memref<!tpu.dma_semaphore, #tpu.memory_space<semaphore_mem>>)
      %dma_wait3A_273 = arith.constant 0 : i32
      %dma_wait3A_274 = tpu.memref_slice %arg7[%add3A_7, %dma_wait3A_273] : memref<10240x64xf32, #tpu.memory_space<vmem_shared>> -> memref<128x64xf32, #tpu.memory_space<vmem_shared>>
      %dma_wait3A_275 = arith.constant 0 : i32
      %dma_wait3A_276 = tpu.memref_slice %arg7[%add3A_7, %dma_wait3A_275] : memref<10240x64xf32, #tpu.memory_space<vmem_shared>> -> memref<128x64xf32, #tpu.memory_space<vmem_shared>>
      tpu.wait_dma2 semaphore(%run_scoped3A : memref<!tpu.dma_semaphore, #tpu.memory_space<semaphore_mem>>) src(%arg11 : memref<128x64xf32, #tpu.memory_space<vmem>>) dst(%dma_wait3A_276 : memref<128x64xf32, #tpu.memory_space<vmem_shared>>)
      tpu.yield
    }) : () -> ()
    %add3A_8 = arith.constant 128 : i32
    %add3A_9 = arith.addi %mul3A_6, %add3A_8 : i32
    "tpu.region"() ({
      %run_scoped3A = tpu.sem_alloc : memref<!tpu.dma_semaphore, #tpu.memory_space<semaphore_mem>>
      %dma_start3A_269 = arith.constant 0 : i32
      %dma_start3A_270 = tpu.memref_slice %arg7[%add3A_9, %dma_start3A_269] : memref<10240x64xf32, #tpu.memory_space<vmem_shared>> -> memref<128x64xf32, #tpu.memory_space<vmem_shared>>
      %dma_start3A_271 = arith.constant 0 : i32
      %dma_start3A_272 = tpu.memref_slice %arg7[%add3A_9, %dma_start3A_271] : memref<10240x64xf32, #tpu.memory_space<vmem_shared>> -> memref<128x64xf32, #tpu.memory_space<vmem_shared>>
      tpu.enqueue_dma source(%arg11 : memref<128x64xf32, #tpu.memory_space<vmem>>) target(%dma_start3A_272 : memref<128x64xf32, #tpu.memory_space<vmem_shared>>) target_semaphore(%run_scoped3A : memref<!tpu.dma_semaphore, #tpu.memory_space<semaphore_mem>>)
      %dma_wait3A_273 = arith.constant 0 : i32
      %dma_wait3A_274 = tpu.memref_slice %arg7[%add3A_9, %dma_wait3A_273] : memref<10240x64xf32, #tpu.memory_space<vmem_shared>> -> memref<128x64xf32, #tpu.memory_space<vmem_shared>>
      %dma_wait3A_275 = arith.constant 0 : i32
      %dma_wait3A_276 = tpu.memref_slice %arg7[%add3A_9, %dma_wait3A_275] : memref<10240x64xf32, #tpu.memory_space<vmem_shared>> -> memref<128x64xf32, #tpu.memory_space<vmem_shared>>
      tpu.wait_dma2 semaphore(%run_scoped3A : memref<!tpu.dma_semaphore, #tpu.memory_space<semaphore_mem>>) src(%arg11 : memref<128x64xf32, #tpu.memory_space<vmem>>) dst(%dma_wait3A_276 : memref<128x64xf32, #tpu.memory_space<vmem_shared>>)
      tpu.yield
    }) : () -> ()
    %add3A_10 = arith.constant 256 : i32
    %add3A_11 = arith.addi %mul3A_6, %add3A_10 : i32
    "tpu.region"() ({
      %run_scoped3A = tpu.sem_alloc : memref<!tpu.dma_semaphore, #tpu.memory_space<semaphore_mem>>
      %dma_start3A_269 = arith.constant 0 : i32
      %dma_start3A_270 = tpu.memref_slice %arg7[%add3A_11, %dma_start3A_269] : memref<10240x64xf32, #tpu.memory_space<vmem_shared>> -> memref<128x64xf32, #tpu.memory_space<vmem_shared>>
      %dma_start3A_271 = arith.constant 0 : i32
      %dma_start3A_272 = tpu.memref_slice %arg7[%add3A_11, %dma_start3A_271] : memref<10240x64xf32, #tpu.memory_space<vmem_shared>> -> memref<128x64xf32, #tpu.memory_space<vmem_shared>>
      tpu.enqueue_dma source(%arg11 : memref<128x64xf32, #tpu.memory_space<vmem>>) target(%dma_start3A_272 : memref<128x64xf32, #tpu.memory_space<vmem_shared>>) target_semaphore(%run_scoped3A : memref<!tpu.dma_semaphore, #tpu.memory_space<semaphore_mem>>)
      %dma_wait3A_273 = arith.constant 0 : i32
      %dma_wait3A_274 = tpu.memref_slice %arg7[%add3A_11, %dma_wait3A_273] : memref<10240x64xf32, #tpu.memory_space<vmem_shared>> -> memref<128x64xf32, #tpu.memory_space<vmem_shared>>
      %dma_wait3A_275 = arith.constant 0 : i32
      %dma_wait3A_276 = tpu.memref_slice %arg7[%add3A_11, %dma_wait3A_275] : memref<10240x64xf32, #tpu.memory_space<vmem_shared>> -> memref<128x64xf32, #tpu.memory_space<vmem_shared>>
      tpu.wait_dma2 semaphore(%run_scoped3A : memref<!tpu.dma_semaphore, #tpu.memory_space<semaphore_mem>>) src(%arg11 : memref<128x64xf32, #tpu.memory_space<vmem>>) dst(%dma_wait3A_276 : memref<128x64xf32, #tpu.memory_space<vmem_shared>>)
      tpu.yield
    }) : () -> ()
    %add3A_12 = arith.constant 384 : i32
    %add3A_13 = arith.addi %mul3A_6, %add3A_12 : i32
    "tpu.region"() ({
      %run_scoped3A = tpu.sem_alloc : memref<!tpu.dma_semaphore, #tpu.memory_space<semaphore_mem>>
      %dma_start3A_269 = arith.constant 0 : i32
      %dma_start3A_270 = tpu.memref_slice %arg7[%add3A_13, %dma_start3A_269] : memref<10240x64xf32, #tpu.memory_space<vmem_shared>> -> memref<128x64xf32, #tpu.memory_space<vmem_shared>>
      %dma_start3A_271 = arith.constant 0 : i32
      %dma_start3A_272 = tpu.memref_slice %arg7[%add3A_13, %dma_start3A_271] : memref<10240x64xf32, #tpu.memory_space<vmem_shared>> -> memref<128x64xf32, #tpu.memory_space<vmem_shared>>
      tpu.enqueue_dma source(%arg11 : memref<128x64xf32, #tpu.memory_space<vmem>>) target(%dma_start3A_272 : memref<128x64xf32, #tpu.memory_space<vmem_shared>>) target_semaphore(%run_scoped3A : memref<!tpu.dma_semaphore, #tpu.memory_space<semaphore_mem>>)
      %dma_wait3A_273 = arith.constant 0 : i32
      %dma_wait3A_274 = tpu.memref_slice %arg7[%add3A_13, %dma_wait3A_273] : memref<10240x64xf32, #tpu.memory_space<vmem_shared>> -> memref<128x64xf32, #tpu.memory_space<vmem_shared>>
      %dma_wait3A_275 = arith.constant 0 : i32
      %dma_wait3A_276 = tpu.memref_slice %arg7[%add3A_13, %dma_wait3A_275] : memref<10240x64xf32, #tpu.memory_space<vmem_shared>> -> memref<128x64xf32, #tpu.memory_space<vmem_shared>>
      tpu.wait_dma2 semaphore(%run_scoped3A : memref<!tpu.dma_semaphore, #tpu.memory_space<semaphore_mem>>) src(%arg11 : memref<128x64xf32, #tpu.memory_space<vmem>>) dst(%dma_wait3A_276 : memref<128x64xf32, #tpu.memory_space<vmem_shared>>)
      tpu.yield
    }) : () -> ()
    %add3A_14 = arith.constant 512 : i32
    %add3A_15 = arith.addi %mul3A_6, %add3A_14 : i32
    "tpu.region"() ({
      %run_scoped3A = tpu.sem_alloc : memref<!tpu.dma_semaphore, #tpu.memory_space<semaphore_mem>>
      %dma_start3A_269 = arith.constant 0 : i32
      %dma_start3A_270 = tpu.memref_slice %arg7[%add3A_15, %dma_start3A_269] : memref<10240x64xf32, #tpu.memory_space<vmem_shared>> -> memref<128x64xf32, #tpu.memory_space<vmem_shared>>
      %dma_start3A_271 = arith.constant 0 : i32
      %dma_start3A_272 = tpu.memref_slice %arg7[%add3A_15, %dma_start3A_271] : memref<10240x64xf32, #tpu.memory_space<vmem_shared>> -> memref<128x64xf32, #tpu.memory_space<vmem_shared>>
      tpu.enqueue_dma source(%arg11 : memref<128x64xf32, #tpu.memory_space<vmem>>) target(%dma_start3A_272 : memref<128x64xf32, #tpu.memory_space<vmem_shared>>) target_semaphore(%run_scoped3A : memref<!tpu.dma_semaphore, #tpu.memory_space<semaphore_mem>>)
      %dma_wait3A_273 = arith.constant 0 : i32
      %dma_wait3A_274 = tpu.memref_slice %arg7[%add3A_15, %dma_wait3A_273] : memref<10240x64xf32, #tpu.memory_space<vmem_shared>> -> memref<128x64xf32, #tpu.memory_space<vmem_shared>>
      %dma_wait3A_275 = arith.constant 0 : i32
      %dma_wait3A_276 = tpu.memref_slice %arg7[%add3A_15, %dma_wait3A_275] : memref<10240x64xf32, #tpu.memory_space<vmem_shared>> -> memref<128x64xf32, #tpu.memory_space<vmem_shared>>
      tpu.wait_dma2 semaphore(%run_scoped3A : memref<!tpu.dma_semaphore, #tpu.memory_space<semaphore_mem>>) src(%arg11 : memref<128x64xf32, #tpu.memory_space<vmem>>) dst(%dma_wait3A_276 : memref<128x64xf32, #tpu.memory_space<vmem_shared>>)
      tpu.yield
    }) : () -> ()
    %broadcast_in_dim3A_16 = arith.constant 1.000000e+00 : f32
    %broadcast_in_dim3A_17 = vector.broadcast %broadcast_in_dim3A_16 : f32 to vector<16xf32>
    %scan3A_18 = arith.constant 0 : i32
    %scan3A_19 = arith.constant 0 : i32
    %scan3A_20 = arith.constant 40 : i32
    %scan3A_21 = arith.addi %scan3A_19, %scan3A_20 : i32
    %scan3A_22 = arith.constant 1 : i32
    scf.for %scan3A_269 = %scan3A_19 to %scan3A_21 step %scan3A_22  : i32 {
      %mul3A_270 = arith.constant 16 : i32
      %mul3A_271 = arith.muli %scan3A_269, %mul3A_270 : i32
      %swap3A_272 = arith.index_cast %mul3A_271 : i32 to index
      %swap3A_273 = tpu.vector_load %arg17[%swap3A_272] {strides = array<i32>} : memref<640xf32, #tpu.memory_space<vmem>>, vector<16xf32>,
      %swap3A_274 = vector.shape_cast %swap3A_273 : vector<16xf32> to vector<16xf32>
      %swap3A_275 = vector.shape_cast %broadcast_in_dim3A_0 : vector<16xf32> to vector<16xf32>
      tpu.vector_store %arg17[%swap3A_272], %swap3A_275 {strides = array<i32>} : memref<640xf32, #tpu.memory_space<vmem>>, vector<16xf32>,
    }
    %scan3A_23 = arith.constant 40 : i32
    %swap3A = arith.constant 0 : index
    %swap3A_24 = tpu.vector_load %arg16[%swap3A] {strides = array<i32>} : memref<128xf32, #tpu.memory_space<vmem>>, vector<16xf32>,
    %swap3A_25 = vector.shape_cast %swap3A_24 : vector<16xf32> to vector<16xf32>
    %swap3A_26 = vector.shape_cast %broadcast_in_dim3A_17 : vector<16xf32> to vector<16xf32>
    tpu.vector_store %arg16[%swap3A], %swap3A_26 {strides = array<i32>} : memref<128xf32, #tpu.memory_space<vmem>>, vector<16xf32>,
    %swap3A_27 = arith.constant 16 : index
    %swap3A_28 = tpu.vector_load %arg16[%swap3A_27] {strides = array<i32>} : memref<128xf32, #tpu.memory_space<vmem>>, vector<16xf32>,
    %swap3A_29 = vector.shape_cast %swap3A_28 : vector<16xf32> to vector<16xf32>
    %swap3A_30 = vector.shape_cast %broadcast_in_dim3A_17 : vector<16xf32> to vector<16xf32>
    tpu.vector_store %arg16[%swap3A_27], %swap3A_30 {strides = array<i32>} : memref<128xf32, #tpu.memory_space<vmem>>, vector<16xf32>,
    %swap3A_31 = arith.constant 32 : index
    %swap3A_32 = tpu.vector_load %arg16[%swap3A_31] {strides = array<i32>} : memref<128xf32, #tpu.memory_space<vmem>>, vector<16xf32>,
    %swap3A_33 = vector.shape_cast %swap3A_32 : vector<16xf32> to vector<16xf32>
    %swap3A_34 = vector.shape_cast %broadcast_in_dim3A_17 : vector<16xf32> to vector<16xf32>
    tpu.vector_store %arg16[%swap3A_31], %swap3A_34 {strides = array<i32>} : memref<128xf32, #tpu.memory_space<vmem>>, vector<16xf32>,
    %swap3A_35 = arith.constant 48 : index
    %swap3A_36 = tpu.vector_load %arg16[%swap3A_35] {strides = array<i32>} : memref<128xf32, #tpu.memory_space<vmem>>, vector<16xf32>,
    %swap3A_37 = vector.shape_cast %swap3A_36 : vector<16xf32> to vector<16xf32>
    %swap3A_38 = vector.shape_cast %broadcast_in_dim3A_17 : vector<16xf32> to vector<16xf32>
    tpu.vector_store %arg16[%swap3A_35], %swap3A_38 {strides = array<i32>} : memref<128xf32, #tpu.memory_space<vmem>>, vector<16xf32>,
    %swap3A_39 = arith.constant 64 : index
    %swap3A_40 = tpu.vector_load %arg16[%swap3A_39] {strides = array<i32>} : memref<128xf32, #tpu.memory_space<vmem>>, vector<16xf32>,
    %swap3A_41 = vector.shape_cast %swap3A_40 : vector<16xf32> to vector<16xf32>
    %swap3A_42 = vector.shape_cast %broadcast_in_dim3A_17 : vector<16xf32> to vector<16xf32>
    tpu.vector_store %arg16[%swap3A_39], %swap3A_42 {strides = array<i32>} : memref<128xf32, #tpu.memory_space<vmem>>, vector<16xf32>,
    %swap3A_43 = arith.constant 80 : index
    %swap3A_44 = tpu.vector_load %arg16[%swap3A_43] {strides = array<i32>} : memref<128xf32, #tpu.memory_space<vmem>>, vector<16xf32>,
    %swap3A_45 = vector.shape_cast %swap3A_44 : vector<16xf32> to vector<16xf32>
    %swap3A_46 = vector.shape_cast %broadcast_in_dim3A_17 : vector<16xf32> to vector<16xf32>
    tpu.vector_store %arg16[%swap3A_43], %swap3A_46 {strides = array<i32>} : memref<128xf32, #tpu.memory_space<vmem>>, vector<16xf32>,
    %swap3A_47 = arith.constant 96 : index
    %swap3A_48 = tpu.vector_load %arg16[%swap3A_47] {strides = array<i32>} : memref<128xf32, #tpu.memory_space<vmem>>, vector<16xf32>,
    %swap3A_49 = vector.shape_cast %swap3A_48 : vector<16xf32> to vector<16xf32>
    %swap3A_50 = vector.shape_cast %broadcast_in_dim3A_17 : vector<16xf32> to vector<16xf32>
    tpu.vector_store %arg16[%swap3A_47], %swap3A_50 {strides = array<i32>} : memref<128xf32, #tpu.memory_space<vmem>>, vector<16xf32>,
    %swap3A_51 = arith.constant 112 : index
    %swap3A_52 = tpu.vector_load %arg16[%swap3A_51] {strides = array<i32>} : memref<128xf32, #tpu.memory_space<vmem>>, vector<16xf32>,
    %swap3A_53 = vector.shape_cast %swap3A_52 : vector<16xf32> to vector<16xf32>
    %swap3A_54 = vector.shape_cast %broadcast_in_dim3A_17 : vector<16xf32> to vector<16xf32>
    tpu.vector_store %arg16[%swap3A_51], %swap3A_54 {strides = array<i32>} : memref<128xf32, #tpu.memory_space<vmem>>, vector<16xf32>,
    "tpu.region"() ({
      %run_scoped3A = tpu.sem_alloc : memref<!tpu.dma_semaphore, #tpu.memory_space<semaphore_mem>>
      %dma_start3A_269 = tpu.memref_slice %arg8[%mul3A_6] : memref<10240xf32, #tpu.memory_space<vmem_shared>> -> memref<640xf32, #tpu.memory_space<vmem_shared>>
      %dma_start3A_270 = tpu.memref_slice %arg8[%mul3A_6] : memref<10240xf32, #tpu.memory_space<vmem_shared>> -> memref<640xf32, #tpu.memory_space<vmem_shared>>
      tpu.enqueue_dma source(%arg17 : memref<640xf32, #tpu.memory_space<vmem>>) target(%dma_start3A_270 : memref<640xf32, #tpu.memory_space<vmem_shared>>) target_semaphore(%run_scoped3A : memref<!tpu.dma_semaphore, #tpu.memory_space<semaphore_mem>>)
      %dma_wait3A_271 = tpu.memref_slice %arg8[%mul3A_6] : memref<10240xf32, #tpu.memory_space<vmem_shared>> -> memref<640xf32, #tpu.memory_space<vmem_shared>>
      %dma_wait3A_272 = tpu.memref_slice %arg8[%mul3A_6] : memref<10240xf32, #tpu.memory_space<vmem_shared>> -> memref<640xf32, #tpu.memory_space<vmem_shared>>
      tpu.wait_dma2 semaphore(%run_scoped3A : memref<!tpu.dma_semaphore, #tpu.memory_space<semaphore_mem>>) src(%arg17 : memref<640xf32, #tpu.memory_space<vmem>>) dst(%dma_wait3A_272 : memref<640xf32, #tpu.memory_space<vmem_shared>>)
      tpu.yield
    }) : () -> ()
    %mul3A_55 = arith.constant 16 : i32
    %mul3A_56 = arith.muli %arg0, %mul3A_55 : i32
    %mul3A_57 = arith.constant 160 : i32
    %mul3A_58 = arith.muli %mul3A_56, %mul3A_57 : i32
    %mul3A_59 = arith.constant 160 : i32
    %mul3A_60 = arith.muli %arg1, %mul3A_59 : i32
    %add3A_61 = arith.addi %mul3A_58, %mul3A_60 : i32
    "tpu.region"() ({
      %run_scoped3A = tpu.sem_alloc : memref<!tpu.dma_semaphore, #tpu.memory_space<semaphore_mem>>
      %dma_start3A_269 = arith.constant 0 : i32
      %dma_start3A_270 = tpu.memref_slice %arg3[%add3A_61, %dma_start3A_269] : memref<5120x128xi32, #tpu.memory_space<hbm>> -> memref<160x128xi32, #tpu.memory_space<hbm>>
      %dma_start3A_271 = arith.constant 0 : i32
      %dma_start3A_272 = tpu.memref_slice %arg3[%add3A_61, %dma_start3A_271] : memref<5120x128xi32, #tpu.memory_space<hbm>> -> memref<160x128xi32, #tpu.memory_space<hbm>>
      tpu.enqueue_dma source(%dma_start3A_272 : memref<160x128xi32, #tpu.memory_space<hbm>>) target(%arg9 : memref<160x128xi32, #tpu.memory_space<vmem>>) target_semaphore(%run_scoped3A : memref<!tpu.dma_semaphore, #tpu.memory_space<semaphore_mem>>)
      %dma_wait3A_273 = arith.constant 0 : i32
      %dma_wait3A_274 = tpu.memref_slice %arg3[%add3A_61, %dma_wait3A_273] : memref<5120x128xi32, #tpu.memory_space<hbm>> -> memref<160x128xi32, #tpu.memory_space<hbm>>
      %dma_wait3A_275 = arith.constant 0 : i32
      %dma_wait3A_276 = tpu.memref_slice %arg3[%add3A_61, %dma_wait3A_275] : memref<5120x128xi32, #tpu.memory_space<hbm>> -> memref<160x128xi32, #tpu.memory_space<hbm>>
      tpu.wait_dma2 semaphore(%run_scoped3A : memref<!tpu.dma_semaphore, #tpu.memory_space<semaphore_mem>>) src(%dma_wait3A_276 : memref<160x128xi32, #tpu.memory_space<hbm>>) dst(%arg9 : memref<160x128xi32, #tpu.memory_space<vmem>>)
      tpu.yield
    }) : () -> ()
    %mul3A_62 = arith.constant 160 : i32
    %mul3A_63 = arith.muli %arg1, %mul3A_62 : i32
    "tpu.region"() ({
      %run_scoped3A = tpu.sem_alloc : memref<!tpu.dma_semaphore, #tpu.memory_space<semaphore_mem>>
      %dma_start3A_269 = arith.constant 0 : i32
      %dma_start3A_270 = tpu.memref_slice %arg4[%mul3A_63, %dma_start3A_269] : memref<2560x128xi32, #tpu.memory_space<hbm>> -> memref<160x128xi32, #tpu.memory_space<hbm>>
      %dma_start3A_271 = arith.constant 0 : i32
      %dma_start3A_272 = tpu.memref_slice %arg4[%mul3A_63, %dma_start3A_271] : memref<2560x128xi32, #tpu.memory_space<hbm>> -> memref<160x128xi32, #tpu.memory_space<hbm>>
      tpu.enqueue_dma source(%dma_start3A_272 : memref<160x128xi32, #tpu.memory_space<hbm>>) target(%arg10 : memref<160x128xi32, #tpu.memory_space<vmem>>) target_semaphore(%run_scoped3A : memref<!tpu.dma_semaphore, #tpu.memory_space<semaphore_mem>>)
      %dma_wait3A_273 = arith.constant 0 : i32
      %dma_wait3A_274 = tpu.memref_slice %arg4[%mul3A_63, %dma_wait3A_273] : memref<2560x128xi32, #tpu.memory_space<hbm>> -> memref<160x128xi32, #tpu.memory_space<hbm>>
      %dma_wait3A_275 = arith.constant 0 : i32
      %dma_wait3A_276 = tpu.memref_slice %arg4[%mul3A_63, %dma_wait3A_275] : memref<2560x128xi32, #tpu.memory_space<hbm>> -> memref<160x128xi32, #tpu.memory_space<hbm>>
      tpu.wait_dma2 semaphore(%run_scoped3A : memref<!tpu.dma_semaphore, #tpu.memory_space<semaphore_mem>>) src(%dma_wait3A_276 : memref<160x128xi32, #tpu.memory_space<hbm>>) dst(%arg10 : memref<160x128xi32, #tpu.memory_space<vmem>>)
      tpu.yield
    }) : () -> ()
    %dma_start3A = arith.constant 0 : i32
    %dma_start3A_64 = arith.constant 0 : i32
    %dma_start3A_65 = tpu.memref_slice %arg9[%dma_start3A, %dma_start3A_64] : memref<160x128xi32, #tpu.memory_space<vmem>> -> memref<1x128xi32, #tpu.memory_space<vmem>>
    %dma_start3A_66 = tpu.memref_squeeze %dma_start3A_65 : memref<1x128xi32, #tpu.memory_space<vmem>> -> memref<128xi32, #tpu.memory_space<vmem>>
    %dma_start3A_67 = arith.constant 0 : i32
    %dma_start3A_68 = arith.constant 0 : i32
    %dma_start3A_69 = tpu.memref_slice %arg2[%dma_start3A_67, %dma_start3A_68] : memref<20480x64xf32, #tpu.memory_space<hbm>> -> memref<20480x64xf32, #tpu.memory_space<hbm>>
    tpu.enqueue_indirect_dma source(%dma_start3A_69 : memref<20480x64xf32, #tpu.memory_space<hbm>>) target(%arg11 : memref<128x64xf32, #tpu.memory_space<vmem>>) offsets(%dma_start3A_66 : memref<128xi32, #tpu.memory_space<vmem>>) semaphore(%arg18 : memref<!tpu.dma_semaphore, #tpu.memory_space<semaphore_mem>>)
    %dma_start3A_70 = arith.constant 1 : i32
    %dma_start3A_71 = arith.constant 0 : i32
    %dma_start3A_72 = tpu.memref_slice %arg9[%dma_start3A_70, %dma_start3A_71] : memref<160x128xi32, #tpu.memory_space<vmem>> -> memref<1x128xi32, #tpu.memory_space<vmem>>
    %dma_start3A_73 = tpu.memref_squeeze %dma_start3A_72 : memref<1x128xi32, #tpu.memory_space<vmem>> -> memref<128xi32, #tpu.memory_space<vmem>>
    %dma_start3A_74 = arith.constant 0 : i32
    %dma_start3A_75 = arith.constant 0 : i32
    %dma_start3A_76 = tpu.memref_slice %arg2[%dma_start3A_74, %dma_start3A_75] : memref<20480x64xf32, #tpu.memory_space<hbm>> -> memref<20480x64xf32, #tpu.memory_space<hbm>>
    tpu.enqueue_indirect_dma source(%dma_start3A_76 : memref<20480x64xf32, #tpu.memory_space<hbm>>) target(%arg12 : memref<128x64xf32, #tpu.memory_space<vmem>>) offsets(%dma_start3A_73 : memref<128xi32, #tpu.memory_space<vmem>>) semaphore(%arg19 : memref<!tpu.dma_semaphore, #tpu.memory_space<semaphore_mem>>)
    %dma_start3A_77 = arith.constant 2 : i32
    %dma_start3A_78 = arith.constant 0 : i32
    %dma_start3A_79 = tpu.memref_slice %arg9[%dma_start3A_77, %dma_start3A_78] : memref<160x128xi32, #tpu.memory_space<vmem>> -> memref<1x128xi32, #tpu.memory_space<vmem>>
    %dma_start3A_80 = tpu.memref_squeeze %dma_start3A_79 : memref<1x128xi32, #tpu.memory_space<vmem>> -> memref<128xi32, #tpu.memory_space<vmem>>
    %dma_start3A_81 = arith.constant 0 : i32
    %dma_start3A_82 = arith.constant 0 : i32
    %dma_start3A_83 = tpu.memref_slice %arg2[%dma_start3A_81, %dma_start3A_82] : memref<20480x64xf32, #tpu.memory_space<hbm>> -> memref<20480x64xf32, #tpu.memory_space<hbm>>
    tpu.enqueue_indirect_dma source(%dma_start3A_83 : memref<20480x64xf32, #tpu.memory_space<hbm>>) target(%arg13 : memref<128x64xf32, #tpu.memory_space<vmem>>) offsets(%dma_start3A_80 : memref<128xi32, #tpu.memory_space<vmem>>) semaphore(%arg20 : memref<!tpu.dma_semaphore, #tpu.memory_space<semaphore_mem>>)
    %dma_start3A_84 = arith.constant 3 : i32
    %dma_start3A_85 = arith.constant 0 : i32
    %dma_start3A_86 = tpu.memref_slice %arg9[%dma_start3A_84, %dma_start3A_85] : memref<160x128xi32, #tpu.memory_space<vmem>> -> memref<1x128xi32, #tpu.memory_space<vmem>>
    %dma_start3A_87 = tpu.memref_squeeze %dma_start3A_86 : memref<1x128xi32, #tpu.memory_space<vmem>> -> memref<128xi32, #tpu.memory_space<vmem>>
    %dma_start3A_88 = arith.constant 0 : i32
    %dma_start3A_89 = arith.constant 0 : i32
    %dma_start3A_90 = tpu.memref_slice %arg2[%dma_start3A_88, %dma_start3A_89] : memref<20480x64xf32, #tpu.memory_space<hbm>> -> memref<20480x64xf32, #tpu.memory_space<hbm>>
    tpu.enqueue_indirect_dma source(%dma_start3A_90 : memref<20480x64xf32, #tpu.memory_space<hbm>>) target(%arg14 : memref<128x64xf32, #tpu.memory_space<vmem>>) offsets(%dma_start3A_87 : memref<128xi32, #tpu.memory_space<vmem>>) semaphore(%arg21 : memref<!tpu.dma_semaphore, #tpu.memory_space<semaphore_mem>>)
    %dma_start3A_91 = arith.constant 4 : i32
    %dma_start3A_92 = arith.constant 0 : i32
    %dma_start3A_93 = tpu.memref_slice %arg9[%dma_start3A_91, %dma_start3A_92] : memref<160x128xi32, #tpu.memory_space<vmem>> -> memref<1x128xi32, #tpu.memory_space<vmem>>
    %dma_start3A_94 = tpu.memref_squeeze %dma_start3A_93 : memref<1x128xi32, #tpu.memory_space<vmem>> -> memref<128xi32, #tpu.memory_space<vmem>>
    %dma_start3A_95 = arith.constant 0 : i32
    %dma_start3A_96 = arith.constant 0 : i32
    %dma_start3A_97 = tpu.memref_slice %arg2[%dma_start3A_95, %dma_start3A_96] : memref<20480x64xf32, #tpu.memory_space<hbm>> -> memref<20480x64xf32, #tpu.memory_space<hbm>>
    tpu.enqueue_indirect_dma source(%dma_start3A_97 : memref<20480x64xf32, #tpu.memory_space<hbm>>) target(%arg15 : memref<128x64xf32, #tpu.memory_space<vmem>>) offsets(%dma_start3A_94 : memref<128xi32, #tpu.memory_space<vmem>>) semaphore(%arg22 : memref<!tpu.dma_semaphore, #tpu.memory_space<semaphore_mem>>)
    %barrier3A = arith.constant 0 : index
    tpu.barrier barrier_id(%barrier3A)
    %scan3A_98 = arith.constant 0 : i32
    %scan3A_99 = arith.constant 0 : i32
    %scan3A_100 = arith.constant 31 : i32
    %scan3A_101 = arith.addi %scan3A_99, %scan3A_100 : i32
    %scan3A_102 = arith.constant 1 : i32
    scf.for %scan3A_269 = %scan3A_99 to %scan3A_101 step %scan3A_102  : i32 {
      %mul3A_270 = arith.constant 5 : i32
      %mul3A_271 = arith.muli %mul3A_270, %scan3A_269 : i32
      %add3A_272 = arith.constant 0 : i32
      %add3A_273 = arith.addi %mul3A_271, %add3A_272 : i32
      %dma_wait3A_274 = arith.constant 0 : i32
      %dma_wait3A_275 = tpu.memref_slice %arg9[%add3A_273, %dma_wait3A_274] : memref<160x128xi32, #tpu.memory_space<vmem>> -> memref<1x128xi32, #tpu.memory_space<vmem>>
      %dma_wait3A_276 = tpu.memref_squeeze %dma_wait3A_275 : memref<1x128xi32, #tpu.memory_space<vmem>> -> memref<128xi32, #tpu.memory_space<vmem>>
      %dma_wait3A_277 = arith.constant 0 : i32
      %dma_wait3A_278 = arith.constant 0 : i32
      %dma_wait3A_279 = tpu.memref_slice %arg2[%dma_wait3A_277, %dma_wait3A_278] : memref<20480x64xf32, #tpu.memory_space<hbm>> -> memref<20480x64xf32, #tpu.memory_space<hbm>>
      tpu.wait_indirect_dma semaphore(%arg18 : memref<!tpu.dma_semaphore, #tpu.memory_space<semaphore_mem>>) src(%dma_wait3A_279 : memref<20480x64xf32, #tpu.memory_space<hbm>>) dst(%arg11 : memref<128x64xf32, #tpu.memory_space<vmem>>)
      %dma_start3A_280 = arith.constant 0 : i32
      %dma_start3A_281 = tpu.memref_slice %arg10[%add3A_273, %dma_start3A_280] : memref<160x128xi32, #tpu.memory_space<vmem>> -> memref<1x128xi32, #tpu.memory_space<vmem>>
      %dma_start3A_282 = tpu.memref_squeeze %dma_start3A_281 : memref<1x128xi32, #tpu.memory_space<vmem>> -> memref<128xi32, #tpu.memory_space<vmem>>
      %dma_start3A_283 = arith.constant 0 : i32
      %dma_start3A_284 = arith.constant 0 : i32
      %dma_start3A_285 = tpu.memref_slice %arg7[%dma_start3A_283, %dma_start3A_284] : memref<10240x64xf32, #tpu.memory_space<vmem_shared>> -> memref<10240x64xf32, #tpu.memory_space<vmem_shared>>
      tpu.enqueue_indirect_dma source(%arg11 : memref<128x64xf32, #tpu.memory_space<vmem>>) target(%dma_start3A_285 : memref<10240x64xf32, #tpu.memory_space<vmem_shared>>) offsets(%dma_start3A_282 : memref<128xi32, #tpu.memory_space<vmem>>) semaphore(%arg23 : memref<!tpu.dma_semaphore, #tpu.memory_space<semaphore_mem>>) {add = true}
      %rem3A_286 = arith.constant 2 : i32
      %rem3A_287 = arith.remsi %add3A_273, %rem3A_286 : i32
      %eq3A_288 = arith.cmpi eq, %rem3A_287, %arg0 : i32
      %convert_element_type3A_289 = arith.extui %eq3A_288 : i1 to i32
      %cond3A_290 = arith.constant 0 : i32
      %cond3A_291 = arith.cmpi ne, %convert_element_type3A_289, %cond3A_290 : i32
      scf.if %cond3A_291 {
        %dma_start3A_470 = arith.constant 0 : i32
        %dma_start3A_471 = tpu.memref_slice %arg10[%add3A_273, %dma_start3A_470] : memref<160x128xi32, #tpu.memory_space<vmem>> -> memref<1x128xi32, #tpu.memory_space<vmem>>
        %dma_start3A_472 = tpu.memref_squeeze %dma_start3A_471 : memref<1x128xi32, #tpu.memory_space<vmem>> -> memref<128xi32, #tpu.memory_space<vmem>>
        %dma_start3A_473 = arith.constant 0 : i32
        %dma_start3A_474 = tpu.memref_slice %arg8[%dma_start3A_473] : memref<10240xf32, #tpu.memory_space<vmem_shared>> -> memref<10240xf32, #tpu.memory_space<vmem_shared>>
        tpu.enqueue_indirect_dma source(%arg16 : memref<128xf32, #tpu.memory_space<vmem>>) target(%dma_start3A_474 : memref<10240xf32, #tpu.memory_space<vmem_shared>>) offsets(%dma_start3A_472 : memref<128xi32, #tpu.memory_space<vmem>>) semaphore(%arg28 : memref<!tpu.dma_semaphore, #tpu.memory_space<semaphore_mem>>) {add = true}
      } else {
      }
      %mul3A_292 = arith.constant 5 : i32
      %mul3A_293 = arith.muli %mul3A_292, %scan3A_269 : i32
      %add3A_294 = arith.constant 1 : i32
      %add3A_295 = arith.addi %mul3A_293, %add3A_294 : i32
      %dma_wait3A_296 = arith.constant 0 : i32
      %dma_wait3A_297 = tpu.memref_slice %arg9[%add3A_295, %dma_wait3A_296] : memref<160x128xi32, #tpu.memory_space<vmem>> -> memref<1x128xi32, #tpu.memory_space<vmem>>
      %dma_wait3A_298 = tpu.memref_squeeze %dma_wait3A_297 : memref<1x128xi32, #tpu.memory_space<vmem>> -> memref<128xi32, #tpu.memory_space<vmem>>
      %dma_wait3A_299 = arith.constant 0 : i32
      %dma_wait3A_300 = arith.constant 0 : i32
      %dma_wait3A_301 = tpu.memref_slice %arg2[%dma_wait3A_299, %dma_wait3A_300] : memref<20480x64xf32, #tpu.memory_space<hbm>> -> memref<20480x64xf32, #tpu.memory_space<hbm>>
      tpu.wait_indirect_dma semaphore(%arg19 : memref<!tpu.dma_semaphore, #tpu.memory_space<semaphore_mem>>) src(%dma_wait3A_301 : memref<20480x64xf32, #tpu.memory_space<hbm>>) dst(%arg12 : memref<128x64xf32, #tpu.memory_space<vmem>>)
      %dma_start3A_302 = arith.constant 0 : i32
      %dma_start3A_303 = tpu.memref_slice %arg10[%add3A_295, %dma_start3A_302] : memref<160x128xi32, #tpu.memory_space<vmem>> -> memref<1x128xi32, #tpu.memory_space<vmem>>
      %dma_start3A_304 = tpu.memref_squeeze %dma_start3A_303 : memref<1x128xi32, #tpu.memory_space<vmem>> -> memref<128xi32, #tpu.memory_space<vmem>>
      %dma_start3A_305 = arith.constant 0 : i32
      %dma_start3A_306 = arith.constant 0 : i32
      %dma_start3A_307 = tpu.memref_slice %arg7[%dma_start3A_305, %dma_start3A_306] : memref<10240x64xf32, #tpu.memory_space<vmem_shared>> -> memref<10240x64xf32, #tpu.memory_space<vmem_shared>>
      tpu.enqueue_indirect_dma source(%arg12 : memref<128x64xf32, #tpu.memory_space<vmem>>) target(%dma_start3A_307 : memref<10240x64xf32, #tpu.memory_space<vmem_shared>>) offsets(%dma_start3A_304 : memref<128xi32, #tpu.memory_space<vmem>>) semaphore(%arg24 : memref<!tpu.dma_semaphore, #tpu.memory_space<semaphore_mem>>) {add = true}
      %rem3A_308 = arith.constant 2 : i32
      %rem3A_309 = arith.remsi %add3A_295, %rem3A_308 : i32
      %eq3A_310 = arith.cmpi eq, %rem3A_309, %arg0 : i32
      %convert_element_type3A_311 = arith.extui %eq3A_310 : i1 to i32
      %cond3A_312 = arith.constant 0 : i32
      %cond3A_313 = arith.cmpi ne, %convert_element_type3A_311, %cond3A_312 : i32
      scf.if %cond3A_313 {
        %dma_start3A_470 = arith.constant 0 : i32
        %dma_start3A_471 = tpu.memref_slice %arg10[%add3A_295, %dma_start3A_470] : memref<160x128xi32, #tpu.memory_space<vmem>> -> memref<1x128xi32, #tpu.memory_space<vmem>>
        %dma_start3A_472 = tpu.memref_squeeze %dma_start3A_471 : memref<1x128xi32, #tpu.memory_space<vmem>> -> memref<128xi32, #tpu.memory_space<vmem>>
        %dma_start3A_473 = arith.constant 0 : i32
        %dma_start3A_474 = tpu.memref_slice %arg8[%dma_start3A_473] : memref<10240xf32, #tpu.memory_space<vmem_shared>> -> memref<10240xf32, #tpu.memory_space<vmem_shared>>
        tpu.enqueue_indirect_dma source(%arg16 : memref<128xf32, #tpu.memory_space<vmem>>) target(%dma_start3A_474 : memref<10240xf32, #tpu.memory_space<vmem_shared>>) offsets(%dma_start3A_472 : memref<128xi32, #tpu.memory_space<vmem>>) semaphore(%arg28 : memref<!tpu.dma_semaphore, #tpu.memory_space<semaphore_mem>>) {add = true}
      } else {
      }
      %mul3A_314 = arith.constant 5 : i32
      %mul3A_315 = arith.muli %mul3A_314, %scan3A_269 : i32
      %add3A_316 = arith.constant 2 : i32
      %add3A_317 = arith.addi %mul3A_315, %add3A_316 : i32
      %dma_wait3A_318 = arith.constant 0 : i32
      %dma_wait3A_319 = tpu.memref_slice %arg9[%add3A_317, %dma_wait3A_318] : memref<160x128xi32, #tpu.memory_space<vmem>> -> memref<1x128xi32, #tpu.memory_space<vmem>>
      %dma_wait3A_320 = tpu.memref_squeeze %dma_wait3A_319 : memref<1x128xi32, #tpu.memory_space<vmem>> -> memref<128xi32, #tpu.memory_space<vmem>>
      %dma_wait3A_321 = arith.constant 0 : i32
      %dma_wait3A_322 = arith.constant 0 : i32
      %dma_wait3A_323 = tpu.memref_slice %arg2[%dma_wait3A_321, %dma_wait3A_322] : memref<20480x64xf32, #tpu.memory_space<hbm>> -> memref<20480x64xf32, #tpu.memory_space<hbm>>
      tpu.wait_indirect_dma semaphore(%arg20 : memref<!tpu.dma_semaphore, #tpu.memory_space<semaphore_mem>>) src(%dma_wait3A_323 : memref<20480x64xf32, #tpu.memory_space<hbm>>) dst(%arg13 : memref<128x64xf32, #tpu.memory_space<vmem>>)
      %dma_start3A_324 = arith.constant 0 : i32
      %dma_start3A_325 = tpu.memref_slice %arg10[%add3A_317, %dma_start3A_324] : memref<160x128xi32, #tpu.memory_space<vmem>> -> memref<1x128xi32, #tpu.memory_space<vmem>>
      %dma_start3A_326 = tpu.memref_squeeze %dma_start3A_325 : memref<1x128xi32, #tpu.memory_space<vmem>> -> memref<128xi32, #tpu.memory_space<vmem>>
      %dma_start3A_327 = arith.constant 0 : i32
      %dma_start3A_328 = arith.constant 0 : i32
      %dma_start3A_329 = tpu.memref_slice %arg7[%dma_start3A_327, %dma_start3A_328] : memref<10240x64xf32, #tpu.memory_space<vmem_shared>> -> memref<10240x64xf32, #tpu.memory_space<vmem_shared>>
      tpu.enqueue_indirect_dma source(%arg13 : memref<128x64xf32, #tpu.memory_space<vmem>>) target(%dma_start3A_329 : memref<10240x64xf32, #tpu.memory_space<vmem_shared>>) offsets(%dma_start3A_326 : memref<128xi32, #tpu.memory_space<vmem>>) semaphore(%arg25 : memref<!tpu.dma_semaphore, #tpu.memory_space<semaphore_mem>>) {add = true}
      %rem3A_330 = arith.constant 2 : i32
      %rem3A_331 = arith.remsi %add3A_317, %rem3A_330 : i32
      %eq3A_332 = arith.cmpi eq, %rem3A_331, %arg0 : i32
      %convert_element_type3A_333 = arith.extui %eq3A_332 : i1 to i32
      %cond3A_334 = arith.constant 0 : i32
      %cond3A_335 = arith.cmpi ne, %convert_element_type3A_333, %cond3A_334 : i32
      scf.if %cond3A_335 {
        %dma_start3A_470 = arith.constant 0 : i32
        %dma_start3A_471 = tpu.memref_slice %arg10[%add3A_317, %dma_start3A_470] : memref<160x128xi32, #tpu.memory_space<vmem>> -> memref<1x128xi32, #tpu.memory_space<vmem>>
        %dma_start3A_472 = tpu.memref_squeeze %dma_start3A_471 : memref<1x128xi32, #tpu.memory_space<vmem>> -> memref<128xi32, #tpu.memory_space<vmem>>
        %dma_start3A_473 = arith.constant 0 : i32
        %dma_start3A_474 = tpu.memref_slice %arg8[%dma_start3A_473] : memref<10240xf32, #tpu.memory_space<vmem_shared>> -> memref<10240xf32, #tpu.memory_space<vmem_shared>>
        tpu.enqueue_indirect_dma source(%arg16 : memref<128xf32, #tpu.memory_space<vmem>>) target(%dma_start3A_474 : memref<10240xf32, #tpu.memory_space<vmem_shared>>) offsets(%dma_start3A_472 : memref<128xi32, #tpu.memory_space<vmem>>) semaphore(%arg28 : memref<!tpu.dma_semaphore, #tpu.memory_space<semaphore_mem>>) {add = true}
      } else {
      }
      %mul3A_336 = arith.constant 5 : i32
      %mul3A_337 = arith.muli %mul3A_336, %scan3A_269 : i32
      %add3A_338 = arith.constant 3 : i32
      %add3A_339 = arith.addi %mul3A_337, %add3A_338 : i32
      %dma_wait3A_340 = arith.constant 0 : i32
      %dma_wait3A_341 = tpu.memref_slice %arg9[%add3A_339, %dma_wait3A_340] : memref<160x128xi32, #tpu.memory_space<vmem>> -> memref<1x128xi32, #tpu.memory_space<vmem>>
      %dma_wait3A_342 = tpu.memref_squeeze %dma_wait3A_341 : memref<1x128xi32, #tpu.memory_space<vmem>> -> memref<128xi32, #tpu.memory_space<vmem>>
      %dma_wait3A_343 = arith.constant 0 : i32
      %dma_wait3A_344 = arith.constant 0 : i32
      %dma_wait3A_345 = tpu.memref_slice %arg2[%dma_wait3A_343, %dma_wait3A_344] : memref<20480x64xf32, #tpu.memory_space<hbm>> -> memref<20480x64xf32, #tpu.memory_space<hbm>>
      tpu.wait_indirect_dma semaphore(%arg21 : memref<!tpu.dma_semaphore, #tpu.memory_space<semaphore_mem>>) src(%dma_wait3A_345 : memref<20480x64xf32, #tpu.memory_space<hbm>>) dst(%arg14 : memref<128x64xf32, #tpu.memory_space<vmem>>)
      %dma_start3A_346 = arith.constant 0 : i32
      %dma_start3A_347 = tpu.memref_slice %arg10[%add3A_339, %dma_start3A_346] : memref<160x128xi32, #tpu.memory_space<vmem>> -> memref<1x128xi32, #tpu.memory_space<vmem>>
      %dma_start3A_348 = tpu.memref_squeeze %dma_start3A_347 : memref<1x128xi32, #tpu.memory_space<vmem>> -> memref<128xi32, #tpu.memory_space<vmem>>
      %dma_start3A_349 = arith.constant 0 : i32
      %dma_start3A_350 = arith.constant 0 : i32
      %dma_start3A_351 = tpu.memref_slice %arg7[%dma_start3A_349, %dma_start3A_350] : memref<10240x64xf32, #tpu.memory_space<vmem_shared>> -> memref<10240x64xf32, #tpu.memory_space<vmem_shared>>
      tpu.enqueue_indirect_dma source(%arg14 : memref<128x64xf32, #tpu.memory_space<vmem>>) target(%dma_start3A_351 : memref<10240x64xf32, #tpu.memory_space<vmem_shared>>) offsets(%dma_start3A_348 : memref<128xi32, #tpu.memory_space<vmem>>) semaphore(%arg26 : memref<!tpu.dma_semaphore, #tpu.memory_space<semaphore_mem>>) {add = true}
      %rem3A_352 = arith.constant 2 : i32
      %rem3A_353 = arith.remsi %add3A_339, %rem3A_352 : i32
      %eq3A_354 = arith.cmpi eq, %rem3A_353, %arg0 : i32
      %convert_element_type3A_355 = arith.extui %eq3A_354 : i1 to i32
      %cond3A_356 = arith.constant 0 : i32
      %cond3A_357 = arith.cmpi ne, %convert_element_type3A_355, %cond3A_356 : i32
      scf.if %cond3A_357 {
        %dma_start3A_470 = arith.constant 0 : i32
        %dma_start3A_471 = tpu.memref_slice %arg10[%add3A_339, %dma_start3A_470] : memref<160x128xi32, #tpu.memory_space<vmem>> -> memref<1x128xi32, #tpu.memory_space<vmem>>
        %dma_start3A_472 = tpu.memref_squeeze %dma_start3A_471 : memref<1x128xi32, #tpu.memory_space<vmem>> -> memref<128xi32, #tpu.memory_space<vmem>>
        %dma_start3A_473 = arith.constant 0 : i32
        %dma_start3A_474 = tpu.memref_slice %arg8[%dma_start3A_473] : memref<10240xf32, #tpu.memory_space<vmem_shared>> -> memref<10240xf32, #tpu.memory_space<vmem_shared>>
        tpu.enqueue_indirect_dma source(%arg16 : memref<128xf32, #tpu.memory_space<vmem>>) target(%dma_start3A_474 : memref<10240xf32, #tpu.memory_space<vmem_shared>>) offsets(%dma_start3A_472 : memref<128xi32, #tpu.memory_space<vmem>>) semaphore(%arg28 : memref<!tpu.dma_semaphore, #tpu.memory_space<semaphore_mem>>) {add = true}
      } else {
      }
      %mul3A_358 = arith.constant 5 : i32
      %mul3A_359 = arith.muli %mul3A_358, %scan3A_269 : i32
      %add3A_360 = arith.constant 4 : i32
      %add3A_361 = arith.addi %mul3A_359, %add3A_360 : i32
      %dma_wait3A_362 = arith.constant 0 : i32
      %dma_wait3A_363 = tpu.memref_slice %arg9[%add3A_361, %dma_wait3A_362] : memref<160x128xi32, #tpu.memory_space<vmem>> -> memref<1x128xi32, #tpu.memory_space<vmem>>
      %dma_wait3A_364 = tpu.memref_squeeze %dma_wait3A_363 : memref<1x128xi32, #tpu.memory_space<vmem>> -> memref<128xi32, #tpu.memory_space<vmem>>
      %dma_wait3A_365 = arith.constant 0 : i32
      %dma_wait3A_366 = arith.constant 0 : i32
      %dma_wait3A_367 = tpu.memref_slice %arg2[%dma_wait3A_365, %dma_wait3A_366] : memref<20480x64xf32, #tpu.memory_space<hbm>> -> memref<20480x64xf32, #tpu.memory_space<hbm>>
      tpu.wait_indirect_dma semaphore(%arg22 : memref<!tpu.dma_semaphore, #tpu.memory_space<semaphore_mem>>) src(%dma_wait3A_367 : memref<20480x64xf32, #tpu.memory_space<hbm>>) dst(%arg15 : memref<128x64xf32, #tpu.memory_space<vmem>>)
      %dma_start3A_368 = arith.constant 0 : i32
      %dma_start3A_369 = tpu.memref_slice %arg10[%add3A_361, %dma_start3A_368] : memref<160x128xi32, #tpu.memory_space<vmem>> -> memref<1x128xi32, #tpu.memory_space<vmem>>
      %dma_start3A_370 = tpu.memref_squeeze %dma_start3A_369 : memref<1x128xi32, #tpu.memory_space<vmem>> -> memref<128xi32, #tpu.memory_space<vmem>>
      %dma_start3A_371 = arith.constant 0 : i32
      %dma_start3A_372 = arith.constant 0 : i32
      %dma_start3A_373 = tpu.memref_slice %arg7[%dma_start3A_371, %dma_start3A_372] : memref<10240x64xf32, #tpu.memory_space<vmem_shared>> -> memref<10240x64xf32, #tpu.memory_space<vmem_shared>>
      tpu.enqueue_indirect_dma source(%arg15 : memref<128x64xf32, #tpu.memory_space<vmem>>) target(%dma_start3A_373 : memref<10240x64xf32, #tpu.memory_space<vmem_shared>>) offsets(%dma_start3A_370 : memref<128xi32, #tpu.memory_space<vmem>>) semaphore(%arg27 : memref<!tpu.dma_semaphore, #tpu.memory_space<semaphore_mem>>) {add = true}
      %rem3A_374 = arith.constant 2 : i32
      %rem3A_375 = arith.remsi %add3A_361, %rem3A_374 : i32
      %eq3A_376 = arith.cmpi eq, %rem3A_375, %arg0 : i32
      %convert_element_type3A_377 = arith.extui %eq3A_376 : i1 to i32
      %cond3A_378 = arith.constant 0 : i32
      %cond3A_379 = arith.cmpi ne, %convert_element_type3A_377, %cond3A_378 : i32
      scf.if %cond3A_379 {
        %dma_start3A_470 = arith.constant 0 : i32
        %dma_start3A_471 = tpu.memref_slice %arg10[%add3A_361, %dma_start3A_470] : memref<160x128xi32, #tpu.memory_space<vmem>> -> memref<1x128xi32, #tpu.memory_space<vmem>>
        %dma_start3A_472 = tpu.memref_squeeze %dma_start3A_471 : memref<1x128xi32, #tpu.memory_space<vmem>> -> memref<128xi32, #tpu.memory_space<vmem>>
        %dma_start3A_473 = arith.constant 0 : i32
        %dma_start3A_474 = tpu.memref_slice %arg8[%dma_start3A_473] : memref<10240xf32, #tpu.memory_space<vmem_shared>> -> memref<10240xf32, #tpu.memory_space<vmem_shared>>
        tpu.enqueue_indirect_dma source(%arg16 : memref<128xf32, #tpu.memory_space<vmem>>) target(%dma_start3A_474 : memref<10240xf32, #tpu.memory_space<vmem_shared>>) offsets(%dma_start3A_472 : memref<128xi32, #tpu.memory_space<vmem>>) semaphore(%arg28 : memref<!tpu.dma_semaphore, #tpu.memory_space<semaphore_mem>>) {add = true}
      } else {
      }
      %mul3A_380 = arith.constant 5 : i32
      %mul3A_381 = arith.muli %mul3A_380, %scan3A_269 : i32
      %add3A_382 = arith.constant 0 : i32
      %add3A_383 = arith.addi %mul3A_381, %add3A_382 : i32
      %dma_wait3A_384 = arith.constant 0 : i32
      %dma_wait3A_385 = tpu.memref_slice %arg10[%add3A_383, %dma_wait3A_384] : memref<160x128xi32, #tpu.memory_space<vmem>> -> memref<1x128xi32, #tpu.memory_space<vmem>>
      %dma_wait3A_386 = tpu.memref_squeeze %dma_wait3A_385 : memref<1x128xi32, #tpu.memory_space<vmem>> -> memref<128xi32, #tpu.memory_space<vmem>>
      %dma_wait3A_387 = arith.constant 0 : i32
      %dma_wait3A_388 = arith.constant 0 : i32
      %dma_wait3A_389 = tpu.memref_slice %arg7[%dma_wait3A_387, %dma_wait3A_388] : memref<10240x64xf32, #tpu.memory_space<vmem_shared>> -> memref<10240x64xf32, #tpu.memory_space<vmem_shared>>
      tpu.wait_indirect_dma semaphore(%arg23 : memref<!tpu.dma_semaphore, #tpu.memory_space<semaphore_mem>>) src(%arg11 : memref<128x64xf32, #tpu.memory_space<vmem>>) dst(%dma_wait3A_389 : memref<10240x64xf32, #tpu.memory_space<vmem_shared>>)
      %add3A_390 = arith.constant 5 : i32
      %add3A_391 = arith.addi %add3A_383, %add3A_390 : i32
      %dma_start3A_392 = arith.constant 0 : i32
      %dma_start3A_393 = tpu.memref_slice %arg9[%add3A_391, %dma_start3A_392] : memref<160x128xi32, #tpu.memory_space<vmem>> -> memref<1x128xi32, #tpu.memory_space<vmem>>
      %dma_start3A_394 = tpu.memref_squeeze %dma_start3A_393 : memref<1x128xi32, #tpu.memory_space<vmem>> -> memref<128xi32, #tpu.memory_space<vmem>>
      %dma_start3A_395 = arith.constant 0 : i32
      %dma_start3A_396 = arith.constant 0 : i32
      %dma_start3A_397 = tpu.memref_slice %arg2[%dma_start3A_395, %dma_start3A_396] : memref<20480x64xf32, #tpu.memory_space<hbm>> -> memref<20480x64xf32, #tpu.memory_space<hbm>>
      tpu.enqueue_indirect_dma source(%dma_start3A_397 : memref<20480x64xf32, #tpu.memory_space<hbm>>) target(%arg11 : memref<128x64xf32, #tpu.memory_space<vmem>>) offsets(%dma_start3A_394 : memref<128xi32, #tpu.memory_space<vmem>>) semaphore(%arg18 : memref<!tpu.dma_semaphore, #tpu.memory_space<semaphore_mem>>)
      %mul3A_398 = arith.constant 5 : i32
      %mul3A_399 = arith.muli %mul3A_398, %scan3A_269 : i32
      %add3A_400 = arith.constant 1 : i32
      %add3A_401 = arith.addi %mul3A_399, %add3A_400 : i32
      %dma_wait3A_402 = arith.constant 0 : i32
      %dma_wait3A_403 = tpu.memref_slice %arg10[%add3A_401, %dma_wait3A_402] : memref<160x128xi32, #tpu.memory_space<vmem>> -> memref<1x128xi32, #tpu.memory_space<vmem>>
      %dma_wait3A_404 = tpu.memref_squeeze %dma_wait3A_403 : memref<1x128xi32, #tpu.memory_space<vmem>> -> memref<128xi32, #tpu.memory_space<vmem>>
      %dma_wait3A_405 = arith.constant 0 : i32
      %dma_wait3A_406 = arith.constant 0 : i32
      %dma_wait3A_407 = tpu.memref_slice %arg7[%dma_wait3A_405, %dma_wait3A_406] : memref<10240x64xf32, #tpu.memory_space<vmem_shared>> -> memref<10240x64xf32, #tpu.memory_space<vmem_shared>>
      tpu.wait_indirect_dma semaphore(%arg24 : memref<!tpu.dma_semaphore, #tpu.memory_space<semaphore_mem>>) src(%arg12 : memref<128x64xf32, #tpu.memory_space<vmem>>) dst(%dma_wait3A_407 : memref<10240x64xf32, #tpu.memory_space<vmem_shared>>)
      %add3A_408 = arith.constant 5 : i32
      %add3A_409 = arith.addi %add3A_401, %add3A_408 : i32
      %dma_start3A_410 = arith.constant 0 : i32
      %dma_start3A_411 = tpu.memref_slice %arg9[%add3A_409, %dma_start3A_410] : memref<160x128xi32, #tpu.memory_space<vmem>> -> memref<1x128xi32, #tpu.memory_space<vmem>>
      %dma_start3A_412 = tpu.memref_squeeze %dma_start3A_411 : memref<1x128xi32, #tpu.memory_space<vmem>> -> memref<128xi32, #tpu.memory_space<vmem>>
      %dma_start3A_413 = arith.constant 0 : i32
      %dma_start3A_414 = arith.constant 0 : i32
      %dma_start3A_415 = tpu.memref_slice %arg2[%dma_start3A_413, %dma_start3A_414] : memref<20480x64xf32, #tpu.memory_space<hbm>> -> memref<20480x64xf32, #tpu.memory_space<hbm>>
      tpu.enqueue_indirect_dma source(%dma_start3A_415 : memref<20480x64xf32, #tpu.memory_space<hbm>>) target(%arg12 : memref<128x64xf32, #tpu.memory_space<vmem>>) offsets(%dma_start3A_412 : memref<128xi32, #tpu.memory_space<vmem>>) semaphore(%arg19 : memref<!tpu.dma_semaphore, #tpu.memory_space<semaphore_mem>>)
      %mul3A_416 = arith.constant 5 : i32
      %mul3A_417 = arith.muli %mul3A_416, %scan3A_269 : i32
      %add3A_418 = arith.constant 2 : i32
      %add3A_419 = arith.addi %mul3A_417, %add3A_418 : i32
      %dma_wait3A_420 = arith.constant 0 : i32
      %dma_wait3A_421 = tpu.memref_slice %arg10[%add3A_419, %dma_wait3A_420] : memref<160x128xi32, #tpu.memory_space<vmem>> -> memref<1x128xi32, #tpu.memory_space<vmem>>
      %dma_wait3A_422 = tpu.memref_squeeze %dma_wait3A_421 : memref<1x128xi32, #tpu.memory_space<vmem>> -> memref<128xi32, #tpu.memory_space<vmem>>
      %dma_wait3A_423 = arith.constant 0 : i32
      %dma_wait3A_424 = arith.constant 0 : i32
      %dma_wait3A_425 = tpu.memref_slice %arg7[%dma_wait3A_423, %dma_wait3A_424] : memref<10240x64xf32, #tpu.memory_space<vmem_shared>> -> memref<10240x64xf32, #tpu.memory_space<vmem_shared>>
      tpu.wait_indirect_dma semaphore(%arg25 : memref<!tpu.dma_semaphore, #tpu.memory_space<semaphore_mem>>) src(%arg13 : memref<128x64xf32, #tpu.memory_space<vmem>>) dst(%dma_wait3A_425 : memref<10240x64xf32, #tpu.memory_space<vmem_shared>>)
      %add3A_426 = arith.constant 5 : i32
      %add3A_427 = arith.addi %add3A_419, %add3A_426 : i32
      %dma_start3A_428 = arith.constant 0 : i32
      %dma_start3A_429 = tpu.memref_slice %arg9[%add3A_427, %dma_start3A_428] : memref<160x128xi32, #tpu.memory_space<vmem>> -> memref<1x128xi32, #tpu.memory_space<vmem>>
      %dma_start3A_430 = tpu.memref_squeeze %dma_start3A_429 : memref<1x128xi32, #tpu.memory_space<vmem>> -> memref<128xi32, #tpu.memory_space<vmem>>
      %dma_start3A_431 = arith.constant 0 : i32
      %dma_start3A_432 = arith.constant 0 : i32
      %dma_start3A_433 = tpu.memref_slice %arg2[%dma_start3A_431, %dma_start3A_432] : memref<20480x64xf32, #tpu.memory_space<hbm>> -> memref<20480x64xf32, #tpu.memory_space<hbm>>
      tpu.enqueue_indirect_dma source(%dma_start3A_433 : memref<20480x64xf32, #tpu.memory_space<hbm>>) target(%arg13 : memref<128x64xf32, #tpu.memory_space<vmem>>) offsets(%dma_start3A_430 : memref<128xi32, #tpu.memory_space<vmem>>) semaphore(%arg20 : memref<!tpu.dma_semaphore, #tpu.memory_space<semaphore_mem>>)
      %mul3A_434 = arith.constant 5 : i32
      %mul3A_435 = arith.muli %mul3A_434, %scan3A_269 : i32
      %add3A_436 = arith.constant 3 : i32
      %add3A_437 = arith.addi %mul3A_435, %add3A_436 : i32
      %dma_wait3A_438 = arith.constant 0 : i32
      %dma_wait3A_439 = tpu.memref_slice %arg10[%add3A_437, %dma_wait3A_438] : memref<160x128xi32, #tpu.memory_space<vmem>> -> memref<1x128xi32, #tpu.memory_space<vmem>>
      %dma_wait3A_440 = tpu.memref_squeeze %dma_wait3A_439 : memref<1x128xi32, #tpu.memory_space<vmem>> -> memref<128xi32, #tpu.memory_space<vmem>>
      %dma_wait3A_441 = arith.constant 0 : i32
      %dma_wait3A_442 = arith.constant 0 : i32
      %dma_wait3A_443 = tpu.memref_slice %arg7[%dma_wait3A_441, %dma_wait3A_442] : memref<10240x64xf32, #tpu.memory_space<vmem_shared>> -> memref<10240x64xf32, #tpu.memory_space<vmem_shared>>
      tpu.wait_indirect_dma semaphore(%arg26 : memref<!tpu.dma_semaphore, #tpu.memory_space<semaphore_mem>>) src(%arg14 : memref<128x64xf32, #tpu.memory_space<vmem>>) dst(%dma_wait3A_443 : memref<10240x64xf32, #tpu.memory_space<vmem_shared>>)
      %add3A_444 = arith.constant 5 : i32
      %add3A_445 = arith.addi %add3A_437, %add3A_444 : i32
      %dma_start3A_446 = arith.constant 0 : i32
      %dma_start3A_447 = tpu.memref_slice %arg9[%add3A_445, %dma_start3A_446] : memref<160x128xi32, #tpu.memory_space<vmem>> -> memref<1x128xi32, #tpu.memory_space<vmem>>
      %dma_start3A_448 = tpu.memref_squeeze %dma_start3A_447 : memref<1x128xi32, #tpu.memory_space<vmem>> -> memref<128xi32, #tpu.memory_space<vmem>>
      %dma_start3A_449 = arith.constant 0 : i32
      %dma_start3A_450 = arith.constant 0 : i32
      %dma_start3A_451 = tpu.memref_slice %arg2[%dma_start3A_449, %dma_start3A_450] : memref<20480x64xf32, #tpu.memory_space<hbm>> -> memref<20480x64xf32, #tpu.memory_space<hbm>>
      tpu.enqueue_indirect_dma source(%dma_start3A_451 : memref<20480x64xf32, #tpu.memory_space<hbm>>) target(%arg14 : memref<128x64xf32, #tpu.memory_space<vmem>>) offsets(%dma_start3A_448 : memref<128xi32, #tpu.memory_space<vmem>>) semaphore(%arg21 : memref<!tpu.dma_semaphore, #tpu.memory_space<semaphore_mem>>)
      %mul3A_452 = arith.constant 5 : i32
      %mul3A_453 = arith.muli %mul3A_452, %scan3A_269 : i32
      %add3A_454 = arith.constant 4 : i32
      %add3A_455 = arith.addi %mul3A_453, %add3A_454 : i32
      %dma_wait3A_456 = arith.constant 0 : i32
      %dma_wait3A_457 = tpu.memref_slice %arg10[%add3A_455, %dma_wait3A_456] : memref<160x128xi32, #tpu.memory_space<vmem>> -> memref<1x128xi32, #tpu.memory_space<vmem>>
      %dma_wait3A_458 = tpu.memref_squeeze %dma_wait3A_457 : memref<1x128xi32, #tpu.memory_space<vmem>> -> memref<128xi32, #tpu.memory_space<vmem>>
      %dma_wait3A_459 = arith.constant 0 : i32
      %dma_wait3A_460 = arith.constant 0 : i32
      %dma_wait3A_461 = tpu.memref_slice %arg7[%dma_wait3A_459, %dma_wait3A_460] : memref<10240x64xf32, #tpu.memory_space<vmem_shared>> -> memref<10240x64xf32, #tpu.memory_space<vmem_shared>>
      tpu.wait_indirect_dma semaphore(%arg27 : memref<!tpu.dma_semaphore, #tpu.memory_space<semaphore_mem>>) src(%arg15 : memref<128x64xf32, #tpu.memory_space<vmem>>) dst(%dma_wait3A_461 : memref<10240x64xf32, #tpu.memory_space<vmem_shared>>)
      %add3A_462 = arith.constant 5 : i32
      %add3A_463 = arith.addi %add3A_455, %add3A_462 : i32
      %dma_start3A_464 = arith.constant 0 : i32
      %dma_start3A_465 = tpu.memref_slice %arg9[%add3A_463, %dma_start3A_464] : memref<160x128xi32, #tpu.memory_space<vmem>> -> memref<1x128xi32, #tpu.memory_space<vmem>>
      %dma_start3A_466 = tpu.memref_squeeze %dma_start3A_465 : memref<1x128xi32, #tpu.memory_space<vmem>> -> memref<128xi32, #tpu.memory_space<vmem>>
      %dma_start3A_467 = arith.constant 0 : i32
      %dma_start3A_468 = arith.constant 0 : i32
      %dma_start3A_469 = tpu.memref_slice %arg2[%dma_start3A_467, %dma_start3A_468] : memref<20480x64xf32, #tpu.memory_space<hbm>> -> memref<20480x64xf32, #tpu.memory_space<hbm>>
      tpu.enqueue_indirect_dma source(%dma_start3A_469 : memref<20480x64xf32, #tpu.memory_space<hbm>>) target(%arg15 : memref<128x64xf32, #tpu.memory_space<vmem>>) offsets(%dma_start3A_466 : memref<128xi32, #tpu.memory_space<vmem>>) semaphore(%arg22 : memref<!tpu.dma_semaphore, #tpu.memory_space<semaphore_mem>>)
    }
    %scan3A_103 = arith.constant 31 : i32
    %dma_wait3A = arith.constant 155 : i32
    %dma_wait3A_104 = arith.constant 0 : i32
    %dma_wait3A_105 = tpu.memref_slice %arg9[%dma_wait3A, %dma_wait3A_104] : memref<160x128xi32, #tpu.memory_space<vmem>> -> memref<1x128xi32, #tpu.memory_space<vmem>>
    %dma_wait3A_106 = tpu.memref_squeeze %dma_wait3A_105 : memref<1x128xi32, #tpu.memory_space<vmem>> -> memref<128xi32, #tpu.memory_space<vmem>>
    %dma_wait3A_107 = arith.constant 0 : i32
    %dma_wait3A_108 = arith.constant 0 : i32
    %dma_wait3A_109 = tpu.memref_slice %arg2[%dma_wait3A_107, %dma_wait3A_108] : memref<20480x64xf32, #tpu.memory_space<hbm>> -> memref<20480x64xf32, #tpu.memory_space<hbm>>
    tpu.wait_indirect_dma semaphore(%arg18 : memref<!tpu.dma_semaphore, #tpu.memory_space<semaphore_mem>>) src(%dma_wait3A_109 : memref<20480x64xf32, #tpu.memory_space<hbm>>) dst(%arg11 : memref<128x64xf32, #tpu.memory_space<vmem>>)
    %dma_start3A_110 = arith.constant 155 : i32
    %dma_start3A_111 = arith.constant 0 : i32
    %dma_start3A_112 = tpu.memref_slice %arg10[%dma_start3A_110, %dma_start3A_111] : memref<160x128xi32, #tpu.memory_space<vmem>> -> memref<1x128xi32, #tpu.memory_space<vmem>>
    %dma_start3A_113 = tpu.memref_squeeze %dma_start3A_112 : memref<1x128xi32, #tpu.memory_space<vmem>> -> memref<128xi32, #tpu.memory_space<vmem>>
    %dma_start3A_114 = arith.constant 0 : i32
    %dma_start3A_115 = arith.constant 0 : i32
    %dma_start3A_116 = tpu.memref_slice %arg7[%dma_start3A_114, %dma_start3A_115] : memref<10240x64xf32, #tpu.memory_space<vmem_shared>> -> memref<10240x64xf32, #tpu.memory_space<vmem_shared>>
    tpu.enqueue_indirect_dma source(%arg11 : memref<128x64xf32, #tpu.memory_space<vmem>>) target(%dma_start3A_116 : memref<10240x64xf32, #tpu.memory_space<vmem_shared>>) offsets(%dma_start3A_113 : memref<128xi32, #tpu.memory_space<vmem>>) semaphore(%arg23 : memref<!tpu.dma_semaphore, #tpu.memory_space<semaphore_mem>>) {add = true}
    %rem3A = arith.constant 155 : i32
    %rem3A_117 = arith.constant 2 : i32
    %rem3A_118 = arith.remsi %rem3A, %rem3A_117 : i32
    %eq3A = arith.cmpi eq, %rem3A_118, %arg0 : i32
    %convert_element_type3A = arith.extui %eq3A : i1 to i32
    %cond3A = arith.constant 0 : i32
    %cond3A_119 = arith.cmpi ne, %convert_element_type3A, %cond3A : i32
    scf.if %cond3A_119 {
      %dma_start3A_269 = arith.constant 155 : i32
      %dma_start3A_270 = arith.constant 0 : i32
      %dma_start3A_271 = tpu.memref_slice %arg10[%dma_start3A_269, %dma_start3A_270] : memref<160x128xi32, #tpu.memory_space<vmem>> -> memref<1x128xi32, #tpu.memory_space<vmem>>
      %dma_start3A_272 = tpu.memref_squeeze %dma_start3A_271 : memref<1x128xi32, #tpu.memory_space<vmem>> -> memref<128xi32, #tpu.memory_space<vmem>>
      %dma_start3A_273 = arith.constant 0 : i32
      %dma_start3A_274 = tpu.memref_slice %arg8[%dma_start3A_273] : memref<10240xf32, #tpu.memory_space<vmem_shared>> -> memref<10240xf32, #tpu.memory_space<vmem_shared>>
      tpu.enqueue_indirect_dma source(%arg16 : memref<128xf32, #tpu.memory_space<vmem>>) target(%dma_start3A_274 : memref<10240xf32, #tpu.memory_space<vmem_shared>>) offsets(%dma_start3A_272 : memref<128xi32, #tpu.memory_space<vmem>>) semaphore(%arg28 : memref<!tpu.dma_semaphore, #tpu.memory_space<semaphore_mem>>) {add = true}
    } else {
    }
    %dma_wait3A_120 = arith.constant 156 : i32
    %dma_wait3A_121 = arith.constant 0 : i32
    %dma_wait3A_122 = tpu.memref_slice %arg9[%dma_wait3A_120, %dma_wait3A_121] : memref<160x128xi32, #tpu.memory_space<vmem>> -> memref<1x128xi32, #tpu.memory_space<vmem>>
    %dma_wait3A_123 = tpu.memref_squeeze %dma_wait3A_122 : memref<1x128xi32, #tpu.memory_space<vmem>> -> memref<128xi32, #tpu.memory_space<vmem>>
    %dma_wait3A_124 = arith.constant 0 : i32
    %dma_wait3A_125 = arith.constant 0 : i32
    %dma_wait3A_126 = tpu.memref_slice %arg2[%dma_wait3A_124, %dma_wait3A_125] : memref<20480x64xf32, #tpu.memory_space<hbm>> -> memref<20480x64xf32, #tpu.memory_space<hbm>>
    tpu.wait_indirect_dma semaphore(%arg19 : memref<!tpu.dma_semaphore, #tpu.memory_space<semaphore_mem>>) src(%dma_wait3A_126 : memref<20480x64xf32, #tpu.memory_space<hbm>>) dst(%arg12 : memref<128x64xf32, #tpu.memory_space<vmem>>)
    %dma_start3A_127 = arith.constant 156 : i32
    %dma_start3A_128 = arith.constant 0 : i32
    %dma_start3A_129 = tpu.memref_slice %arg10[%dma_start3A_127, %dma_start3A_128] : memref<160x128xi32, #tpu.memory_space<vmem>> -> memref<1x128xi32, #tpu.memory_space<vmem>>
    %dma_start3A_130 = tpu.memref_squeeze %dma_start3A_129 : memref<1x128xi32, #tpu.memory_space<vmem>> -> memref<128xi32, #tpu.memory_space<vmem>>
    %dma_start3A_131 = arith.constant 0 : i32
    %dma_start3A_132 = arith.constant 0 : i32
    %dma_start3A_133 = tpu.memref_slice %arg7[%dma_start3A_131, %dma_start3A_132] : memref<10240x64xf32, #tpu.memory_space<vmem_shared>> -> memref<10240x64xf32, #tpu.memory_space<vmem_shared>>
    tpu.enqueue_indirect_dma source(%arg12 : memref<128x64xf32, #tpu.memory_space<vmem>>) target(%dma_start3A_133 : memref<10240x64xf32, #tpu.memory_space<vmem_shared>>) offsets(%dma_start3A_130 : memref<128xi32, #tpu.memory_space<vmem>>) semaphore(%arg24 : memref<!tpu.dma_semaphore, #tpu.memory_space<semaphore_mem>>) {add = true}
    %rem3A_134 = arith.constant 156 : i32
    %rem3A_135 = arith.constant 2 : i32
    %rem3A_136 = arith.remsi %rem3A_134, %rem3A_135 : i32
    %eq3A_137 = arith.cmpi eq, %rem3A_136, %arg0 : i32
    %convert_element_type3A_138 = arith.extui %eq3A_137 : i1 to i32
    %cond3A_139 = arith.constant 0 : i32
    %cond3A_140 = arith.cmpi ne, %convert_element_type3A_138, %cond3A_139 : i32
    scf.if %cond3A_140 {
      %dma_start3A_269 = arith.constant 156 : i32
      %dma_start3A_270 = arith.constant 0 : i32
      %dma_start3A_271 = tpu.memref_slice %arg10[%dma_start3A_269, %dma_start3A_270] : memref<160x128xi32, #tpu.memory_space<vmem>> -> memref<1x128xi32, #tpu.memory_space<vmem>>
      %dma_start3A_272 = tpu.memref_squeeze %dma_start3A_271 : memref<1x128xi32, #tpu.memory_space<vmem>> -> memref<128xi32, #tpu.memory_space<vmem>>
      %dma_start3A_273 = arith.constant 0 : i32
      %dma_start3A_274 = tpu.memref_slice %arg8[%dma_start3A_273] : memref<10240xf32, #tpu.memory_space<vmem_shared>> -> memref<10240xf32, #tpu.memory_space<vmem_shared>>
      tpu.enqueue_indirect_dma source(%arg16 : memref<128xf32, #tpu.memory_space<vmem>>) target(%dma_start3A_274 : memref<10240xf32, #tpu.memory_space<vmem_shared>>) offsets(%dma_start3A_272 : memref<128xi32, #tpu.memory_space<vmem>>) semaphore(%arg28 : memref<!tpu.dma_semaphore, #tpu.memory_space<semaphore_mem>>) {add = true}
    } else {
    }
    %dma_wait3A_141 = arith.constant 157 : i32
    %dma_wait3A_142 = arith.constant 0 : i32
    %dma_wait3A_143 = tpu.memref_slice %arg9[%dma_wait3A_141, %dma_wait3A_142] : memref<160x128xi32, #tpu.memory_space<vmem>> -> memref<1x128xi32, #tpu.memory_space<vmem>>
    %dma_wait3A_144 = tpu.memref_squeeze %dma_wait3A_143 : memref<1x128xi32, #tpu.memory_space<vmem>> -> memref<128xi32, #tpu.memory_space<vmem>>
    %dma_wait3A_145 = arith.constant 0 : i32
    %dma_wait3A_146 = arith.constant 0 : i32
    %dma_wait3A_147 = tpu.memref_slice %arg2[%dma_wait3A_145, %dma_wait3A_146] : memref<20480x64xf32, #tpu.memory_space<hbm>> -> memref<20480x64xf32, #tpu.memory_space<hbm>>
    tpu.wait_indirect_dma semaphore(%arg20 : memref<!tpu.dma_semaphore, #tpu.memory_space<semaphore_mem>>) src(%dma_wait3A_147 : memref<20480x64xf32, #tpu.memory_space<hbm>>) dst(%arg13 : memref<128x64xf32, #tpu.memory_space<vmem>>)
    %dma_start3A_148 = arith.constant 157 : i32
    %dma_start3A_149 = arith.constant 0 : i32
    %dma_start3A_150 = tpu.memref_slice %arg10[%dma_start3A_148, %dma_start3A_149] : memref<160x128xi32, #tpu.memory_space<vmem>> -> memref<1x128xi32, #tpu.memory_space<vmem>>
    %dma_start3A_151 = tpu.memref_squeeze %dma_start3A_150 : memref<1x128xi32, #tpu.memory_space<vmem>> -> memref<128xi32, #tpu.memory_space<vmem>>
    %dma_start3A_152 = arith.constant 0 : i32
    %dma_start3A_153 = arith.constant 0 : i32
    %dma_start3A_154 = tpu.memref_slice %arg7[%dma_start3A_152, %dma_start3A_153] : memref<10240x64xf32, #tpu.memory_space<vmem_shared>> -> memref<10240x64xf32, #tpu.memory_space<vmem_shared>>
    tpu.enqueue_indirect_dma source(%arg13 : memref<128x64xf32, #tpu.memory_space<vmem>>) target(%dma_start3A_154 : memref<10240x64xf32, #tpu.memory_space<vmem_shared>>) offsets(%dma_start3A_151 : memref<128xi32, #tpu.memory_space<vmem>>) semaphore(%arg25 : memref<!tpu.dma_semaphore, #tpu.memory_space<semaphore_mem>>) {add = true}
    %rem3A_155 = arith.constant 157 : i32
    %rem3A_156 = arith.constant 2 : i32
    %rem3A_157 = arith.remsi %rem3A_155, %rem3A_156 : i32
    %eq3A_158 = arith.cmpi eq, %rem3A_157, %arg0 : i32
    %convert_element_type3A_159 = arith.extui %eq3A_158 : i1 to i32
    %cond3A_160 = arith.constant 0 : i32
    %cond3A_161 = arith.cmpi ne, %convert_element_type3A_159, %cond3A_160 : i32
    scf.if %cond3A_161 {
      %dma_start3A_269 = arith.constant 157 : i32
      %dma_start3A_270 = arith.constant 0 : i32
      %dma_start3A_271 = tpu.memref_slice %arg10[%dma_start3A_269, %dma_start3A_270] : memref<160x128xi32, #tpu.memory_space<vmem>> -> memref<1x128xi32, #tpu.memory_space<vmem>>
      %dma_start3A_272 = tpu.memref_squeeze %dma_start3A_271 : memref<1x128xi32, #tpu.memory_space<vmem>> -> memref<128xi32, #tpu.memory_space<vmem>>
      %dma_start3A_273 = arith.constant 0 : i32
      %dma_start3A_274 = tpu.memref_slice %arg8[%dma_start3A_273] : memref<10240xf32, #tpu.memory_space<vmem_shared>> -> memref<10240xf32, #tpu.memory_space<vmem_shared>>
      tpu.enqueue_indirect_dma source(%arg16 : memref<128xf32, #tpu.memory_space<vmem>>) target(%dma_start3A_274 : memref<10240xf32, #tpu.memory_space<vmem_shared>>) offsets(%dma_start3A_272 : memref<128xi32, #tpu.memory_space<vmem>>) semaphore(%arg28 : memref<!tpu.dma_semaphore, #tpu.memory_space<semaphore_mem>>) {add = true}
    } else {
    }
    %dma_wait3A_162 = arith.constant 158 : i32
    %dma_wait3A_163 = arith.constant 0 : i32
    %dma_wait3A_164 = tpu.memref_slice %arg9[%dma_wait3A_162, %dma_wait3A_163] : memref<160x128xi32, #tpu.memory_space<vmem>> -> memref<1x128xi32, #tpu.memory_space<vmem>>
    %dma_wait3A_165 = tpu.memref_squeeze %dma_wait3A_164 : memref<1x128xi32, #tpu.memory_space<vmem>> -> memref<128xi32, #tpu.memory_space<vmem>>
    %dma_wait3A_166 = arith.constant 0 : i32
    %dma_wait3A_167 = arith.constant 0 : i32
    %dma_wait3A_168 = tpu.memref_slice %arg2[%dma_wait3A_166, %dma_wait3A_167] : memref<20480x64xf32, #tpu.memory_space<hbm>> -> memref<20480x64xf32, #tpu.memory_space<hbm>>
    tpu.wait_indirect_dma semaphore(%arg21 : memref<!tpu.dma_semaphore, #tpu.memory_space<semaphore_mem>>) src(%dma_wait3A_168 : memref<20480x64xf32, #tpu.memory_space<hbm>>) dst(%arg14 : memref<128x64xf32, #tpu.memory_space<vmem>>)
    %dma_start3A_169 = arith.constant 158 : i32
    %dma_start3A_170 = arith.constant 0 : i32
    %dma_start3A_171 = tpu.memref_slice %arg10[%dma_start3A_169, %dma_start3A_170] : memref<160x128xi32, #tpu.memory_space<vmem>> -> memref<1x128xi32, #tpu.memory_space<vmem>>
    %dma_start3A_172 = tpu.memref_squeeze %dma_start3A_171 : memref<1x128xi32, #tpu.memory_space<vmem>> -> memref<128xi32, #tpu.memory_space<vmem>>
    %dma_start3A_173 = arith.constant 0 : i32
    %dma_start3A_174 = arith.constant 0 : i32
    %dma_start3A_175 = tpu.memref_slice %arg7[%dma_start3A_173, %dma_start3A_174] : memref<10240x64xf32, #tpu.memory_space<vmem_shared>> -> memref<10240x64xf32, #tpu.memory_space<vmem_shared>>
    tpu.enqueue_indirect_dma source(%arg14 : memref<128x64xf32, #tpu.memory_space<vmem>>) target(%dma_start3A_175 : memref<10240x64xf32, #tpu.memory_space<vmem_shared>>) offsets(%dma_start3A_172 : memref<128xi32, #tpu.memory_space<vmem>>) semaphore(%arg26 : memref<!tpu.dma_semaphore, #tpu.memory_space<semaphore_mem>>) {add = true}
    %rem3A_176 = arith.constant 158 : i32
    %rem3A_177 = arith.constant 2 : i32
    %rem3A_178 = arith.remsi %rem3A_176, %rem3A_177 : i32
    %eq3A_179 = arith.cmpi eq, %rem3A_178, %arg0 : i32
    %convert_element_type3A_180 = arith.extui %eq3A_179 : i1 to i32
    %cond3A_181 = arith.constant 0 : i32
    %cond3A_182 = arith.cmpi ne, %convert_element_type3A_180, %cond3A_181 : i32
    scf.if %cond3A_182 {
      %dma_start3A_269 = arith.constant 158 : i32
      %dma_start3A_270 = arith.constant 0 : i32
      %dma_start3A_271 = tpu.memref_slice %arg10[%dma_start3A_269, %dma_start3A_270] : memref<160x128xi32, #tpu.memory_space<vmem>> -> memref<1x128xi32, #tpu.memory_space<vmem>>
      %dma_start3A_272 = tpu.memref_squeeze %dma_start3A_271 : memref<1x128xi32, #tpu.memory_space<vmem>> -> memref<128xi32, #tpu.memory_space<vmem>>
      %dma_start3A_273 = arith.constant 0 : i32
      %dma_start3A_274 = tpu.memref_slice %arg8[%dma_start3A_273] : memref<10240xf32, #tpu.memory_space<vmem_shared>> -> memref<10240xf32, #tpu.memory_space<vmem_shared>>
      tpu.enqueue_indirect_dma source(%arg16 : memref<128xf32, #tpu.memory_space<vmem>>) target(%dma_start3A_274 : memref<10240xf32, #tpu.memory_space<vmem_shared>>) offsets(%dma_start3A_272 : memref<128xi32, #tpu.memory_space<vmem>>) semaphore(%arg28 : memref<!tpu.dma_semaphore, #tpu.memory_space<semaphore_mem>>) {add = true}
    } else {
    }
    %dma_wait3A_183 = arith.constant 159 : i32
    %dma_wait3A_184 = arith.constant 0 : i32
    %dma_wait3A_185 = tpu.memref_slice %arg9[%dma_wait3A_183, %dma_wait3A_184] : memref<160x128xi32, #tpu.memory_space<vmem>> -> memref<1x128xi32, #tpu.memory_space<vmem>>
    %dma_wait3A_186 = tpu.memref_squeeze %dma_wait3A_185 : memref<1x128xi32, #tpu.memory_space<vmem>> -> memref<128xi32, #tpu.memory_space<vmem>>
    %dma_wait3A_187 = arith.constant 0 : i32
    %dma_wait3A_188 = arith.constant 0 : i32
    %dma_wait3A_189 = tpu.memref_slice %arg2[%dma_wait3A_187, %dma_wait3A_188] : memref<20480x64xf32, #tpu.memory_space<hbm>> -> memref<20480x64xf32, #tpu.memory_space<hbm>>
    tpu.wait_indirect_dma semaphore(%arg22 : memref<!tpu.dma_semaphore, #tpu.memory_space<semaphore_mem>>) src(%dma_wait3A_189 : memref<20480x64xf32, #tpu.memory_space<hbm>>) dst(%arg15 : memref<128x64xf32, #tpu.memory_space<vmem>>)
    %dma_start3A_190 = arith.constant 159 : i32
    %dma_start3A_191 = arith.constant 0 : i32
    %dma_start3A_192 = tpu.memref_slice %arg10[%dma_start3A_190, %dma_start3A_191] : memref<160x128xi32, #tpu.memory_space<vmem>> -> memref<1x128xi32, #tpu.memory_space<vmem>>
    %dma_start3A_193 = tpu.memref_squeeze %dma_start3A_192 : memref<1x128xi32, #tpu.memory_space<vmem>> -> memref<128xi32, #tpu.memory_space<vmem>>
    %dma_start3A_194 = arith.constant 0 : i32
    %dma_start3A_195 = arith.constant 0 : i32
    %dma_start3A_196 = tpu.memref_slice %arg7[%dma_start3A_194, %dma_start3A_195] : memref<10240x64xf32, #tpu.memory_space<vmem_shared>> -> memref<10240x64xf32, #tpu.memory_space<vmem_shared>>
    tpu.enqueue_indirect_dma source(%arg15 : memref<128x64xf32, #tpu.memory_space<vmem>>) target(%dma_start3A_196 : memref<10240x64xf32, #tpu.memory_space<vmem_shared>>) offsets(%dma_start3A_193 : memref<128xi32, #tpu.memory_space<vmem>>) semaphore(%arg27 : memref<!tpu.dma_semaphore, #tpu.memory_space<semaphore_mem>>) {add = true}
    %rem3A_197 = arith.constant 159 : i32
    %rem3A_198 = arith.constant 2 : i32
    %rem3A_199 = arith.remsi %rem3A_197, %rem3A_198 : i32
    %eq3A_200 = arith.cmpi eq, %rem3A_199, %arg0 : i32
    %convert_element_type3A_201 = arith.extui %eq3A_200 : i1 to i32
    %cond3A_202 = arith.constant 0 : i32
    %cond3A_203 = arith.cmpi ne, %convert_element_type3A_201, %cond3A_202 : i32
    scf.if %cond3A_203 {
      %dma_start3A_269 = arith.constant 159 : i32
      %dma_start3A_270 = arith.constant 0 : i32
      %dma_start3A_271 = tpu.memref_slice %arg10[%dma_start3A_269, %dma_start3A_270] : memref<160x128xi32, #tpu.memory_space<vmem>> -> memref<1x128xi32, #tpu.memory_space<vmem>>
      %dma_start3A_272 = tpu.memref_squeeze %dma_start3A_271 : memref<1x128xi32, #tpu.memory_space<vmem>> -> memref<128xi32, #tpu.memory_space<vmem>>
      %dma_start3A_273 = arith.constant 0 : i32
      %dma_start3A_274 = tpu.memref_slice %arg8[%dma_start3A_273] : memref<10240xf32, #tpu.memory_space<vmem_shared>> -> memref<10240xf32, #tpu.memory_space<vmem_shared>>
      tpu.enqueue_indirect_dma source(%arg16 : memref<128xf32, #tpu.memory_space<vmem>>) target(%dma_start3A_274 : memref<10240xf32, #tpu.memory_space<vmem_shared>>) offsets(%dma_start3A_272 : memref<128xi32, #tpu.memory_space<vmem>>) semaphore(%arg28 : memref<!tpu.dma_semaphore, #tpu.memory_space<semaphore_mem>>) {add = true}
    } else {
    }
    %dma_wait3A_204 = arith.constant 155 : i32
    %dma_wait3A_205 = arith.constant 0 : i32
    %dma_wait3A_206 = tpu.memref_slice %arg10[%dma_wait3A_204, %dma_wait3A_205] : memref<160x128xi32, #tpu.memory_space<vmem>> -> memref<1x128xi32, #tpu.memory_space<vmem>>
    %dma_wait3A_207 = tpu.memref_squeeze %dma_wait3A_206 : memref<1x128xi32, #tpu.memory_space<vmem>> -> memref<128xi32, #tpu.memory_space<vmem>>
    %dma_wait3A_208 = arith.constant 0 : i32
    %dma_wait3A_209 = arith.constant 0 : i32
    %dma_wait3A_210 = tpu.memref_slice %arg7[%dma_wait3A_208, %dma_wait3A_209] : memref<10240x64xf32, #tpu.memory_space<vmem_shared>> -> memref<10240x64xf32, #tpu.memory_space<vmem_shared>>
    tpu.wait_indirect_dma semaphore(%arg23 : memref<!tpu.dma_semaphore, #tpu.memory_space<semaphore_mem>>) src(%arg11 : memref<128x64xf32, #tpu.memory_space<vmem>>) dst(%dma_wait3A_210 : memref<10240x64xf32, #tpu.memory_space<vmem_shared>>)
    %dma_wait3A_211 = arith.constant 156 : i32
    %dma_wait3A_212 = arith.constant 0 : i32
    %dma_wait3A_213 = tpu.memref_slice %arg10[%dma_wait3A_211, %dma_wait3A_212] : memref<160x128xi32, #tpu.memory_space<vmem>> -> memref<1x128xi32, #tpu.memory_space<vmem>>
    %dma_wait3A_214 = tpu.memref_squeeze %dma_wait3A_213 : memref<1x128xi32, #tpu.memory_space<vmem>> -> memref<128xi32, #tpu.memory_space<vmem>>
    %dma_wait3A_215 = arith.constant 0 : i32
    %dma_wait3A_216 = arith.constant 0 : i32
    %dma_wait3A_217 = tpu.memref_slice %arg7[%dma_wait3A_215, %dma_wait3A_216] : memref<10240x64xf32, #tpu.memory_space<vmem_shared>> -> memref<10240x64xf32, #tpu.memory_space<vmem_shared>>
    tpu.wait_indirect_dma semaphore(%arg24 : memref<!tpu.dma_semaphore, #tpu.memory_space<semaphore_mem>>) src(%arg12 : memref<128x64xf32, #tpu.memory_space<vmem>>) dst(%dma_wait3A_217 : memref<10240x64xf32, #tpu.memory_space<vmem_shared>>)
    %dma_wait3A_218 = arith.constant 157 : i32
    %dma_wait3A_219 = arith.constant 0 : i32
    %dma_wait3A_220 = tpu.memref_slice %arg10[%dma_wait3A_218, %dma_wait3A_219] : memref<160x128xi32, #tpu.memory_space<vmem>> -> memref<1x128xi32, #tpu.memory_space<vmem>>
    %dma_wait3A_221 = tpu.memref_squeeze %dma_wait3A_220 : memref<1x128xi32, #tpu.memory_space<vmem>> -> memref<128xi32, #tpu.memory_space<vmem>>
    %dma_wait3A_222 = arith.constant 0 : i32
    %dma_wait3A_223 = arith.constant 0 : i32
    %dma_wait3A_224 = tpu.memref_slice %arg7[%dma_wait3A_222, %dma_wait3A_223] : memref<10240x64xf32, #tpu.memory_space<vmem_shared>> -> memref<10240x64xf32, #tpu.memory_space<vmem_shared>>
    tpu.wait_indirect_dma semaphore(%arg25 : memref<!tpu.dma_semaphore, #tpu.memory_space<semaphore_mem>>) src(%arg13 : memref<128x64xf32, #tpu.memory_space<vmem>>) dst(%dma_wait3A_224 : memref<10240x64xf32, #tpu.memory_space<vmem_shared>>)
    %dma_wait3A_225 = arith.constant 158 : i32
    %dma_wait3A_226 = arith.constant 0 : i32
    %dma_wait3A_227 = tpu.memref_slice %arg10[%dma_wait3A_225, %dma_wait3A_226] : memref<160x128xi32, #tpu.memory_space<vmem>> -> memref<1x128xi32, #tpu.memory_space<vmem>>
    %dma_wait3A_228 = tpu.memref_squeeze %dma_wait3A_227 : memref<1x128xi32, #tpu.memory_space<vmem>> -> memref<128xi32, #tpu.memory_space<vmem>>
    %dma_wait3A_229 = arith.constant 0 : i32
    %dma_wait3A_230 = arith.constant 0 : i32
    %dma_wait3A_231 = tpu.memref_slice %arg7[%dma_wait3A_229, %dma_wait3A_230] : memref<10240x64xf32, #tpu.memory_space<vmem_shared>> -> memref<10240x64xf32, #tpu.memory_space<vmem_shared>>
    tpu.wait_indirect_dma semaphore(%arg26 : memref<!tpu.dma_semaphore, #tpu.memory_space<semaphore_mem>>) src(%arg14 : memref<128x64xf32, #tpu.memory_space<vmem>>) dst(%dma_wait3A_231 : memref<10240x64xf32, #tpu.memory_space<vmem_shared>>)
    %dma_wait3A_232 = arith.constant 159 : i32
    %dma_wait3A_233 = arith.constant 0 : i32
    %dma_wait3A_234 = tpu.memref_slice %arg10[%dma_wait3A_232, %dma_wait3A_233] : memref<160x128xi32, #tpu.memory_space<vmem>> -> memref<1x128xi32, #tpu.memory_space<vmem>>
    %dma_wait3A_235 = tpu.memref_squeeze %dma_wait3A_234 : memref<1x128xi32, #tpu.memory_space<vmem>> -> memref<128xi32, #tpu.memory_space<vmem>>
    %dma_wait3A_236 = arith.constant 0 : i32
    %dma_wait3A_237 = arith.constant 0 : i32
    %dma_wait3A_238 = tpu.memref_slice %arg7[%dma_wait3A_236, %dma_wait3A_237] : memref<10240x64xf32, #tpu.memory_space<vmem_shared>> -> memref<10240x64xf32, #tpu.memory_space<vmem_shared>>
    tpu.wait_indirect_dma semaphore(%arg27 : memref<!tpu.dma_semaphore, #tpu.memory_space<semaphore_mem>>) src(%arg15 : memref<128x64xf32, #tpu.memory_space<vmem>>) dst(%dma_wait3A_238 : memref<10240x64xf32, #tpu.memory_space<vmem_shared>>)
    %scan3A_239 = arith.constant 0 : i32
    %scan3A_240 = arith.constant 0 : i32
    %scan3A_241 = arith.constant 80 : i32
    %scan3A_242 = arith.addi %scan3A_240, %scan3A_241 : i32
    %scan3A_243 = arith.constant 1 : i32
    scf.for %scan3A_269 = %scan3A_240 to %scan3A_242 step %scan3A_243  : i32 {
      %dma_wait3A_270 = arith.constant 0 : i32
      %dma_wait3A_271 = arith.constant 0 : i32
      %dma_wait3A_272 = tpu.memref_slice %arg10[%dma_wait3A_270, %dma_wait3A_271] : memref<160x128xi32, #tpu.memory_space<vmem>> -> memref<1x128xi32, #tpu.memory_space<vmem>>
      %dma_wait3A_273 = tpu.memref_squeeze %dma_wait3A_272 : memref<1x128xi32, #tpu.memory_space<vmem>> -> memref<128xi32, #tpu.memory_space<vmem>>
      %dma_wait3A_274 = arith.constant 0 : i32
      %dma_wait3A_275 = tpu.memref_slice %arg8[%dma_wait3A_274] : memref<10240xf32, #tpu.memory_space<vmem_shared>> -> memref<10240xf32, #tpu.memory_space<vmem_shared>>
      tpu.wait_indirect_dma semaphore(%arg28 : memref<!tpu.dma_semaphore, #tpu.memory_space<semaphore_mem>>) src(%arg16 : memref<128xf32, #tpu.memory_space<vmem>>) dst(%dma_wait3A_275 : memref<10240xf32, #tpu.memory_space<vmem_shared>>)
    }
    %scan3A_244 = arith.constant 80 : i32
    %barrier3A_245 = arith.constant 0 : index
    tpu.barrier barrier_id(%barrier3A_245)
    %mul3A_246 = arith.constant 10240 : i32
    %mul3A_247 = arith.muli %arg0, %mul3A_246 : i32
    %add3A_248 = arith.addi %mul3A_247, %mul3A_6 : i32
    %add3A_249 = arith.constant 0 : i32
    %add3A_250 = arith.addi %mul3A_6, %add3A_249 : i32
    %add3A_251 = arith.constant 0 : i32
    %add3A_252 = arith.addi %add3A_248, %add3A_251 : i32
    "tpu.region"() ({
      %run_scoped3A = tpu.sem_alloc : memref<!tpu.dma_semaphore, #tpu.memory_space<semaphore_mem>>
      %dma_start3A_269 = arith.constant 0 : i32
      %dma_start3A_270 = tpu.memref_slice %arg5[%add3A_252, %dma_start3A_269] : memref<20480x64xf32, #tpu.memory_space<hbm>> -> memref<128x64xf32, #tpu.memory_space<hbm>>
      %dma_start3A_271 = arith.constant 0 : i32
      %dma_start3A_272 = tpu.memref_slice %arg7[%add3A_250, %dma_start3A_271] : memref<10240x64xf32, #tpu.memory_space<vmem_shared>> -> memref<128x64xf32, #tpu.memory_space<vmem_shared>>
      tpu.enqueue_dma source(%dma_start3A_272 : memref<128x64xf32, #tpu.memory_space<vmem_shared>>) target(%dma_start3A_270 : memref<128x64xf32, #tpu.memory_space<hbm>>) target_semaphore(%run_scoped3A : memref<!tpu.dma_semaphore, #tpu.memory_space<semaphore_mem>>)
      %dma_wait3A_273 = arith.constant 0 : i32
      %dma_wait3A_274 = tpu.memref_slice %arg5[%add3A_252, %dma_wait3A_273] : memref<20480x64xf32, #tpu.memory_space<hbm>> -> memref<128x64xf32, #tpu.memory_space<hbm>>
      %dma_wait3A_275 = arith.constant 0 : i32
      %dma_wait3A_276 = tpu.memref_slice %arg7[%add3A_250, %dma_wait3A_275] : memref<10240x64xf32, #tpu.memory_space<vmem_shared>> -> memref<128x64xf32, #tpu.memory_space<vmem_shared>>
      tpu.wait_dma2 semaphore(%run_scoped3A : memref<!tpu.dma_semaphore, #tpu.memory_space<semaphore_mem>>) src(%dma_wait3A_276 : memref<128x64xf32, #tpu.memory_space<vmem_shared>>) dst(%dma_wait3A_274 : memref<128x64xf32, #tpu.memory_space<hbm>>)
      tpu.yield
    }) : () -> ()
    %add3A_253 = arith.constant 128 : i32
    %add3A_254 = arith.addi %mul3A_6, %add3A_253 : i32
    %add3A_255 = arith.constant 128 : i32
    %add3A_256 = arith.addi %add3A_248, %add3A_255 : i32
    "tpu.region"() ({
      %run_scoped3A = tpu.sem_alloc : memref<!tpu.dma_semaphore, #tpu.memory_space<semaphore_mem>>
      %dma_start3A_269 = arith.constant 0 : i32
      %dma_start3A_270 = tpu.memref_slice %arg5[%add3A_256, %dma_start3A_269] : memref<20480x64xf32, #tpu.memory_space<hbm>> -> memref<128x64xf32, #tpu.memory_space<hbm>>
      %dma_start3A_271 = arith.constant 0 : i32
      %dma_start3A_272 = tpu.memref_slice %arg7[%add3A_254, %dma_start3A_271] : memref<10240x64xf32, #tpu.memory_space<vmem_shared>> -> memref<128x64xf32, #tpu.memory_space<vmem_shared>>
      tpu.enqueue_dma source(%dma_start3A_272 : memref<128x64xf32, #tpu.memory_space<vmem_shared>>) target(%dma_start3A_270 : memref<128x64xf32, #tpu.memory_space<hbm>>) target_semaphore(%run_scoped3A : memref<!tpu.dma_semaphore, #tpu.memory_space<semaphore_mem>>)
      %dma_wait3A_273 = arith.constant 0 : i32
      %dma_wait3A_274 = tpu.memref_slice %arg5[%add3A_256, %dma_wait3A_273] : memref<20480x64xf32, #tpu.memory_space<hbm>> -> memref<128x64xf32, #tpu.memory_space<hbm>>
      %dma_wait3A_275 = arith.constant 0 : i32
      %dma_wait3A_276 = tpu.memref_slice %arg7[%add3A_254, %dma_wait3A_275] : memref<10240x64xf32, #tpu.memory_space<vmem_shared>> -> memref<128x64xf32, #tpu.memory_space<vmem_shared>>
      tpu.wait_dma2 semaphore(%run_scoped3A : memref<!tpu.dma_semaphore, #tpu.memory_space<semaphore_mem>>) src(%dma_wait3A_276 : memref<128x64xf32, #tpu.memory_space<vmem_shared>>) dst(%dma_wait3A_274 : memref<128x64xf32, #tpu.memory_space<hbm>>)
      tpu.yield
    }) : () -> ()
    %add3A_257 = arith.constant 256 : i32
    %add3A_258 = arith.addi %mul3A_6, %add3A_257 : i32
    %add3A_259 = arith.constant 256 : i32
    %add3A_260 = arith.addi %add3A_248, %add3A_259 : i32
    "tpu.region"() ({
      %run_scoped3A = tpu.sem_alloc : memref<!tpu.dma_semaphore, #tpu.memory_space<semaphore_mem>>
      %dma_start3A_269 = arith.constant 0 : i32
      %dma_start3A_270 = tpu.memref_slice %arg5[%add3A_260, %dma_start3A_269] : memref<20480x64xf32, #tpu.memory_space<hbm>> -> memref<128x64xf32, #tpu.memory_space<hbm>>
      %dma_start3A_271 = arith.constant 0 : i32
      %dma_start3A_272 = tpu.memref_slice %arg7[%add3A_258, %dma_start3A_271] : memref<10240x64xf32, #tpu.memory_space<vmem_shared>> -> memref<128x64xf32, #tpu.memory_space<vmem_shared>>
      tpu.enqueue_dma source(%dma_start3A_272 : memref<128x64xf32, #tpu.memory_space<vmem_shared>>) target(%dma_start3A_270 : memref<128x64xf32, #tpu.memory_space<hbm>>) target_semaphore(%run_scoped3A : memref<!tpu.dma_semaphore, #tpu.memory_space<semaphore_mem>>)
      %dma_wait3A_273 = arith.constant 0 : i32
      %dma_wait3A_274 = tpu.memref_slice %arg5[%add3A_260, %dma_wait3A_273] : memref<20480x64xf32, #tpu.memory_space<hbm>> -> memref<128x64xf32, #tpu.memory_space<hbm>>
      %dma_wait3A_275 = arith.constant 0 : i32
      %dma_wait3A_276 = tpu.memref_slice %arg7[%add3A_258, %dma_wait3A_275] : memref<10240x64xf32, #tpu.memory_space<vmem_shared>> -> memref<128x64xf32, #tpu.memory_space<vmem_shared>>
      tpu.wait_dma2 semaphore(%run_scoped3A : memref<!tpu.dma_semaphore, #tpu.memory_space<semaphore_mem>>) src(%dma_wait3A_276 : memref<128x64xf32, #tpu.memory_space<vmem_shared>>) dst(%dma_wait3A_274 : memref<128x64xf32, #tpu.memory_space<hbm>>)
      tpu.yield
    }) : () -> ()
    %add3A_261 = arith.constant 384 : i32
    %add3A_262 = arith.addi %mul3A_6, %add3A_261 : i32
    %add3A_263 = arith.constant 384 : i32
    %add3A_264 = arith.addi %add3A_248, %add3A_263 : i32
    "tpu.region"() ({
      %run_scoped3A = tpu.sem_alloc : memref<!tpu.dma_semaphore, #tpu.memory_space<semaphore_mem>>
      %dma_start3A_269 = arith.constant 0 : i32
      %dma_start3A_270 = tpu.memref_slice %arg5[%add3A_264, %dma_start3A_269] : memref<20480x64xf32, #tpu.memory_space<hbm>> -> memref<128x64xf32, #tpu.memory_space<hbm>>
      %dma_start3A_271 = arith.constant 0 : i32
      %dma_start3A_272 = tpu.memref_slice %arg7[%add3A_262, %dma_start3A_271] : memref<10240x64xf32, #tpu.memory_space<vmem_shared>> -> memref<128x64xf32, #tpu.memory_space<vmem_shared>>
      tpu.enqueue_dma source(%dma_start3A_272 : memref<128x64xf32, #tpu.memory_space<vmem_shared>>) target(%dma_start3A_270 : memref<128x64xf32, #tpu.memory_space<hbm>>) target_semaphore(%run_scoped3A : memref<!tpu.dma_semaphore, #tpu.memory_space<semaphore_mem>>)
      %dma_wait3A_273 = arith.constant 0 : i32
      %dma_wait3A_274 = tpu.memref_slice %arg5[%add3A_264, %dma_wait3A_273] : memref<20480x64xf32, #tpu.memory_space<hbm>> -> memref<128x64xf32, #tpu.memory_space<hbm>>
      %dma_wait3A_275 = arith.constant 0 : i32
      %dma_wait3A_276 = tpu.memref_slice %arg7[%add3A_262, %dma_wait3A_275] : memref<10240x64xf32, #tpu.memory_space<vmem_shared>> -> memref<128x64xf32, #tpu.memory_space<vmem_shared>>
      tpu.wait_dma2 semaphore(%run_scoped3A : memref<!tpu.dma_semaphore, #tpu.memory_space<semaphore_mem>>) src(%dma_wait3A_276 : memref<128x64xf32, #tpu.memory_space<vmem_shared>>) dst(%dma_wait3A_274 : memref<128x64xf32, #tpu.memory_space<hbm>>)
      tpu.yield
    }) : () -> ()
    %add3A_265 = arith.constant 512 : i32
    %add3A_266 = arith.addi %mul3A_6, %add3A_265 : i32
    %add3A_267 = arith.constant 512 : i32
    %add3A_268 = arith.addi %add3A_248, %add3A_267 : i32
    "tpu.region"() ({
      %run_scoped3A = tpu.sem_alloc : memref<!tpu.dma_semaphore, #tpu.memory_space<semaphore_mem>>
      %dma_start3A_269 = arith.constant 0 : i32
      %dma_start3A_270 = tpu.memref_slice %arg5[%add3A_268, %dma_start3A_269] : memref<20480x64xf32, #tpu.memory_space<hbm>> -> memref<128x64xf32, #tpu.memory_space<hbm>>
      %dma_start3A_271 = arith.constant 0 : i32
      %dma_start3A_272 = tpu.memref_slice %arg7[%add3A_266, %dma_start3A_271] : memref<10240x64xf32, #tpu.memory_space<vmem_shared>> -> memref<128x64xf32, #tpu.memory_space<vmem_shared>>
      tpu.enqueue_dma source(%dma_start3A_272 : memref<128x64xf32, #tpu.memory_space<vmem_shared>>) target(%dma_start3A_270 : memref<128x64xf32, #tpu.memory_space<hbm>>) target_semaphore(%run_scoped3A : memref<!tpu.dma_semaphore, #tpu.memory_space<semaphore_mem>>)
      %dma_wait3A_273 = arith.constant 0 : i32
      %dma_wait3A_274 = tpu.memref_slice %arg5[%add3A_268, %dma_wait3A_273] : memref<20480x64xf32, #tpu.memory_space<hbm>> -> memref<128x64xf32, #tpu.memory_space<hbm>>
      %dma_wait3A_275 = arith.constant 0 : i32
      %dma_wait3A_276 = tpu.memref_slice %arg7[%add3A_266, %dma_wait3A_275] : memref<10240x64xf32, #tpu.memory_space<vmem_shared>> -> memref<128x64xf32, #tpu.memory_space<vmem_shared>>
      tpu.wait_dma2 semaphore(%run_scoped3A : memref<!tpu.dma_semaphore, #tpu.memory_space<semaphore_mem>>) src(%dma_wait3A_276 : memref<128x64xf32, #tpu.memory_space<vmem_shared>>) dst(%dma_wait3A_274 : memref<128x64xf32, #tpu.memory_space<hbm>>)
      tpu.yield
    }) : () -> ()
    "tpu.region"() ({
      %run_scoped3A = tpu.sem_alloc : memref<!tpu.dma_semaphore, #tpu.memory_space<semaphore_mem>>
      %dma_start3A_269 = tpu.memref_slice %arg6[%add3A_248] : memref<20480xf32, #tpu.memory_space<hbm>> -> memref<640xf32, #tpu.memory_space<hbm>>
      %dma_start3A_270 = tpu.memref_slice %arg8[%mul3A_6] : memref<10240xf32, #tpu.memory_space<vmem_shared>> -> memref<640xf32, #tpu.memory_space<vmem_shared>>
      tpu.enqueue_dma source(%dma_start3A_270 : memref<640xf32, #tpu.memory_space<vmem_shared>>) target(%dma_start3A_269 : memref<640xf32, #tpu.memory_space<hbm>>) target_semaphore(%run_scoped3A : memref<!tpu.dma_semaphore, #tpu.memory_space<semaphore_mem>>)
      %dma_wait3A_271 = tpu.memref_slice %arg6[%add3A_248] : memref<20480xf32, #tpu.memory_space<hbm>> -> memref<640xf32, #tpu.memory_space<hbm>>
      %dma_wait3A_272 = tpu.memref_slice %arg8[%mul3A_6] : memref<10240xf32, #tpu.memory_space<vmem_shared>> -> memref<640xf32, #tpu.memory_space<vmem_shared>>
      tpu.wait_dma2 semaphore(%run_scoped3A : memref<!tpu.dma_semaphore, #tpu.memory_space<semaphore_mem>>) src(%dma_wait3A_272 : memref<640xf32, #tpu.memory_space<vmem_shared>>) dst(%dma_wait3A_271 : memref<640xf32, #tpu.memory_space<hbm>>)
      tpu.yield
    }) : () -> ()
    return
  }
}

#map = affine_map<(d0, d1) -> (0, 0)>
module attributes {stable_mosaic.version = 14 : i64} {
  func.func @_sc_agg_body(%arg0: i32, %arg1: i32, %arg2: memref<20480x64xf32, #tpu.memory_space<hbm>>, %arg3: memref<5120x128xi32, #tpu.memory_space<hbm>>, %arg4: memref<2560x128xi32, #tpu.memory_space<hbm>>, %arg5: memref<20480x64xf32, #tpu.memory_space<hbm>>, %arg6: memref<10240x64xf32, #tpu.memory_space<vmem_shared>>, %arg7: memref<160x128xi32, #tpu.memory_space<vmem>>, %arg8: memref<160x128xi32, #tpu.memory_space<vmem>>, %arg9: memref<128x64xf32, #tpu.memory_space<vmem>>, %arg10: memref<128x64xf32, #tpu.memory_space<vmem>>, %arg11: memref<128x64xf32, #tpu.memory_space<vmem>>, %arg12: memref<128x64xf32, #tpu.memory_space<vmem>>, %arg13: memref<128x64xf32, #tpu.memory_space<vmem>>, %arg14: memref<!tpu.dma_semaphore, #tpu.memory_space<semaphore_mem>>, %arg15: memref<!tpu.dma_semaphore, #tpu.memory_space<semaphore_mem>>, %arg16: memref<!tpu.dma_semaphore, #tpu.memory_space<semaphore_mem>>, %arg17: memref<!tpu.dma_semaphore, #tpu.memory_space<semaphore_mem>>, %arg18: memref<!tpu.dma_semaphore, #tpu.memory_space<semaphore_mem>>, %arg19: memref<!tpu.dma_semaphore, #tpu.memory_space<semaphore_mem>>, %arg20: memref<!tpu.dma_semaphore, #tpu.memory_space<semaphore_mem>>, %arg21: memref<!tpu.dma_semaphore, #tpu.memory_space<semaphore_mem>>, %arg22: memref<!tpu.dma_semaphore, #tpu.memory_space<semaphore_mem>>, %arg23: memref<!tpu.dma_semaphore, #tpu.memory_space<semaphore_mem>>) attributes {dimension_semantics = [#tpu.dimension_semantics<core_parallel>, #tpu.dimension_semantics<subcore_parallel>], iteration_bounds = array<i64: 2, 16>, scalar_prefetch = 0 : i64, scratch_operands = 18 : i64, tpu.core_type = #tpu.core_type<sc_vector_subcore>, window_params = [{transform_indices = #map}, {transform_indices = #map}, {transform_indices = #map}, {transform_indices = #map}]} {
    %broadcast_in_dim3A = arith.constant 0.000000e+00 : f32
    %broadcast_in_dim3A_0 = vector.broadcast %broadcast_in_dim3A : f32 to vector<16xf32>
    %scan3A = arith.constant 0 : i32
    %scan3A_1 = arith.constant 0 : i32
    %scan3A_2 = arith.constant 128 : i32
    %scan3A_3 = arith.addi %scan3A_1, %scan3A_2 : i32
    %scan3A_4 = arith.constant 1 : i32
    scf.for %scan3A_193 = %scan3A_1 to %scan3A_3 step %scan3A_4  : i32 {
      %swap3A = arith.index_cast %scan3A_193 : i32 to index
      %swap3A_194 = arith.constant 0 : index
      %swap3A_195 = tpu.vector_load %arg9[%swap3A, %swap3A_194] {strides = array<i32>} : memref<128x64xf32, #tpu.memory_space<vmem>>, vector<1x16xf32>,
      %swap3A_196 = vector.shape_cast %swap3A_195 : vector<1x16xf32> to vector<16xf32>
      %swap3A_197 = vector.shape_cast %broadcast_in_dim3A_0 : vector<16xf32> to vector<1x16xf32>
      tpu.vector_store %arg9[%swap3A, %swap3A_194], %swap3A_197 {strides = array<i32>} : memref<128x64xf32, #tpu.memory_space<vmem>>, vector<1x16xf32>,
      %swap3A_198 = arith.index_cast %scan3A_193 : i32 to index
      %swap3A_199 = arith.constant 16 : index
      %swap3A_200 = tpu.vector_load %arg9[%swap3A_198, %swap3A_199] {strides = array<i32>} : memref<128x64xf32, #tpu.memory_space<vmem>>, vector<1x16xf32>,
      %swap3A_201 = vector.shape_cast %swap3A_200 : vector<1x16xf32> to vector<16xf32>
      %swap3A_202 = vector.shape_cast %broadcast_in_dim3A_0 : vector<16xf32> to vector<1x16xf32>
      tpu.vector_store %arg9[%swap3A_198, %swap3A_199], %swap3A_202 {strides = array<i32>} : memref<128x64xf32, #tpu.memory_space<vmem>>, vector<1x16xf32>,
      %swap3A_203 = arith.index_cast %scan3A_193 : i32 to index
      %swap3A_204 = arith.constant 32 : index
      %swap3A_205 = tpu.vector_load %arg9[%swap3A_203, %swap3A_204] {strides = array<i32>} : memref<128x64xf32, #tpu.memory_space<vmem>>, vector<1x16xf32>,
      %swap3A_206 = vector.shape_cast %swap3A_205 : vector<1x16xf32> to vector<16xf32>
      %swap3A_207 = vector.shape_cast %broadcast_in_dim3A_0 : vector<16xf32> to vector<1x16xf32>
      tpu.vector_store %arg9[%swap3A_203, %swap3A_204], %swap3A_207 {strides = array<i32>} : memref<128x64xf32, #tpu.memory_space<vmem>>, vector<1x16xf32>,
      %swap3A_208 = arith.index_cast %scan3A_193 : i32 to index
      %swap3A_209 = arith.constant 48 : index
      %swap3A_210 = tpu.vector_load %arg9[%swap3A_208, %swap3A_209] {strides = array<i32>} : memref<128x64xf32, #tpu.memory_space<vmem>>, vector<1x16xf32>,
      %swap3A_211 = vector.shape_cast %swap3A_210 : vector<1x16xf32> to vector<16xf32>
      %swap3A_212 = vector.shape_cast %broadcast_in_dim3A_0 : vector<16xf32> to vector<1x16xf32>
      tpu.vector_store %arg9[%swap3A_208, %swap3A_209], %swap3A_212 {strides = array<i32>} : memref<128x64xf32, #tpu.memory_space<vmem>>, vector<1x16xf32>,
    }
    %scan3A_5 = arith.constant 128 : i32
    %mul3A = arith.constant 640 : i32
    %mul3A_6 = arith.muli %arg1, %mul3A : i32
    %add3A = arith.constant 0 : i32
    %add3A_7 = arith.addi %mul3A_6, %add3A : i32
    "tpu.region"() ({
      %run_scoped3A = tpu.sem_alloc : memref<!tpu.dma_semaphore, #tpu.memory_space<semaphore_mem>>
      %dma_start3A_193 = arith.constant 0 : i32
      %dma_start3A_194 = tpu.memref_slice %arg6[%add3A_7, %dma_start3A_193] : memref<10240x64xf32, #tpu.memory_space<vmem_shared>> -> memref<128x64xf32, #tpu.memory_space<vmem_shared>>
      %dma_start3A_195 = arith.constant 0 : i32
      %dma_start3A_196 = tpu.memref_slice %arg6[%add3A_7, %dma_start3A_195] : memref<10240x64xf32, #tpu.memory_space<vmem_shared>> -> memref<128x64xf32, #tpu.memory_space<vmem_shared>>
      tpu.enqueue_dma source(%arg9 : memref<128x64xf32, #tpu.memory_space<vmem>>) target(%dma_start3A_196 : memref<128x64xf32, #tpu.memory_space<vmem_shared>>) target_semaphore(%run_scoped3A : memref<!tpu.dma_semaphore, #tpu.memory_space<semaphore_mem>>)
      %dma_wait3A_197 = arith.constant 0 : i32
      %dma_wait3A_198 = tpu.memref_slice %arg6[%add3A_7, %dma_wait3A_197] : memref<10240x64xf32, #tpu.memory_space<vmem_shared>> -> memref<128x64xf32, #tpu.memory_space<vmem_shared>>
      %dma_wait3A_199 = arith.constant 0 : i32
      %dma_wait3A_200 = tpu.memref_slice %arg6[%add3A_7, %dma_wait3A_199] : memref<10240x64xf32, #tpu.memory_space<vmem_shared>> -> memref<128x64xf32, #tpu.memory_space<vmem_shared>>
      tpu.wait_dma2 semaphore(%run_scoped3A : memref<!tpu.dma_semaphore, #tpu.memory_space<semaphore_mem>>) src(%arg9 : memref<128x64xf32, #tpu.memory_space<vmem>>) dst(%dma_wait3A_200 : memref<128x64xf32, #tpu.memory_space<vmem_shared>>)
      tpu.yield
    }) : () -> ()
    %add3A_8 = arith.constant 128 : i32
    %add3A_9 = arith.addi %mul3A_6, %add3A_8 : i32
    "tpu.region"() ({
      %run_scoped3A = tpu.sem_alloc : memref<!tpu.dma_semaphore, #tpu.memory_space<semaphore_mem>>
      %dma_start3A_193 = arith.constant 0 : i32
      %dma_start3A_194 = tpu.memref_slice %arg6[%add3A_9, %dma_start3A_193] : memref<10240x64xf32, #tpu.memory_space<vmem_shared>> -> memref<128x64xf32, #tpu.memory_space<vmem_shared>>
      %dma_start3A_195 = arith.constant 0 : i32
      %dma_start3A_196 = tpu.memref_slice %arg6[%add3A_9, %dma_start3A_195] : memref<10240x64xf32, #tpu.memory_space<vmem_shared>> -> memref<128x64xf32, #tpu.memory_space<vmem_shared>>
      tpu.enqueue_dma source(%arg9 : memref<128x64xf32, #tpu.memory_space<vmem>>) target(%dma_start3A_196 : memref<128x64xf32, #tpu.memory_space<vmem_shared>>) target_semaphore(%run_scoped3A : memref<!tpu.dma_semaphore, #tpu.memory_space<semaphore_mem>>)
      %dma_wait3A_197 = arith.constant 0 : i32
      %dma_wait3A_198 = tpu.memref_slice %arg6[%add3A_9, %dma_wait3A_197] : memref<10240x64xf32, #tpu.memory_space<vmem_shared>> -> memref<128x64xf32, #tpu.memory_space<vmem_shared>>
      %dma_wait3A_199 = arith.constant 0 : i32
      %dma_wait3A_200 = tpu.memref_slice %arg6[%add3A_9, %dma_wait3A_199] : memref<10240x64xf32, #tpu.memory_space<vmem_shared>> -> memref<128x64xf32, #tpu.memory_space<vmem_shared>>
      tpu.wait_dma2 semaphore(%run_scoped3A : memref<!tpu.dma_semaphore, #tpu.memory_space<semaphore_mem>>) src(%arg9 : memref<128x64xf32, #tpu.memory_space<vmem>>) dst(%dma_wait3A_200 : memref<128x64xf32, #tpu.memory_space<vmem_shared>>)
      tpu.yield
    }) : () -> ()
    %add3A_10 = arith.constant 256 : i32
    %add3A_11 = arith.addi %mul3A_6, %add3A_10 : i32
    "tpu.region"() ({
      %run_scoped3A = tpu.sem_alloc : memref<!tpu.dma_semaphore, #tpu.memory_space<semaphore_mem>>
      %dma_start3A_193 = arith.constant 0 : i32
      %dma_start3A_194 = tpu.memref_slice %arg6[%add3A_11, %dma_start3A_193] : memref<10240x64xf32, #tpu.memory_space<vmem_shared>> -> memref<128x64xf32, #tpu.memory_space<vmem_shared>>
      %dma_start3A_195 = arith.constant 0 : i32
      %dma_start3A_196 = tpu.memref_slice %arg6[%add3A_11, %dma_start3A_195] : memref<10240x64xf32, #tpu.memory_space<vmem_shared>> -> memref<128x64xf32, #tpu.memory_space<vmem_shared>>
      tpu.enqueue_dma source(%arg9 : memref<128x64xf32, #tpu.memory_space<vmem>>) target(%dma_start3A_196 : memref<128x64xf32, #tpu.memory_space<vmem_shared>>) target_semaphore(%run_scoped3A : memref<!tpu.dma_semaphore, #tpu.memory_space<semaphore_mem>>)
      %dma_wait3A_197 = arith.constant 0 : i32
      %dma_wait3A_198 = tpu.memref_slice %arg6[%add3A_11, %dma_wait3A_197] : memref<10240x64xf32, #tpu.memory_space<vmem_shared>> -> memref<128x64xf32, #tpu.memory_space<vmem_shared>>
      %dma_wait3A_199 = arith.constant 0 : i32
      %dma_wait3A_200 = tpu.memref_slice %arg6[%add3A_11, %dma_wait3A_199] : memref<10240x64xf32, #tpu.memory_space<vmem_shared>> -> memref<128x64xf32, #tpu.memory_space<vmem_shared>>
      tpu.wait_dma2 semaphore(%run_scoped3A : memref<!tpu.dma_semaphore, #tpu.memory_space<semaphore_mem>>) src(%arg9 : memref<128x64xf32, #tpu.memory_space<vmem>>) dst(%dma_wait3A_200 : memref<128x64xf32, #tpu.memory_space<vmem_shared>>)
      tpu.yield
    }) : () -> ()
    %add3A_12 = arith.constant 384 : i32
    %add3A_13 = arith.addi %mul3A_6, %add3A_12 : i32
    "tpu.region"() ({
      %run_scoped3A = tpu.sem_alloc : memref<!tpu.dma_semaphore, #tpu.memory_space<semaphore_mem>>
      %dma_start3A_193 = arith.constant 0 : i32
      %dma_start3A_194 = tpu.memref_slice %arg6[%add3A_13, %dma_start3A_193] : memref<10240x64xf32, #tpu.memory_space<vmem_shared>> -> memref<128x64xf32, #tpu.memory_space<vmem_shared>>
      %dma_start3A_195 = arith.constant 0 : i32
      %dma_start3A_196 = tpu.memref_slice %arg6[%add3A_13, %dma_start3A_195] : memref<10240x64xf32, #tpu.memory_space<vmem_shared>> -> memref<128x64xf32, #tpu.memory_space<vmem_shared>>
      tpu.enqueue_dma source(%arg9 : memref<128x64xf32, #tpu.memory_space<vmem>>) target(%dma_start3A_196 : memref<128x64xf32, #tpu.memory_space<vmem_shared>>) target_semaphore(%run_scoped3A : memref<!tpu.dma_semaphore, #tpu.memory_space<semaphore_mem>>)
      %dma_wait3A_197 = arith.constant 0 : i32
      %dma_wait3A_198 = tpu.memref_slice %arg6[%add3A_13, %dma_wait3A_197] : memref<10240x64xf32, #tpu.memory_space<vmem_shared>> -> memref<128x64xf32, #tpu.memory_space<vmem_shared>>
      %dma_wait3A_199 = arith.constant 0 : i32
      %dma_wait3A_200 = tpu.memref_slice %arg6[%add3A_13, %dma_wait3A_199] : memref<10240x64xf32, #tpu.memory_space<vmem_shared>> -> memref<128x64xf32, #tpu.memory_space<vmem_shared>>
      tpu.wait_dma2 semaphore(%run_scoped3A : memref<!tpu.dma_semaphore, #tpu.memory_space<semaphore_mem>>) src(%arg9 : memref<128x64xf32, #tpu.memory_space<vmem>>) dst(%dma_wait3A_200 : memref<128x64xf32, #tpu.memory_space<vmem_shared>>)
      tpu.yield
    }) : () -> ()
    %add3A_14 = arith.constant 512 : i32
    %add3A_15 = arith.addi %mul3A_6, %add3A_14 : i32
    "tpu.region"() ({
      %run_scoped3A = tpu.sem_alloc : memref<!tpu.dma_semaphore, #tpu.memory_space<semaphore_mem>>
      %dma_start3A_193 = arith.constant 0 : i32
      %dma_start3A_194 = tpu.memref_slice %arg6[%add3A_15, %dma_start3A_193] : memref<10240x64xf32, #tpu.memory_space<vmem_shared>> -> memref<128x64xf32, #tpu.memory_space<vmem_shared>>
      %dma_start3A_195 = arith.constant 0 : i32
      %dma_start3A_196 = tpu.memref_slice %arg6[%add3A_15, %dma_start3A_195] : memref<10240x64xf32, #tpu.memory_space<vmem_shared>> -> memref<128x64xf32, #tpu.memory_space<vmem_shared>>
      tpu.enqueue_dma source(%arg9 : memref<128x64xf32, #tpu.memory_space<vmem>>) target(%dma_start3A_196 : memref<128x64xf32, #tpu.memory_space<vmem_shared>>) target_semaphore(%run_scoped3A : memref<!tpu.dma_semaphore, #tpu.memory_space<semaphore_mem>>)
      %dma_wait3A_197 = arith.constant 0 : i32
      %dma_wait3A_198 = tpu.memref_slice %arg6[%add3A_15, %dma_wait3A_197] : memref<10240x64xf32, #tpu.memory_space<vmem_shared>> -> memref<128x64xf32, #tpu.memory_space<vmem_shared>>
      %dma_wait3A_199 = arith.constant 0 : i32
      %dma_wait3A_200 = tpu.memref_slice %arg6[%add3A_15, %dma_wait3A_199] : memref<10240x64xf32, #tpu.memory_space<vmem_shared>> -> memref<128x64xf32, #tpu.memory_space<vmem_shared>>
      tpu.wait_dma2 semaphore(%run_scoped3A : memref<!tpu.dma_semaphore, #tpu.memory_space<semaphore_mem>>) src(%arg9 : memref<128x64xf32, #tpu.memory_space<vmem>>) dst(%dma_wait3A_200 : memref<128x64xf32, #tpu.memory_space<vmem_shared>>)
      tpu.yield
    }) : () -> ()
    %mul3A_16 = arith.constant 16 : i32
    %mul3A_17 = arith.muli %arg0, %mul3A_16 : i32
    %mul3A_18 = arith.constant 160 : i32
    %mul3A_19 = arith.muli %mul3A_17, %mul3A_18 : i32
    %mul3A_20 = arith.constant 160 : i32
    %mul3A_21 = arith.muli %arg1, %mul3A_20 : i32
    %add3A_22 = arith.addi %mul3A_19, %mul3A_21 : i32
    "tpu.region"() ({
      %run_scoped3A = tpu.sem_alloc : memref<!tpu.dma_semaphore, #tpu.memory_space<semaphore_mem>>
      %dma_start3A_193 = arith.constant 0 : i32
      %dma_start3A_194 = tpu.memref_slice %arg3[%add3A_22, %dma_start3A_193] : memref<5120x128xi32, #tpu.memory_space<hbm>> -> memref<160x128xi32, #tpu.memory_space<hbm>>
      %dma_start3A_195 = arith.constant 0 : i32
      %dma_start3A_196 = tpu.memref_slice %arg3[%add3A_22, %dma_start3A_195] : memref<5120x128xi32, #tpu.memory_space<hbm>> -> memref<160x128xi32, #tpu.memory_space<hbm>>
      tpu.enqueue_dma source(%dma_start3A_196 : memref<160x128xi32, #tpu.memory_space<hbm>>) target(%arg7 : memref<160x128xi32, #tpu.memory_space<vmem>>) target_semaphore(%run_scoped3A : memref<!tpu.dma_semaphore, #tpu.memory_space<semaphore_mem>>)
      %dma_wait3A_197 = arith.constant 0 : i32
      %dma_wait3A_198 = tpu.memref_slice %arg3[%add3A_22, %dma_wait3A_197] : memref<5120x128xi32, #tpu.memory_space<hbm>> -> memref<160x128xi32, #tpu.memory_space<hbm>>
      %dma_wait3A_199 = arith.constant 0 : i32
      %dma_wait3A_200 = tpu.memref_slice %arg3[%add3A_22, %dma_wait3A_199] : memref<5120x128xi32, #tpu.memory_space<hbm>> -> memref<160x128xi32, #tpu.memory_space<hbm>>
      tpu.wait_dma2 semaphore(%run_scoped3A : memref<!tpu.dma_semaphore, #tpu.memory_space<semaphore_mem>>) src(%dma_wait3A_200 : memref<160x128xi32, #tpu.memory_space<hbm>>) dst(%arg7 : memref<160x128xi32, #tpu.memory_space<vmem>>)
      tpu.yield
    }) : () -> ()
    %mul3A_23 = arith.constant 160 : i32
    %mul3A_24 = arith.muli %arg1, %mul3A_23 : i32
    "tpu.region"() ({
      %run_scoped3A = tpu.sem_alloc : memref<!tpu.dma_semaphore, #tpu.memory_space<semaphore_mem>>
      %dma_start3A_193 = arith.constant 0 : i32
      %dma_start3A_194 = tpu.memref_slice %arg4[%mul3A_24, %dma_start3A_193] : memref<2560x128xi32, #tpu.memory_space<hbm>> -> memref<160x128xi32, #tpu.memory_space<hbm>>
      %dma_start3A_195 = arith.constant 0 : i32
      %dma_start3A_196 = tpu.memref_slice %arg4[%mul3A_24, %dma_start3A_195] : memref<2560x128xi32, #tpu.memory_space<hbm>> -> memref<160x128xi32, #tpu.memory_space<hbm>>
      tpu.enqueue_dma source(%dma_start3A_196 : memref<160x128xi32, #tpu.memory_space<hbm>>) target(%arg8 : memref<160x128xi32, #tpu.memory_space<vmem>>) target_semaphore(%run_scoped3A : memref<!tpu.dma_semaphore, #tpu.memory_space<semaphore_mem>>)
      %dma_wait3A_197 = arith.constant 0 : i32
      %dma_wait3A_198 = tpu.memref_slice %arg4[%mul3A_24, %dma_wait3A_197] : memref<2560x128xi32, #tpu.memory_space<hbm>> -> memref<160x128xi32, #tpu.memory_space<hbm>>
      %dma_wait3A_199 = arith.constant 0 : i32
      %dma_wait3A_200 = tpu.memref_slice %arg4[%mul3A_24, %dma_wait3A_199] : memref<2560x128xi32, #tpu.memory_space<hbm>> -> memref<160x128xi32, #tpu.memory_space<hbm>>
      tpu.wait_dma2 semaphore(%run_scoped3A : memref<!tpu.dma_semaphore, #tpu.memory_space<semaphore_mem>>) src(%dma_wait3A_200 : memref<160x128xi32, #tpu.memory_space<hbm>>) dst(%arg8 : memref<160x128xi32, #tpu.memory_space<vmem>>)
      tpu.yield
    }) : () -> ()
    %dma_start3A = arith.constant 0 : i32
    %dma_start3A_25 = arith.constant 0 : i32
    %dma_start3A_26 = tpu.memref_slice %arg7[%dma_start3A, %dma_start3A_25] : memref<160x128xi32, #tpu.memory_space<vmem>> -> memref<1x128xi32, #tpu.memory_space<vmem>>
    %dma_start3A_27 = tpu.memref_squeeze %dma_start3A_26 : memref<1x128xi32, #tpu.memory_space<vmem>> -> memref<128xi32, #tpu.memory_space<vmem>>
    %dma_start3A_28 = arith.constant 0 : i32
    %dma_start3A_29 = arith.constant 0 : i32
    %dma_start3A_30 = tpu.memref_slice %arg2[%dma_start3A_28, %dma_start3A_29] : memref<20480x64xf32, #tpu.memory_space<hbm>> -> memref<20480x64xf32, #tpu.memory_space<hbm>>
    tpu.enqueue_indirect_dma source(%dma_start3A_30 : memref<20480x64xf32, #tpu.memory_space<hbm>>) target(%arg9 : memref<128x64xf32, #tpu.memory_space<vmem>>) offsets(%dma_start3A_27 : memref<128xi32, #tpu.memory_space<vmem>>) semaphore(%arg14 : memref<!tpu.dma_semaphore, #tpu.memory_space<semaphore_mem>>)
    %dma_start3A_31 = arith.constant 1 : i32
    %dma_start3A_32 = arith.constant 0 : i32
    %dma_start3A_33 = tpu.memref_slice %arg7[%dma_start3A_31, %dma_start3A_32] : memref<160x128xi32, #tpu.memory_space<vmem>> -> memref<1x128xi32, #tpu.memory_space<vmem>>
    %dma_start3A_34 = tpu.memref_squeeze %dma_start3A_33 : memref<1x128xi32, #tpu.memory_space<vmem>> -> memref<128xi32, #tpu.memory_space<vmem>>
    %dma_start3A_35 = arith.constant 0 : i32
    %dma_start3A_36 = arith.constant 0 : i32
    %dma_start3A_37 = tpu.memref_slice %arg2[%dma_start3A_35, %dma_start3A_36] : memref<20480x64xf32, #tpu.memory_space<hbm>> -> memref<20480x64xf32, #tpu.memory_space<hbm>>
    tpu.enqueue_indirect_dma source(%dma_start3A_37 : memref<20480x64xf32, #tpu.memory_space<hbm>>) target(%arg10 : memref<128x64xf32, #tpu.memory_space<vmem>>) offsets(%dma_start3A_34 : memref<128xi32, #tpu.memory_space<vmem>>) semaphore(%arg15 : memref<!tpu.dma_semaphore, #tpu.memory_space<semaphore_mem>>)
    %dma_start3A_38 = arith.constant 2 : i32
    %dma_start3A_39 = arith.constant 0 : i32
    %dma_start3A_40 = tpu.memref_slice %arg7[%dma_start3A_38, %dma_start3A_39] : memref<160x128xi32, #tpu.memory_space<vmem>> -> memref<1x128xi32, #tpu.memory_space<vmem>>
    %dma_start3A_41 = tpu.memref_squeeze %dma_start3A_40 : memref<1x128xi32, #tpu.memory_space<vmem>> -> memref<128xi32, #tpu.memory_space<vmem>>
    %dma_start3A_42 = arith.constant 0 : i32
    %dma_start3A_43 = arith.constant 0 : i32
    %dma_start3A_44 = tpu.memref_slice %arg2[%dma_start3A_42, %dma_start3A_43] : memref<20480x64xf32, #tpu.memory_space<hbm>> -> memref<20480x64xf32, #tpu.memory_space<hbm>>
    tpu.enqueue_indirect_dma source(%dma_start3A_44 : memref<20480x64xf32, #tpu.memory_space<hbm>>) target(%arg11 : memref<128x64xf32, #tpu.memory_space<vmem>>) offsets(%dma_start3A_41 : memref<128xi32, #tpu.memory_space<vmem>>) semaphore(%arg16 : memref<!tpu.dma_semaphore, #tpu.memory_space<semaphore_mem>>)
    %dma_start3A_45 = arith.constant 3 : i32
    %dma_start3A_46 = arith.constant 0 : i32
    %dma_start3A_47 = tpu.memref_slice %arg7[%dma_start3A_45, %dma_start3A_46] : memref<160x128xi32, #tpu.memory_space<vmem>> -> memref<1x128xi32, #tpu.memory_space<vmem>>
    %dma_start3A_48 = tpu.memref_squeeze %dma_start3A_47 : memref<1x128xi32, #tpu.memory_space<vmem>> -> memref<128xi32, #tpu.memory_space<vmem>>
    %dma_start3A_49 = arith.constant 0 : i32
    %dma_start3A_50 = arith.constant 0 : i32
    %dma_start3A_51 = tpu.memref_slice %arg2[%dma_start3A_49, %dma_start3A_50] : memref<20480x64xf32, #tpu.memory_space<hbm>> -> memref<20480x64xf32, #tpu.memory_space<hbm>>
    tpu.enqueue_indirect_dma source(%dma_start3A_51 : memref<20480x64xf32, #tpu.memory_space<hbm>>) target(%arg12 : memref<128x64xf32, #tpu.memory_space<vmem>>) offsets(%dma_start3A_48 : memref<128xi32, #tpu.memory_space<vmem>>) semaphore(%arg17 : memref<!tpu.dma_semaphore, #tpu.memory_space<semaphore_mem>>)
    %dma_start3A_52 = arith.constant 4 : i32
    %dma_start3A_53 = arith.constant 0 : i32
    %dma_start3A_54 = tpu.memref_slice %arg7[%dma_start3A_52, %dma_start3A_53] : memref<160x128xi32, #tpu.memory_space<vmem>> -> memref<1x128xi32, #tpu.memory_space<vmem>>
    %dma_start3A_55 = tpu.memref_squeeze %dma_start3A_54 : memref<1x128xi32, #tpu.memory_space<vmem>> -> memref<128xi32, #tpu.memory_space<vmem>>
    %dma_start3A_56 = arith.constant 0 : i32
    %dma_start3A_57 = arith.constant 0 : i32
    %dma_start3A_58 = tpu.memref_slice %arg2[%dma_start3A_56, %dma_start3A_57] : memref<20480x64xf32, #tpu.memory_space<hbm>> -> memref<20480x64xf32, #tpu.memory_space<hbm>>
    tpu.enqueue_indirect_dma source(%dma_start3A_58 : memref<20480x64xf32, #tpu.memory_space<hbm>>) target(%arg13 : memref<128x64xf32, #tpu.memory_space<vmem>>) offsets(%dma_start3A_55 : memref<128xi32, #tpu.memory_space<vmem>>) semaphore(%arg18 : memref<!tpu.dma_semaphore, #tpu.memory_space<semaphore_mem>>)
    %barrier3A = arith.constant 0 : index
    tpu.barrier barrier_id(%barrier3A)
    %scan3A_59 = arith.constant 0 : i32
    %scan3A_60 = arith.constant 0 : i32
    %scan3A_61 = arith.constant 31 : i32
    %scan3A_62 = arith.addi %scan3A_60, %scan3A_61 : i32
    %scan3A_63 = arith.constant 1 : i32
    scf.for %scan3A_193 = %scan3A_60 to %scan3A_62 step %scan3A_63  : i32 {
      %mul3A_194 = arith.constant 5 : i32
      %mul3A_195 = arith.muli %mul3A_194, %scan3A_193 : i32
      %add3A_196 = arith.constant 0 : i32
      %add3A_197 = arith.addi %mul3A_195, %add3A_196 : i32
      %dma_wait3A_198 = arith.constant 0 : i32
      %dma_wait3A_199 = tpu.memref_slice %arg7[%add3A_197, %dma_wait3A_198] : memref<160x128xi32, #tpu.memory_space<vmem>> -> memref<1x128xi32, #tpu.memory_space<vmem>>
      %dma_wait3A_200 = tpu.memref_squeeze %dma_wait3A_199 : memref<1x128xi32, #tpu.memory_space<vmem>> -> memref<128xi32, #tpu.memory_space<vmem>>
      %dma_wait3A_201 = arith.constant 0 : i32
      %dma_wait3A_202 = arith.constant 0 : i32
      %dma_wait3A_203 = tpu.memref_slice %arg2[%dma_wait3A_201, %dma_wait3A_202] : memref<20480x64xf32, #tpu.memory_space<hbm>> -> memref<20480x64xf32, #tpu.memory_space<hbm>>
      tpu.wait_indirect_dma semaphore(%arg14 : memref<!tpu.dma_semaphore, #tpu.memory_space<semaphore_mem>>) src(%dma_wait3A_203 : memref<20480x64xf32, #tpu.memory_space<hbm>>) dst(%arg9 : memref<128x64xf32, #tpu.memory_space<vmem>>)
      %dma_start3A_204 = arith.constant 0 : i32
      %dma_start3A_205 = tpu.memref_slice %arg8[%add3A_197, %dma_start3A_204] : memref<160x128xi32, #tpu.memory_space<vmem>> -> memref<1x128xi32, #tpu.memory_space<vmem>>
      %dma_start3A_206 = tpu.memref_squeeze %dma_start3A_205 : memref<1x128xi32, #tpu.memory_space<vmem>> -> memref<128xi32, #tpu.memory_space<vmem>>
      %dma_start3A_207 = arith.constant 0 : i32
      %dma_start3A_208 = arith.constant 0 : i32
      %dma_start3A_209 = tpu.memref_slice %arg6[%dma_start3A_207, %dma_start3A_208] : memref<10240x64xf32, #tpu.memory_space<vmem_shared>> -> memref<10240x64xf32, #tpu.memory_space<vmem_shared>>
      tpu.enqueue_indirect_dma source(%arg9 : memref<128x64xf32, #tpu.memory_space<vmem>>) target(%dma_start3A_209 : memref<10240x64xf32, #tpu.memory_space<vmem_shared>>) offsets(%dma_start3A_206 : memref<128xi32, #tpu.memory_space<vmem>>) semaphore(%arg19 : memref<!tpu.dma_semaphore, #tpu.memory_space<semaphore_mem>>) {add = true}
      %mul3A_210 = arith.constant 5 : i32
      %mul3A_211 = arith.muli %mul3A_210, %scan3A_193 : i32
      %add3A_212 = arith.constant 1 : i32
      %add3A_213 = arith.addi %mul3A_211, %add3A_212 : i32
      %dma_wait3A_214 = arith.constant 0 : i32
      %dma_wait3A_215 = tpu.memref_slice %arg7[%add3A_213, %dma_wait3A_214] : memref<160x128xi32, #tpu.memory_space<vmem>> -> memref<1x128xi32, #tpu.memory_space<vmem>>
      %dma_wait3A_216 = tpu.memref_squeeze %dma_wait3A_215 : memref<1x128xi32, #tpu.memory_space<vmem>> -> memref<128xi32, #tpu.memory_space<vmem>>
      %dma_wait3A_217 = arith.constant 0 : i32
      %dma_wait3A_218 = arith.constant 0 : i32
      %dma_wait3A_219 = tpu.memref_slice %arg2[%dma_wait3A_217, %dma_wait3A_218] : memref<20480x64xf32, #tpu.memory_space<hbm>> -> memref<20480x64xf32, #tpu.memory_space<hbm>>
      tpu.wait_indirect_dma semaphore(%arg15 : memref<!tpu.dma_semaphore, #tpu.memory_space<semaphore_mem>>) src(%dma_wait3A_219 : memref<20480x64xf32, #tpu.memory_space<hbm>>) dst(%arg10 : memref<128x64xf32, #tpu.memory_space<vmem>>)
      %dma_start3A_220 = arith.constant 0 : i32
      %dma_start3A_221 = tpu.memref_slice %arg8[%add3A_213, %dma_start3A_220] : memref<160x128xi32, #tpu.memory_space<vmem>> -> memref<1x128xi32, #tpu.memory_space<vmem>>
      %dma_start3A_222 = tpu.memref_squeeze %dma_start3A_221 : memref<1x128xi32, #tpu.memory_space<vmem>> -> memref<128xi32, #tpu.memory_space<vmem>>
      %dma_start3A_223 = arith.constant 0 : i32
      %dma_start3A_224 = arith.constant 0 : i32
      %dma_start3A_225 = tpu.memref_slice %arg6[%dma_start3A_223, %dma_start3A_224] : memref<10240x64xf32, #tpu.memory_space<vmem_shared>> -> memref<10240x64xf32, #tpu.memory_space<vmem_shared>>
      tpu.enqueue_indirect_dma source(%arg10 : memref<128x64xf32, #tpu.memory_space<vmem>>) target(%dma_start3A_225 : memref<10240x64xf32, #tpu.memory_space<vmem_shared>>) offsets(%dma_start3A_222 : memref<128xi32, #tpu.memory_space<vmem>>) semaphore(%arg20 : memref<!tpu.dma_semaphore, #tpu.memory_space<semaphore_mem>>) {add = true}
      %mul3A_226 = arith.constant 5 : i32
      %mul3A_227 = arith.muli %mul3A_226, %scan3A_193 : i32
      %add3A_228 = arith.constant 2 : i32
      %add3A_229 = arith.addi %mul3A_227, %add3A_228 : i32
      %dma_wait3A_230 = arith.constant 0 : i32
      %dma_wait3A_231 = tpu.memref_slice %arg7[%add3A_229, %dma_wait3A_230] : memref<160x128xi32, #tpu.memory_space<vmem>> -> memref<1x128xi32, #tpu.memory_space<vmem>>
      %dma_wait3A_232 = tpu.memref_squeeze %dma_wait3A_231 : memref<1x128xi32, #tpu.memory_space<vmem>> -> memref<128xi32, #tpu.memory_space<vmem>>
      %dma_wait3A_233 = arith.constant 0 : i32
      %dma_wait3A_234 = arith.constant 0 : i32
      %dma_wait3A_235 = tpu.memref_slice %arg2[%dma_wait3A_233, %dma_wait3A_234] : memref<20480x64xf32, #tpu.memory_space<hbm>> -> memref<20480x64xf32, #tpu.memory_space<hbm>>
      tpu.wait_indirect_dma semaphore(%arg16 : memref<!tpu.dma_semaphore, #tpu.memory_space<semaphore_mem>>) src(%dma_wait3A_235 : memref<20480x64xf32, #tpu.memory_space<hbm>>) dst(%arg11 : memref<128x64xf32, #tpu.memory_space<vmem>>)
      %dma_start3A_236 = arith.constant 0 : i32
      %dma_start3A_237 = tpu.memref_slice %arg8[%add3A_229, %dma_start3A_236] : memref<160x128xi32, #tpu.memory_space<vmem>> -> memref<1x128xi32, #tpu.memory_space<vmem>>
      %dma_start3A_238 = tpu.memref_squeeze %dma_start3A_237 : memref<1x128xi32, #tpu.memory_space<vmem>> -> memref<128xi32, #tpu.memory_space<vmem>>
      %dma_start3A_239 = arith.constant 0 : i32
      %dma_start3A_240 = arith.constant 0 : i32
      %dma_start3A_241 = tpu.memref_slice %arg6[%dma_start3A_239, %dma_start3A_240] : memref<10240x64xf32, #tpu.memory_space<vmem_shared>> -> memref<10240x64xf32, #tpu.memory_space<vmem_shared>>
      tpu.enqueue_indirect_dma source(%arg11 : memref<128x64xf32, #tpu.memory_space<vmem>>) target(%dma_start3A_241 : memref<10240x64xf32, #tpu.memory_space<vmem_shared>>) offsets(%dma_start3A_238 : memref<128xi32, #tpu.memory_space<vmem>>) semaphore(%arg21 : memref<!tpu.dma_semaphore, #tpu.memory_space<semaphore_mem>>) {add = true}
      %mul3A_242 = arith.constant 5 : i32
      %mul3A_243 = arith.muli %mul3A_242, %scan3A_193 : i32
      %add3A_244 = arith.constant 3 : i32
      %add3A_245 = arith.addi %mul3A_243, %add3A_244 : i32
      %dma_wait3A_246 = arith.constant 0 : i32
      %dma_wait3A_247 = tpu.memref_slice %arg7[%add3A_245, %dma_wait3A_246] : memref<160x128xi32, #tpu.memory_space<vmem>> -> memref<1x128xi32, #tpu.memory_space<vmem>>
      %dma_wait3A_248 = tpu.memref_squeeze %dma_wait3A_247 : memref<1x128xi32, #tpu.memory_space<vmem>> -> memref<128xi32, #tpu.memory_space<vmem>>
      %dma_wait3A_249 = arith.constant 0 : i32
      %dma_wait3A_250 = arith.constant 0 : i32
      %dma_wait3A_251 = tpu.memref_slice %arg2[%dma_wait3A_249, %dma_wait3A_250] : memref<20480x64xf32, #tpu.memory_space<hbm>> -> memref<20480x64xf32, #tpu.memory_space<hbm>>
      tpu.wait_indirect_dma semaphore(%arg17 : memref<!tpu.dma_semaphore, #tpu.memory_space<semaphore_mem>>) src(%dma_wait3A_251 : memref<20480x64xf32, #tpu.memory_space<hbm>>) dst(%arg12 : memref<128x64xf32, #tpu.memory_space<vmem>>)
      %dma_start3A_252 = arith.constant 0 : i32
      %dma_start3A_253 = tpu.memref_slice %arg8[%add3A_245, %dma_start3A_252] : memref<160x128xi32, #tpu.memory_space<vmem>> -> memref<1x128xi32, #tpu.memory_space<vmem>>
      %dma_start3A_254 = tpu.memref_squeeze %dma_start3A_253 : memref<1x128xi32, #tpu.memory_space<vmem>> -> memref<128xi32, #tpu.memory_space<vmem>>
      %dma_start3A_255 = arith.constant 0 : i32
      %dma_start3A_256 = arith.constant 0 : i32
      %dma_start3A_257 = tpu.memref_slice %arg6[%dma_start3A_255, %dma_start3A_256] : memref<10240x64xf32, #tpu.memory_space<vmem_shared>> -> memref<10240x64xf32, #tpu.memory_space<vmem_shared>>
      tpu.enqueue_indirect_dma source(%arg12 : memref<128x64xf32, #tpu.memory_space<vmem>>) target(%dma_start3A_257 : memref<10240x64xf32, #tpu.memory_space<vmem_shared>>) offsets(%dma_start3A_254 : memref<128xi32, #tpu.memory_space<vmem>>) semaphore(%arg22 : memref<!tpu.dma_semaphore, #tpu.memory_space<semaphore_mem>>) {add = true}
      %mul3A_258 = arith.constant 5 : i32
      %mul3A_259 = arith.muli %mul3A_258, %scan3A_193 : i32
      %add3A_260 = arith.constant 4 : i32
      %add3A_261 = arith.addi %mul3A_259, %add3A_260 : i32
      %dma_wait3A_262 = arith.constant 0 : i32
      %dma_wait3A_263 = tpu.memref_slice %arg7[%add3A_261, %dma_wait3A_262] : memref<160x128xi32, #tpu.memory_space<vmem>> -> memref<1x128xi32, #tpu.memory_space<vmem>>
      %dma_wait3A_264 = tpu.memref_squeeze %dma_wait3A_263 : memref<1x128xi32, #tpu.memory_space<vmem>> -> memref<128xi32, #tpu.memory_space<vmem>>
      %dma_wait3A_265 = arith.constant 0 : i32
      %dma_wait3A_266 = arith.constant 0 : i32
      %dma_wait3A_267 = tpu.memref_slice %arg2[%dma_wait3A_265, %dma_wait3A_266] : memref<20480x64xf32, #tpu.memory_space<hbm>> -> memref<20480x64xf32, #tpu.memory_space<hbm>>
      tpu.wait_indirect_dma semaphore(%arg18 : memref<!tpu.dma_semaphore, #tpu.memory_space<semaphore_mem>>) src(%dma_wait3A_267 : memref<20480x64xf32, #tpu.memory_space<hbm>>) dst(%arg13 : memref<128x64xf32, #tpu.memory_space<vmem>>)
      %dma_start3A_268 = arith.constant 0 : i32
      %dma_start3A_269 = tpu.memref_slice %arg8[%add3A_261, %dma_start3A_268] : memref<160x128xi32, #tpu.memory_space<vmem>> -> memref<1x128xi32, #tpu.memory_space<vmem>>
      %dma_start3A_270 = tpu.memref_squeeze %dma_start3A_269 : memref<1x128xi32, #tpu.memory_space<vmem>> -> memref<128xi32, #tpu.memory_space<vmem>>
      %dma_start3A_271 = arith.constant 0 : i32
      %dma_start3A_272 = arith.constant 0 : i32
      %dma_start3A_273 = tpu.memref_slice %arg6[%dma_start3A_271, %dma_start3A_272] : memref<10240x64xf32, #tpu.memory_space<vmem_shared>> -> memref<10240x64xf32, #tpu.memory_space<vmem_shared>>
      tpu.enqueue_indirect_dma source(%arg13 : memref<128x64xf32, #tpu.memory_space<vmem>>) target(%dma_start3A_273 : memref<10240x64xf32, #tpu.memory_space<vmem_shared>>) offsets(%dma_start3A_270 : memref<128xi32, #tpu.memory_space<vmem>>) semaphore(%arg23 : memref<!tpu.dma_semaphore, #tpu.memory_space<semaphore_mem>>) {add = true}
      %mul3A_274 = arith.constant 5 : i32
      %mul3A_275 = arith.muli %mul3A_274, %scan3A_193 : i32
      %add3A_276 = arith.constant 0 : i32
      %add3A_277 = arith.addi %mul3A_275, %add3A_276 : i32
      %dma_wait3A_278 = arith.constant 0 : i32
      %dma_wait3A_279 = tpu.memref_slice %arg8[%add3A_277, %dma_wait3A_278] : memref<160x128xi32, #tpu.memory_space<vmem>> -> memref<1x128xi32, #tpu.memory_space<vmem>>
      %dma_wait3A_280 = tpu.memref_squeeze %dma_wait3A_279 : memref<1x128xi32, #tpu.memory_space<vmem>> -> memref<128xi32, #tpu.memory_space<vmem>>
      %dma_wait3A_281 = arith.constant 0 : i32
      %dma_wait3A_282 = arith.constant 0 : i32
      %dma_wait3A_283 = tpu.memref_slice %arg6[%dma_wait3A_281, %dma_wait3A_282] : memref<10240x64xf32, #tpu.memory_space<vmem_shared>> -> memref<10240x64xf32, #tpu.memory_space<vmem_shared>>
      tpu.wait_indirect_dma semaphore(%arg19 : memref<!tpu.dma_semaphore, #tpu.memory_space<semaphore_mem>>) src(%arg9 : memref<128x64xf32, #tpu.memory_space<vmem>>) dst(%dma_wait3A_283 : memref<10240x64xf32, #tpu.memory_space<vmem_shared>>)
      %add3A_284 = arith.constant 5 : i32
      %add3A_285 = arith.addi %add3A_277, %add3A_284 : i32
      %dma_start3A_286 = arith.constant 0 : i32
      %dma_start3A_287 = tpu.memref_slice %arg7[%add3A_285, %dma_start3A_286] : memref<160x128xi32, #tpu.memory_space<vmem>> -> memref<1x128xi32, #tpu.memory_space<vmem>>
      %dma_start3A_288 = tpu.memref_squeeze %dma_start3A_287 : memref<1x128xi32, #tpu.memory_space<vmem>> -> memref<128xi32, #tpu.memory_space<vmem>>
      %dma_start3A_289 = arith.constant 0 : i32
      %dma_start3A_290 = arith.constant 0 : i32
      %dma_start3A_291 = tpu.memref_slice %arg2[%dma_start3A_289, %dma_start3A_290] : memref<20480x64xf32, #tpu.memory_space<hbm>> -> memref<20480x64xf32, #tpu.memory_space<hbm>>
      tpu.enqueue_indirect_dma source(%dma_start3A_291 : memref<20480x64xf32, #tpu.memory_space<hbm>>) target(%arg9 : memref<128x64xf32, #tpu.memory_space<vmem>>) offsets(%dma_start3A_288 : memref<128xi32, #tpu.memory_space<vmem>>) semaphore(%arg14 : memref<!tpu.dma_semaphore, #tpu.memory_space<semaphore_mem>>)
      %mul3A_292 = arith.constant 5 : i32
      %mul3A_293 = arith.muli %mul3A_292, %scan3A_193 : i32
      %add3A_294 = arith.constant 1 : i32
      %add3A_295 = arith.addi %mul3A_293, %add3A_294 : i32
      %dma_wait3A_296 = arith.constant 0 : i32
      %dma_wait3A_297 = tpu.memref_slice %arg8[%add3A_295, %dma_wait3A_296] : memref<160x128xi32, #tpu.memory_space<vmem>> -> memref<1x128xi32, #tpu.memory_space<vmem>>
      %dma_wait3A_298 = tpu.memref_squeeze %dma_wait3A_297 : memref<1x128xi32, #tpu.memory_space<vmem>> -> memref<128xi32, #tpu.memory_space<vmem>>
      %dma_wait3A_299 = arith.constant 0 : i32
      %dma_wait3A_300 = arith.constant 0 : i32
      %dma_wait3A_301 = tpu.memref_slice %arg6[%dma_wait3A_299, %dma_wait3A_300] : memref<10240x64xf32, #tpu.memory_space<vmem_shared>> -> memref<10240x64xf32, #tpu.memory_space<vmem_shared>>
      tpu.wait_indirect_dma semaphore(%arg20 : memref<!tpu.dma_semaphore, #tpu.memory_space<semaphore_mem>>) src(%arg10 : memref<128x64xf32, #tpu.memory_space<vmem>>) dst(%dma_wait3A_301 : memref<10240x64xf32, #tpu.memory_space<vmem_shared>>)
      %add3A_302 = arith.constant 5 : i32
      %add3A_303 = arith.addi %add3A_295, %add3A_302 : i32
      %dma_start3A_304 = arith.constant 0 : i32
      %dma_start3A_305 = tpu.memref_slice %arg7[%add3A_303, %dma_start3A_304] : memref<160x128xi32, #tpu.memory_space<vmem>> -> memref<1x128xi32, #tpu.memory_space<vmem>>
      %dma_start3A_306 = tpu.memref_squeeze %dma_start3A_305 : memref<1x128xi32, #tpu.memory_space<vmem>> -> memref<128xi32, #tpu.memory_space<vmem>>
      %dma_start3A_307 = arith.constant 0 : i32
      %dma_start3A_308 = arith.constant 0 : i32
      %dma_start3A_309 = tpu.memref_slice %arg2[%dma_start3A_307, %dma_start3A_308] : memref<20480x64xf32, #tpu.memory_space<hbm>> -> memref<20480x64xf32, #tpu.memory_space<hbm>>
      tpu.enqueue_indirect_dma source(%dma_start3A_309 : memref<20480x64xf32, #tpu.memory_space<hbm>>) target(%arg10 : memref<128x64xf32, #tpu.memory_space<vmem>>) offsets(%dma_start3A_306 : memref<128xi32, #tpu.memory_space<vmem>>) semaphore(%arg15 : memref<!tpu.dma_semaphore, #tpu.memory_space<semaphore_mem>>)
      %mul3A_310 = arith.constant 5 : i32
      %mul3A_311 = arith.muli %mul3A_310, %scan3A_193 : i32
      %add3A_312 = arith.constant 2 : i32
      %add3A_313 = arith.addi %mul3A_311, %add3A_312 : i32
      %dma_wait3A_314 = arith.constant 0 : i32
      %dma_wait3A_315 = tpu.memref_slice %arg8[%add3A_313, %dma_wait3A_314] : memref<160x128xi32, #tpu.memory_space<vmem>> -> memref<1x128xi32, #tpu.memory_space<vmem>>
      %dma_wait3A_316 = tpu.memref_squeeze %dma_wait3A_315 : memref<1x128xi32, #tpu.memory_space<vmem>> -> memref<128xi32, #tpu.memory_space<vmem>>
      %dma_wait3A_317 = arith.constant 0 : i32
      %dma_wait3A_318 = arith.constant 0 : i32
      %dma_wait3A_319 = tpu.memref_slice %arg6[%dma_wait3A_317, %dma_wait3A_318] : memref<10240x64xf32, #tpu.memory_space<vmem_shared>> -> memref<10240x64xf32, #tpu.memory_space<vmem_shared>>
      tpu.wait_indirect_dma semaphore(%arg21 : memref<!tpu.dma_semaphore, #tpu.memory_space<semaphore_mem>>) src(%arg11 : memref<128x64xf32, #tpu.memory_space<vmem>>) dst(%dma_wait3A_319 : memref<10240x64xf32, #tpu.memory_space<vmem_shared>>)
      %add3A_320 = arith.constant 5 : i32
      %add3A_321 = arith.addi %add3A_313, %add3A_320 : i32
      %dma_start3A_322 = arith.constant 0 : i32
      %dma_start3A_323 = tpu.memref_slice %arg7[%add3A_321, %dma_start3A_322] : memref<160x128xi32, #tpu.memory_space<vmem>> -> memref<1x128xi32, #tpu.memory_space<vmem>>
      %dma_start3A_324 = tpu.memref_squeeze %dma_start3A_323 : memref<1x128xi32, #tpu.memory_space<vmem>> -> memref<128xi32, #tpu.memory_space<vmem>>
      %dma_start3A_325 = arith.constant 0 : i32
      %dma_start3A_326 = arith.constant 0 : i32
      %dma_start3A_327 = tpu.memref_slice %arg2[%dma_start3A_325, %dma_start3A_326] : memref<20480x64xf32, #tpu.memory_space<hbm>> -> memref<20480x64xf32, #tpu.memory_space<hbm>>
      tpu.enqueue_indirect_dma source(%dma_start3A_327 : memref<20480x64xf32, #tpu.memory_space<hbm>>) target(%arg11 : memref<128x64xf32, #tpu.memory_space<vmem>>) offsets(%dma_start3A_324 : memref<128xi32, #tpu.memory_space<vmem>>) semaphore(%arg16 : memref<!tpu.dma_semaphore, #tpu.memory_space<semaphore_mem>>)
      %mul3A_328 = arith.constant 5 : i32
      %mul3A_329 = arith.muli %mul3A_328, %scan3A_193 : i32
      %add3A_330 = arith.constant 3 : i32
      %add3A_331 = arith.addi %mul3A_329, %add3A_330 : i32
      %dma_wait3A_332 = arith.constant 0 : i32
      %dma_wait3A_333 = tpu.memref_slice %arg8[%add3A_331, %dma_wait3A_332] : memref<160x128xi32, #tpu.memory_space<vmem>> -> memref<1x128xi32, #tpu.memory_space<vmem>>
      %dma_wait3A_334 = tpu.memref_squeeze %dma_wait3A_333 : memref<1x128xi32, #tpu.memory_space<vmem>> -> memref<128xi32, #tpu.memory_space<vmem>>
      %dma_wait3A_335 = arith.constant 0 : i32
      %dma_wait3A_336 = arith.constant 0 : i32
      %dma_wait3A_337 = tpu.memref_slice %arg6[%dma_wait3A_335, %dma_wait3A_336] : memref<10240x64xf32, #tpu.memory_space<vmem_shared>> -> memref<10240x64xf32, #tpu.memory_space<vmem_shared>>
      tpu.wait_indirect_dma semaphore(%arg22 : memref<!tpu.dma_semaphore, #tpu.memory_space<semaphore_mem>>) src(%arg12 : memref<128x64xf32, #tpu.memory_space<vmem>>) dst(%dma_wait3A_337 : memref<10240x64xf32, #tpu.memory_space<vmem_shared>>)
      %add3A_338 = arith.constant 5 : i32
      %add3A_339 = arith.addi %add3A_331, %add3A_338 : i32
      %dma_start3A_340 = arith.constant 0 : i32
      %dma_start3A_341 = tpu.memref_slice %arg7[%add3A_339, %dma_start3A_340] : memref<160x128xi32, #tpu.memory_space<vmem>> -> memref<1x128xi32, #tpu.memory_space<vmem>>
      %dma_start3A_342 = tpu.memref_squeeze %dma_start3A_341 : memref<1x128xi32, #tpu.memory_space<vmem>> -> memref<128xi32, #tpu.memory_space<vmem>>
      %dma_start3A_343 = arith.constant 0 : i32
      %dma_start3A_344 = arith.constant 0 : i32
      %dma_start3A_345 = tpu.memref_slice %arg2[%dma_start3A_343, %dma_start3A_344] : memref<20480x64xf32, #tpu.memory_space<hbm>> -> memref<20480x64xf32, #tpu.memory_space<hbm>>
      tpu.enqueue_indirect_dma source(%dma_start3A_345 : memref<20480x64xf32, #tpu.memory_space<hbm>>) target(%arg12 : memref<128x64xf32, #tpu.memory_space<vmem>>) offsets(%dma_start3A_342 : memref<128xi32, #tpu.memory_space<vmem>>) semaphore(%arg17 : memref<!tpu.dma_semaphore, #tpu.memory_space<semaphore_mem>>)
      %mul3A_346 = arith.constant 5 : i32
      %mul3A_347 = arith.muli %mul3A_346, %scan3A_193 : i32
      %add3A_348 = arith.constant 4 : i32
      %add3A_349 = arith.addi %mul3A_347, %add3A_348 : i32
      %dma_wait3A_350 = arith.constant 0 : i32
      %dma_wait3A_351 = tpu.memref_slice %arg8[%add3A_349, %dma_wait3A_350] : memref<160x128xi32, #tpu.memory_space<vmem>> -> memref<1x128xi32, #tpu.memory_space<vmem>>
      %dma_wait3A_352 = tpu.memref_squeeze %dma_wait3A_351 : memref<1x128xi32, #tpu.memory_space<vmem>> -> memref<128xi32, #tpu.memory_space<vmem>>
      %dma_wait3A_353 = arith.constant 0 : i32
      %dma_wait3A_354 = arith.constant 0 : i32
      %dma_wait3A_355 = tpu.memref_slice %arg6[%dma_wait3A_353, %dma_wait3A_354] : memref<10240x64xf32, #tpu.memory_space<vmem_shared>> -> memref<10240x64xf32, #tpu.memory_space<vmem_shared>>
      tpu.wait_indirect_dma semaphore(%arg23 : memref<!tpu.dma_semaphore, #tpu.memory_space<semaphore_mem>>) src(%arg13 : memref<128x64xf32, #tpu.memory_space<vmem>>) dst(%dma_wait3A_355 : memref<10240x64xf32, #tpu.memory_space<vmem_shared>>)
      %add3A_356 = arith.constant 5 : i32
      %add3A_357 = arith.addi %add3A_349, %add3A_356 : i32
      %dma_start3A_358 = arith.constant 0 : i32
      %dma_start3A_359 = tpu.memref_slice %arg7[%add3A_357, %dma_start3A_358] : memref<160x128xi32, #tpu.memory_space<vmem>> -> memref<1x128xi32, #tpu.memory_space<vmem>>
      %dma_start3A_360 = tpu.memref_squeeze %dma_start3A_359 : memref<1x128xi32, #tpu.memory_space<vmem>> -> memref<128xi32, #tpu.memory_space<vmem>>
      %dma_start3A_361 = arith.constant 0 : i32
      %dma_start3A_362 = arith.constant 0 : i32
      %dma_start3A_363 = tpu.memref_slice %arg2[%dma_start3A_361, %dma_start3A_362] : memref<20480x64xf32, #tpu.memory_space<hbm>> -> memref<20480x64xf32, #tpu.memory_space<hbm>>
      tpu.enqueue_indirect_dma source(%dma_start3A_363 : memref<20480x64xf32, #tpu.memory_space<hbm>>) target(%arg13 : memref<128x64xf32, #tpu.memory_space<vmem>>) offsets(%dma_start3A_360 : memref<128xi32, #tpu.memory_space<vmem>>) semaphore(%arg18 : memref<!tpu.dma_semaphore, #tpu.memory_space<semaphore_mem>>)
    }
    %scan3A_64 = arith.constant 31 : i32
    %dma_wait3A = arith.constant 155 : i32
    %dma_wait3A_65 = arith.constant 0 : i32
    %dma_wait3A_66 = tpu.memref_slice %arg7[%dma_wait3A, %dma_wait3A_65] : memref<160x128xi32, #tpu.memory_space<vmem>> -> memref<1x128xi32, #tpu.memory_space<vmem>>
    %dma_wait3A_67 = tpu.memref_squeeze %dma_wait3A_66 : memref<1x128xi32, #tpu.memory_space<vmem>> -> memref<128xi32, #tpu.memory_space<vmem>>
    %dma_wait3A_68 = arith.constant 0 : i32
    %dma_wait3A_69 = arith.constant 0 : i32
    %dma_wait3A_70 = tpu.memref_slice %arg2[%dma_wait3A_68, %dma_wait3A_69] : memref<20480x64xf32, #tpu.memory_space<hbm>> -> memref<20480x64xf32, #tpu.memory_space<hbm>>
    tpu.wait_indirect_dma semaphore(%arg14 : memref<!tpu.dma_semaphore, #tpu.memory_space<semaphore_mem>>) src(%dma_wait3A_70 : memref<20480x64xf32, #tpu.memory_space<hbm>>) dst(%arg9 : memref<128x64xf32, #tpu.memory_space<vmem>>)
    %dma_start3A_71 = arith.constant 155 : i32
    %dma_start3A_72 = arith.constant 0 : i32
    %dma_start3A_73 = tpu.memref_slice %arg8[%dma_start3A_71, %dma_start3A_72] : memref<160x128xi32, #tpu.memory_space<vmem>> -> memref<1x128xi32, #tpu.memory_space<vmem>>
    %dma_start3A_74 = tpu.memref_squeeze %dma_start3A_73 : memref<1x128xi32, #tpu.memory_space<vmem>> -> memref<128xi32, #tpu.memory_space<vmem>>
    %dma_start3A_75 = arith.constant 0 : i32
    %dma_start3A_76 = arith.constant 0 : i32
    %dma_start3A_77 = tpu.memref_slice %arg6[%dma_start3A_75, %dma_start3A_76] : memref<10240x64xf32, #tpu.memory_space<vmem_shared>> -> memref<10240x64xf32, #tpu.memory_space<vmem_shared>>
    tpu.enqueue_indirect_dma source(%arg9 : memref<128x64xf32, #tpu.memory_space<vmem>>) target(%dma_start3A_77 : memref<10240x64xf32, #tpu.memory_space<vmem_shared>>) offsets(%dma_start3A_74 : memref<128xi32, #tpu.memory_space<vmem>>) semaphore(%arg19 : memref<!tpu.dma_semaphore, #tpu.memory_space<semaphore_mem>>) {add = true}
    %dma_wait3A_78 = arith.constant 156 : i32
    %dma_wait3A_79 = arith.constant 0 : i32
    %dma_wait3A_80 = tpu.memref_slice %arg7[%dma_wait3A_78, %dma_wait3A_79] : memref<160x128xi32, #tpu.memory_space<vmem>> -> memref<1x128xi32, #tpu.memory_space<vmem>>
    %dma_wait3A_81 = tpu.memref_squeeze %dma_wait3A_80 : memref<1x128xi32, #tpu.memory_space<vmem>> -> memref<128xi32, #tpu.memory_space<vmem>>
    %dma_wait3A_82 = arith.constant 0 : i32
    %dma_wait3A_83 = arith.constant 0 : i32
    %dma_wait3A_84 = tpu.memref_slice %arg2[%dma_wait3A_82, %dma_wait3A_83] : memref<20480x64xf32, #tpu.memory_space<hbm>> -> memref<20480x64xf32, #tpu.memory_space<hbm>>
    tpu.wait_indirect_dma semaphore(%arg15 : memref<!tpu.dma_semaphore, #tpu.memory_space<semaphore_mem>>) src(%dma_wait3A_84 : memref<20480x64xf32, #tpu.memory_space<hbm>>) dst(%arg10 : memref<128x64xf32, #tpu.memory_space<vmem>>)
    %dma_start3A_85 = arith.constant 156 : i32
    %dma_start3A_86 = arith.constant 0 : i32
    %dma_start3A_87 = tpu.memref_slice %arg8[%dma_start3A_85, %dma_start3A_86] : memref<160x128xi32, #tpu.memory_space<vmem>> -> memref<1x128xi32, #tpu.memory_space<vmem>>
    %dma_start3A_88 = tpu.memref_squeeze %dma_start3A_87 : memref<1x128xi32, #tpu.memory_space<vmem>> -> memref<128xi32, #tpu.memory_space<vmem>>
    %dma_start3A_89 = arith.constant 0 : i32
    %dma_start3A_90 = arith.constant 0 : i32
    %dma_start3A_91 = tpu.memref_slice %arg6[%dma_start3A_89, %dma_start3A_90] : memref<10240x64xf32, #tpu.memory_space<vmem_shared>> -> memref<10240x64xf32, #tpu.memory_space<vmem_shared>>
    tpu.enqueue_indirect_dma source(%arg10 : memref<128x64xf32, #tpu.memory_space<vmem>>) target(%dma_start3A_91 : memref<10240x64xf32, #tpu.memory_space<vmem_shared>>) offsets(%dma_start3A_88 : memref<128xi32, #tpu.memory_space<vmem>>) semaphore(%arg20 : memref<!tpu.dma_semaphore, #tpu.memory_space<semaphore_mem>>) {add = true}
    %dma_wait3A_92 = arith.constant 157 : i32
    %dma_wait3A_93 = arith.constant 0 : i32
    %dma_wait3A_94 = tpu.memref_slice %arg7[%dma_wait3A_92, %dma_wait3A_93] : memref<160x128xi32, #tpu.memory_space<vmem>> -> memref<1x128xi32, #tpu.memory_space<vmem>>
    %dma_wait3A_95 = tpu.memref_squeeze %dma_wait3A_94 : memref<1x128xi32, #tpu.memory_space<vmem>> -> memref<128xi32, #tpu.memory_space<vmem>>
    %dma_wait3A_96 = arith.constant 0 : i32
    %dma_wait3A_97 = arith.constant 0 : i32
    %dma_wait3A_98 = tpu.memref_slice %arg2[%dma_wait3A_96, %dma_wait3A_97] : memref<20480x64xf32, #tpu.memory_space<hbm>> -> memref<20480x64xf32, #tpu.memory_space<hbm>>
    tpu.wait_indirect_dma semaphore(%arg16 : memref<!tpu.dma_semaphore, #tpu.memory_space<semaphore_mem>>) src(%dma_wait3A_98 : memref<20480x64xf32, #tpu.memory_space<hbm>>) dst(%arg11 : memref<128x64xf32, #tpu.memory_space<vmem>>)
    %dma_start3A_99 = arith.constant 157 : i32
    %dma_start3A_100 = arith.constant 0 : i32
    %dma_start3A_101 = tpu.memref_slice %arg8[%dma_start3A_99, %dma_start3A_100] : memref<160x128xi32, #tpu.memory_space<vmem>> -> memref<1x128xi32, #tpu.memory_space<vmem>>
    %dma_start3A_102 = tpu.memref_squeeze %dma_start3A_101 : memref<1x128xi32, #tpu.memory_space<vmem>> -> memref<128xi32, #tpu.memory_space<vmem>>
    %dma_start3A_103 = arith.constant 0 : i32
    %dma_start3A_104 = arith.constant 0 : i32
    %dma_start3A_105 = tpu.memref_slice %arg6[%dma_start3A_103, %dma_start3A_104] : memref<10240x64xf32, #tpu.memory_space<vmem_shared>> -> memref<10240x64xf32, #tpu.memory_space<vmem_shared>>
    tpu.enqueue_indirect_dma source(%arg11 : memref<128x64xf32, #tpu.memory_space<vmem>>) target(%dma_start3A_105 : memref<10240x64xf32, #tpu.memory_space<vmem_shared>>) offsets(%dma_start3A_102 : memref<128xi32, #tpu.memory_space<vmem>>) semaphore(%arg21 : memref<!tpu.dma_semaphore, #tpu.memory_space<semaphore_mem>>) {add = true}
    %dma_wait3A_106 = arith.constant 158 : i32
    %dma_wait3A_107 = arith.constant 0 : i32
    %dma_wait3A_108 = tpu.memref_slice %arg7[%dma_wait3A_106, %dma_wait3A_107] : memref<160x128xi32, #tpu.memory_space<vmem>> -> memref<1x128xi32, #tpu.memory_space<vmem>>
    %dma_wait3A_109 = tpu.memref_squeeze %dma_wait3A_108 : memref<1x128xi32, #tpu.memory_space<vmem>> -> memref<128xi32, #tpu.memory_space<vmem>>
    %dma_wait3A_110 = arith.constant 0 : i32
    %dma_wait3A_111 = arith.constant 0 : i32
    %dma_wait3A_112 = tpu.memref_slice %arg2[%dma_wait3A_110, %dma_wait3A_111] : memref<20480x64xf32, #tpu.memory_space<hbm>> -> memref<20480x64xf32, #tpu.memory_space<hbm>>
    tpu.wait_indirect_dma semaphore(%arg17 : memref<!tpu.dma_semaphore, #tpu.memory_space<semaphore_mem>>) src(%dma_wait3A_112 : memref<20480x64xf32, #tpu.memory_space<hbm>>) dst(%arg12 : memref<128x64xf32, #tpu.memory_space<vmem>>)
    %dma_start3A_113 = arith.constant 158 : i32
    %dma_start3A_114 = arith.constant 0 : i32
    %dma_start3A_115 = tpu.memref_slice %arg8[%dma_start3A_113, %dma_start3A_114] : memref<160x128xi32, #tpu.memory_space<vmem>> -> memref<1x128xi32, #tpu.memory_space<vmem>>
    %dma_start3A_116 = tpu.memref_squeeze %dma_start3A_115 : memref<1x128xi32, #tpu.memory_space<vmem>> -> memref<128xi32, #tpu.memory_space<vmem>>
    %dma_start3A_117 = arith.constant 0 : i32
    %dma_start3A_118 = arith.constant 0 : i32
    %dma_start3A_119 = tpu.memref_slice %arg6[%dma_start3A_117, %dma_start3A_118] : memref<10240x64xf32, #tpu.memory_space<vmem_shared>> -> memref<10240x64xf32, #tpu.memory_space<vmem_shared>>
    tpu.enqueue_indirect_dma source(%arg12 : memref<128x64xf32, #tpu.memory_space<vmem>>) target(%dma_start3A_119 : memref<10240x64xf32, #tpu.memory_space<vmem_shared>>) offsets(%dma_start3A_116 : memref<128xi32, #tpu.memory_space<vmem>>) semaphore(%arg22 : memref<!tpu.dma_semaphore, #tpu.memory_space<semaphore_mem>>) {add = true}
    %dma_wait3A_120 = arith.constant 159 : i32
    %dma_wait3A_121 = arith.constant 0 : i32
    %dma_wait3A_122 = tpu.memref_slice %arg7[%dma_wait3A_120, %dma_wait3A_121] : memref<160x128xi32, #tpu.memory_space<vmem>> -> memref<1x128xi32, #tpu.memory_space<vmem>>
    %dma_wait3A_123 = tpu.memref_squeeze %dma_wait3A_122 : memref<1x128xi32, #tpu.memory_space<vmem>> -> memref<128xi32, #tpu.memory_space<vmem>>
    %dma_wait3A_124 = arith.constant 0 : i32
    %dma_wait3A_125 = arith.constant 0 : i32
    %dma_wait3A_126 = tpu.memref_slice %arg2[%dma_wait3A_124, %dma_wait3A_125] : memref<20480x64xf32, #tpu.memory_space<hbm>> -> memref<20480x64xf32, #tpu.memory_space<hbm>>
    tpu.wait_indirect_dma semaphore(%arg18 : memref<!tpu.dma_semaphore, #tpu.memory_space<semaphore_mem>>) src(%dma_wait3A_126 : memref<20480x64xf32, #tpu.memory_space<hbm>>) dst(%arg13 : memref<128x64xf32, #tpu.memory_space<vmem>>)
    %dma_start3A_127 = arith.constant 159 : i32
    %dma_start3A_128 = arith.constant 0 : i32
    %dma_start3A_129 = tpu.memref_slice %arg8[%dma_start3A_127, %dma_start3A_128] : memref<160x128xi32, #tpu.memory_space<vmem>> -> memref<1x128xi32, #tpu.memory_space<vmem>>
    %dma_start3A_130 = tpu.memref_squeeze %dma_start3A_129 : memref<1x128xi32, #tpu.memory_space<vmem>> -> memref<128xi32, #tpu.memory_space<vmem>>
    %dma_start3A_131 = arith.constant 0 : i32
    %dma_start3A_132 = arith.constant 0 : i32
    %dma_start3A_133 = tpu.memref_slice %arg6[%dma_start3A_131, %dma_start3A_132] : memref<10240x64xf32, #tpu.memory_space<vmem_shared>> -> memref<10240x64xf32, #tpu.memory_space<vmem_shared>>
    tpu.enqueue_indirect_dma source(%arg13 : memref<128x64xf32, #tpu.memory_space<vmem>>) target(%dma_start3A_133 : memref<10240x64xf32, #tpu.memory_space<vmem_shared>>) offsets(%dma_start3A_130 : memref<128xi32, #tpu.memory_space<vmem>>) semaphore(%arg23 : memref<!tpu.dma_semaphore, #tpu.memory_space<semaphore_mem>>) {add = true}
    %dma_wait3A_134 = arith.constant 155 : i32
    %dma_wait3A_135 = arith.constant 0 : i32
    %dma_wait3A_136 = tpu.memref_slice %arg8[%dma_wait3A_134, %dma_wait3A_135] : memref<160x128xi32, #tpu.memory_space<vmem>> -> memref<1x128xi32, #tpu.memory_space<vmem>>
    %dma_wait3A_137 = tpu.memref_squeeze %dma_wait3A_136 : memref<1x128xi32, #tpu.memory_space<vmem>> -> memref<128xi32, #tpu.memory_space<vmem>>
    %dma_wait3A_138 = arith.constant 0 : i32
    %dma_wait3A_139 = arith.constant 0 : i32
    %dma_wait3A_140 = tpu.memref_slice %arg6[%dma_wait3A_138, %dma_wait3A_139] : memref<10240x64xf32, #tpu.memory_space<vmem_shared>> -> memref<10240x64xf32, #tpu.memory_space<vmem_shared>>
    tpu.wait_indirect_dma semaphore(%arg19 : memref<!tpu.dma_semaphore, #tpu.memory_space<semaphore_mem>>) src(%arg9 : memref<128x64xf32, #tpu.memory_space<vmem>>) dst(%dma_wait3A_140 : memref<10240x64xf32, #tpu.memory_space<vmem_shared>>)
    %dma_wait3A_141 = arith.constant 156 : i32
    %dma_wait3A_142 = arith.constant 0 : i32
    %dma_wait3A_143 = tpu.memref_slice %arg8[%dma_wait3A_141, %dma_wait3A_142] : memref<160x128xi32, #tpu.memory_space<vmem>> -> memref<1x128xi32, #tpu.memory_space<vmem>>
    %dma_wait3A_144 = tpu.memref_squeeze %dma_wait3A_143 : memref<1x128xi32, #tpu.memory_space<vmem>> -> memref<128xi32, #tpu.memory_space<vmem>>
    %dma_wait3A_145 = arith.constant 0 : i32
    %dma_wait3A_146 = arith.constant 0 : i32
    %dma_wait3A_147 = tpu.memref_slice %arg6[%dma_wait3A_145, %dma_wait3A_146] : memref<10240x64xf32, #tpu.memory_space<vmem_shared>> -> memref<10240x64xf32, #tpu.memory_space<vmem_shared>>
    tpu.wait_indirect_dma semaphore(%arg20 : memref<!tpu.dma_semaphore, #tpu.memory_space<semaphore_mem>>) src(%arg10 : memref<128x64xf32, #tpu.memory_space<vmem>>) dst(%dma_wait3A_147 : memref<10240x64xf32, #tpu.memory_space<vmem_shared>>)
    %dma_wait3A_148 = arith.constant 157 : i32
    %dma_wait3A_149 = arith.constant 0 : i32
    %dma_wait3A_150 = tpu.memref_slice %arg8[%dma_wait3A_148, %dma_wait3A_149] : memref<160x128xi32, #tpu.memory_space<vmem>> -> memref<1x128xi32, #tpu.memory_space<vmem>>
    %dma_wait3A_151 = tpu.memref_squeeze %dma_wait3A_150 : memref<1x128xi32, #tpu.memory_space<vmem>> -> memref<128xi32, #tpu.memory_space<vmem>>
    %dma_wait3A_152 = arith.constant 0 : i32
    %dma_wait3A_153 = arith.constant 0 : i32
    %dma_wait3A_154 = tpu.memref_slice %arg6[%dma_wait3A_152, %dma_wait3A_153] : memref<10240x64xf32, #tpu.memory_space<vmem_shared>> -> memref<10240x64xf32, #tpu.memory_space<vmem_shared>>
    tpu.wait_indirect_dma semaphore(%arg21 : memref<!tpu.dma_semaphore, #tpu.memory_space<semaphore_mem>>) src(%arg11 : memref<128x64xf32, #tpu.memory_space<vmem>>) dst(%dma_wait3A_154 : memref<10240x64xf32, #tpu.memory_space<vmem_shared>>)
    %dma_wait3A_155 = arith.constant 158 : i32
    %dma_wait3A_156 = arith.constant 0 : i32
    %dma_wait3A_157 = tpu.memref_slice %arg8[%dma_wait3A_155, %dma_wait3A_156] : memref<160x128xi32, #tpu.memory_space<vmem>> -> memref<1x128xi32, #tpu.memory_space<vmem>>
    %dma_wait3A_158 = tpu.memref_squeeze %dma_wait3A_157 : memref<1x128xi32, #tpu.memory_space<vmem>> -> memref<128xi32, #tpu.memory_space<vmem>>
    %dma_wait3A_159 = arith.constant 0 : i32
    %dma_wait3A_160 = arith.constant 0 : i32
    %dma_wait3A_161 = tpu.memref_slice %arg6[%dma_wait3A_159, %dma_wait3A_160] : memref<10240x64xf32, #tpu.memory_space<vmem_shared>> -> memref<10240x64xf32, #tpu.memory_space<vmem_shared>>
    tpu.wait_indirect_dma semaphore(%arg22 : memref<!tpu.dma_semaphore, #tpu.memory_space<semaphore_mem>>) src(%arg12 : memref<128x64xf32, #tpu.memory_space<vmem>>) dst(%dma_wait3A_161 : memref<10240x64xf32, #tpu.memory_space<vmem_shared>>)
    %dma_wait3A_162 = arith.constant 159 : i32
    %dma_wait3A_163 = arith.constant 0 : i32
    %dma_wait3A_164 = tpu.memref_slice %arg8[%dma_wait3A_162, %dma_wait3A_163] : memref<160x128xi32, #tpu.memory_space<vmem>> -> memref<1x128xi32, #tpu.memory_space<vmem>>
    %dma_wait3A_165 = tpu.memref_squeeze %dma_wait3A_164 : memref<1x128xi32, #tpu.memory_space<vmem>> -> memref<128xi32, #tpu.memory_space<vmem>>
    %dma_wait3A_166 = arith.constant 0 : i32
    %dma_wait3A_167 = arith.constant 0 : i32
    %dma_wait3A_168 = tpu.memref_slice %arg6[%dma_wait3A_166, %dma_wait3A_167] : memref<10240x64xf32, #tpu.memory_space<vmem_shared>> -> memref<10240x64xf32, #tpu.memory_space<vmem_shared>>
    tpu.wait_indirect_dma semaphore(%arg23 : memref<!tpu.dma_semaphore, #tpu.memory_space<semaphore_mem>>) src(%arg13 : memref<128x64xf32, #tpu.memory_space<vmem>>) dst(%dma_wait3A_168 : memref<10240x64xf32, #tpu.memory_space<vmem_shared>>)
    %barrier3A_169 = arith.constant 0 : index
    tpu.barrier barrier_id(%barrier3A_169)
    %mul3A_170 = arith.constant 10240 : i32
    %mul3A_171 = arith.muli %arg0, %mul3A_170 : i32
    %add3A_172 = arith.addi %mul3A_171, %mul3A_6 : i32
    %add3A_173 = arith.constant 0 : i32
    %add3A_174 = arith.addi %mul3A_6, %add3A_173 : i32
    %add3A_175 = arith.constant 0 : i32
    %add3A_176 = arith.addi %add3A_172, %add3A_175 : i32
    "tpu.region"() ({
      %run_scoped3A = tpu.sem_alloc : memref<!tpu.dma_semaphore, #tpu.memory_space<semaphore_mem>>
      %dma_start3A_193 = arith.constant 0 : i32
      %dma_start3A_194 = tpu.memref_slice %arg5[%add3A_176, %dma_start3A_193] : memref<20480x64xf32, #tpu.memory_space<hbm>> -> memref<128x64xf32, #tpu.memory_space<hbm>>
      %dma_start3A_195 = arith.constant 0 : i32
      %dma_start3A_196 = tpu.memref_slice %arg6[%add3A_174, %dma_start3A_195] : memref<10240x64xf32, #tpu.memory_space<vmem_shared>> -> memref<128x64xf32, #tpu.memory_space<vmem_shared>>
      tpu.enqueue_dma source(%dma_start3A_196 : memref<128x64xf32, #tpu.memory_space<vmem_shared>>) target(%dma_start3A_194 : memref<128x64xf32, #tpu.memory_space<hbm>>) target_semaphore(%run_scoped3A : memref<!tpu.dma_semaphore, #tpu.memory_space<semaphore_mem>>)
      %dma_wait3A_197 = arith.constant 0 : i32
      %dma_wait3A_198 = tpu.memref_slice %arg5[%add3A_176, %dma_wait3A_197] : memref<20480x64xf32, #tpu.memory_space<hbm>> -> memref<128x64xf32, #tpu.memory_space<hbm>>
      %dma_wait3A_199 = arith.constant 0 : i32
      %dma_wait3A_200 = tpu.memref_slice %arg6[%add3A_174, %dma_wait3A_199] : memref<10240x64xf32, #tpu.memory_space<vmem_shared>> -> memref<128x64xf32, #tpu.memory_space<vmem_shared>>
      tpu.wait_dma2 semaphore(%run_scoped3A : memref<!tpu.dma_semaphore, #tpu.memory_space<semaphore_mem>>) src(%dma_wait3A_200 : memref<128x64xf32, #tpu.memory_space<vmem_shared>>) dst(%dma_wait3A_198 : memref<128x64xf32, #tpu.memory_space<hbm>>)
      tpu.yield
    }) : () -> ()
    %add3A_177 = arith.constant 128 : i32
    %add3A_178 = arith.addi %mul3A_6, %add3A_177 : i32
    %add3A_179 = arith.constant 128 : i32
    %add3A_180 = arith.addi %add3A_172, %add3A_179 : i32
    "tpu.region"() ({
      %run_scoped3A = tpu.sem_alloc : memref<!tpu.dma_semaphore, #tpu.memory_space<semaphore_mem>>
      %dma_start3A_193 = arith.constant 0 : i32
      %dma_start3A_194 = tpu.memref_slice %arg5[%add3A_180, %dma_start3A_193] : memref<20480x64xf32, #tpu.memory_space<hbm>> -> memref<128x64xf32, #tpu.memory_space<hbm>>
      %dma_start3A_195 = arith.constant 0 : i32
      %dma_start3A_196 = tpu.memref_slice %arg6[%add3A_178, %dma_start3A_195] : memref<10240x64xf32, #tpu.memory_space<vmem_shared>> -> memref<128x64xf32, #tpu.memory_space<vmem_shared>>
      tpu.enqueue_dma source(%dma_start3A_196 : memref<128x64xf32, #tpu.memory_space<vmem_shared>>) target(%dma_start3A_194 : memref<128x64xf32, #tpu.memory_space<hbm>>) target_semaphore(%run_scoped3A : memref<!tpu.dma_semaphore, #tpu.memory_space<semaphore_mem>>)
      %dma_wait3A_197 = arith.constant 0 : i32
      %dma_wait3A_198 = tpu.memref_slice %arg5[%add3A_180, %dma_wait3A_197] : memref<20480x64xf32, #tpu.memory_space<hbm>> -> memref<128x64xf32, #tpu.memory_space<hbm>>
      %dma_wait3A_199 = arith.constant 0 : i32
      %dma_wait3A_200 = tpu.memref_slice %arg6[%add3A_178, %dma_wait3A_199] : memref<10240x64xf32, #tpu.memory_space<vmem_shared>> -> memref<128x64xf32, #tpu.memory_space<vmem_shared>>
      tpu.wait_dma2 semaphore(%run_scoped3A : memref<!tpu.dma_semaphore, #tpu.memory_space<semaphore_mem>>) src(%dma_wait3A_200 : memref<128x64xf32, #tpu.memory_space<vmem_shared>>) dst(%dma_wait3A_198 : memref<128x64xf32, #tpu.memory_space<hbm>>)
      tpu.yield
    }) : () -> ()
    %add3A_181 = arith.constant 256 : i32
    %add3A_182 = arith.addi %mul3A_6, %add3A_181 : i32
    %add3A_183 = arith.constant 256 : i32
    %add3A_184 = arith.addi %add3A_172, %add3A_183 : i32
    "tpu.region"() ({
      %run_scoped3A = tpu.sem_alloc : memref<!tpu.dma_semaphore, #tpu.memory_space<semaphore_mem>>
      %dma_start3A_193 = arith.constant 0 : i32
      %dma_start3A_194 = tpu.memref_slice %arg5[%add3A_184, %dma_start3A_193] : memref<20480x64xf32, #tpu.memory_space<hbm>> -> memref<128x64xf32, #tpu.memory_space<hbm>>
      %dma_start3A_195 = arith.constant 0 : i32
      %dma_start3A_196 = tpu.memref_slice %arg6[%add3A_182, %dma_start3A_195] : memref<10240x64xf32, #tpu.memory_space<vmem_shared>> -> memref<128x64xf32, #tpu.memory_space<vmem_shared>>
      tpu.enqueue_dma source(%dma_start3A_196 : memref<128x64xf32, #tpu.memory_space<vmem_shared>>) target(%dma_start3A_194 : memref<128x64xf32, #tpu.memory_space<hbm>>) target_semaphore(%run_scoped3A : memref<!tpu.dma_semaphore, #tpu.memory_space<semaphore_mem>>)
      %dma_wait3A_197 = arith.constant 0 : i32
      %dma_wait3A_198 = tpu.memref_slice %arg5[%add3A_184, %dma_wait3A_197] : memref<20480x64xf32, #tpu.memory_space<hbm>> -> memref<128x64xf32, #tpu.memory_space<hbm>>
      %dma_wait3A_199 = arith.constant 0 : i32
      %dma_wait3A_200 = tpu.memref_slice %arg6[%add3A_182, %dma_wait3A_199] : memref<10240x64xf32, #tpu.memory_space<vmem_shared>> -> memref<128x64xf32, #tpu.memory_space<vmem_shared>>
      tpu.wait_dma2 semaphore(%run_scoped3A : memref<!tpu.dma_semaphore, #tpu.memory_space<semaphore_mem>>) src(%dma_wait3A_200 : memref<128x64xf32, #tpu.memory_space<vmem_shared>>) dst(%dma_wait3A_198 : memref<128x64xf32, #tpu.memory_space<hbm>>)
      tpu.yield
    }) : () -> ()
    %add3A_185 = arith.constant 384 : i32
    %add3A_186 = arith.addi %mul3A_6, %add3A_185 : i32
    %add3A_187 = arith.constant 384 : i32
    %add3A_188 = arith.addi %add3A_172, %add3A_187 : i32
    "tpu.region"() ({
      %run_scoped3A = tpu.sem_alloc : memref<!tpu.dma_semaphore, #tpu.memory_space<semaphore_mem>>
      %dma_start3A_193 = arith.constant 0 : i32
      %dma_start3A_194 = tpu.memref_slice %arg5[%add3A_188, %dma_start3A_193] : memref<20480x64xf32, #tpu.memory_space<hbm>> -> memref<128x64xf32, #tpu.memory_space<hbm>>
      %dma_start3A_195 = arith.constant 0 : i32
      %dma_start3A_196 = tpu.memref_slice %arg6[%add3A_186, %dma_start3A_195] : memref<10240x64xf32, #tpu.memory_space<vmem_shared>> -> memref<128x64xf32, #tpu.memory_space<vmem_shared>>
      tpu.enqueue_dma source(%dma_start3A_196 : memref<128x64xf32, #tpu.memory_space<vmem_shared>>) target(%dma_start3A_194 : memref<128x64xf32, #tpu.memory_space<hbm>>) target_semaphore(%run_scoped3A : memref<!tpu.dma_semaphore, #tpu.memory_space<semaphore_mem>>)
      %dma_wait3A_197 = arith.constant 0 : i32
      %dma_wait3A_198 = tpu.memref_slice %arg5[%add3A_188, %dma_wait3A_197] : memref<20480x64xf32, #tpu.memory_space<hbm>> -> memref<128x64xf32, #tpu.memory_space<hbm>>
      %dma_wait3A_199 = arith.constant 0 : i32
      %dma_wait3A_200 = tpu.memref_slice %arg6[%add3A_186, %dma_wait3A_199] : memref<10240x64xf32, #tpu.memory_space<vmem_shared>> -> memref<128x64xf32, #tpu.memory_space<vmem_shared>>
      tpu.wait_dma2 semaphore(%run_scoped3A : memref<!tpu.dma_semaphore, #tpu.memory_space<semaphore_mem>>) src(%dma_wait3A_200 : memref<128x64xf32, #tpu.memory_space<vmem_shared>>) dst(%dma_wait3A_198 : memref<128x64xf32, #tpu.memory_space<hbm>>)
      tpu.yield
    }) : () -> ()
    %add3A_189 = arith.constant 512 : i32
    %add3A_190 = arith.addi %mul3A_6, %add3A_189 : i32
    %add3A_191 = arith.constant 512 : i32
    %add3A_192 = arith.addi %add3A_172, %add3A_191 : i32
    "tpu.region"() ({
      %run_scoped3A = tpu.sem_alloc : memref<!tpu.dma_semaphore, #tpu.memory_space<semaphore_mem>>
      %dma_start3A_193 = arith.constant 0 : i32
      %dma_start3A_194 = tpu.memref_slice %arg5[%add3A_192, %dma_start3A_193] : memref<20480x64xf32, #tpu.memory_space<hbm>> -> memref<128x64xf32, #tpu.memory_space<hbm>>
      %dma_start3A_195 = arith.constant 0 : i32
      %dma_start3A_196 = tpu.memref_slice %arg6[%add3A_190, %dma_start3A_195] : memref<10240x64xf32, #tpu.memory_space<vmem_shared>> -> memref<128x64xf32, #tpu.memory_space<vmem_shared>>
      tpu.enqueue_dma source(%dma_start3A_196 : memref<128x64xf32, #tpu.memory_space<vmem_shared>>) target(%dma_start3A_194 : memref<128x64xf32, #tpu.memory_space<hbm>>) target_semaphore(%run_scoped3A : memref<!tpu.dma_semaphore, #tpu.memory_space<semaphore_mem>>)
      %dma_wait3A_197 = arith.constant 0 : i32
      %dma_wait3A_198 = tpu.memref_slice %arg5[%add3A_192, %dma_wait3A_197] : memref<20480x64xf32, #tpu.memory_space<hbm>> -> memref<128x64xf32, #tpu.memory_space<hbm>>
      %dma_wait3A_199 = arith.constant 0 : i32
      %dma_wait3A_200 = tpu.memref_slice %arg6[%add3A_190, %dma_wait3A_199] : memref<10240x64xf32, #tpu.memory_space<vmem_shared>> -> memref<128x64xf32, #tpu.memory_space<vmem_shared>>
      tpu.wait_dma2 semaphore(%run_scoped3A : memref<!tpu.dma_semaphore, #tpu.memory_space<semaphore_mem>>) src(%dma_wait3A_200 : memref<128x64xf32, #tpu.memory_space<vmem_shared>>) dst(%dma_wait3A_198 : memref<128x64xf32, #tpu.memory_space<hbm>>)
      tpu.yield
    }) : () -> ()
    return
  }
}

module attributes {stable_mosaic.version = 14 : i64} {
  func.func @_dense1_body(%arg0: i32, %arg1: i32, %arg2: memref<1024x64xf32, #tpu.memory_space<vmem>>, %arg3: memref<1024x64xf32, #tpu.memory_space<vmem>>, %arg4: memref<1024x1xf32, #tpu.memory_space<vmem>>, %arg5: memref<1024x1xf32, #tpu.memory_space<vmem>>, %arg6: memref<1024x128xf32, #tpu.memory_space<vmem>>, %arg7: memref<128x64xf32, #tpu.memory_space<vmem>>, %arg8: memref<128x64xf32, #tpu.memory_space<vmem>>, %arg9: memref<2x64xf32, #tpu.memory_space<vmem>>, %arg10: memref<1024x64xf32, #tpu.memory_space<vmem>>) attributes {dimension_semantics = [#tpu.dimension_semantics<arbitrary>, #tpu.dimension_semantics<arbitrary>], iteration_bounds = array<i64: 10, 2>, scalar_prefetch = 0 : i64, scratch_operands = 0 : i64, tpu.core_type = #tpu.core_type<tc>, window_params = [{transform_indices = @transform_0, window_bounds = array<i64: 1024, 64>}, {transform_indices = @transform_1, window_bounds = array<i64: 1024, 64>}, {transform_indices = @transform_2, window_bounds = array<i64: 1024, 1>}, {transform_indices = @transform_3, window_bounds = array<i64: 1024, 1>}, {transform_indices = @transform_4, window_bounds = array<i64: 1024, 128>}, {transform_indices = @transform_5, window_bounds = array<i64: 128, 64>}, {transform_indices = @transform_6, window_bounds = array<i64: 128, 64>}, {pipeline_mode = #tpu.pipeline_mode<synchronous>, transform_indices = @transform_7, window_bounds = array<i64: 2, 64>}, {transform_indices = @transform_8, window_bounds = array<i64: 1024, 64>}]} {
    %get3A = arith.constant 0 : index
    %get3A_0 = arith.constant 0 : index
    %get3A_1 = vector.load %arg4[%get3A, %get3A_0] : memref<1024x1xf32, #tpu.memory_space<vmem>>, vector<1024x1xf32>
    %get3A_2 = arith.constant 0 : index
    %get3A_3 = arith.constant 0 : index
    %get3A_4 = vector.load %arg5[%get3A_2, %get3A_3] : memref<1024x1xf32, #tpu.memory_space<vmem>>, vector<1024x1xf32>
    %add3A = arith.addf %get3A_1, %get3A_4 : vector<1024x1xf32>
    %max3A = arith.constant 1.000000e+00 : f32
    %max3A_5 = vector.broadcast %max3A : f32 to vector<1024x1xf32>
    %max3A_6 = arith.maximumf %add3A, %max3A_5 : vector<1024x1xf32>
    %div3A = arith.constant 1.000000e+00 : f32
    %div3A_7 = vector.broadcast %div3A : f32 to vector<1024x1xf32>
    %div3A_8 = arith.divf %div3A_7, %max3A_6 : vector<1024x1xf32>
    %get3A_9 = arith.constant 0 : index
    %get3A_10 = arith.constant 0 : index
    %get3A_11 = vector.load %arg2[%get3A_9, %get3A_10] : memref<1024x64xf32, #tpu.memory_space<vmem>>, vector<1024x64xf32>
    %get3A_12 = arith.constant 0 : index
    %get3A_13 = arith.constant 0 : index
    %get3A_14 = vector.load %arg3[%get3A_12, %get3A_13] : memref<1024x64xf32, #tpu.memory_space<vmem>>, vector<1024x64xf32>
    %concatenate3A = tpu.concatenate %get3A_11, %get3A_14 in 1 : vector<1024x64xf32>, vector<1024x64xf32> -> vector<1024x128xf32>
    %mul3A = vector.broadcast %div3A_8 : vector<1024x1xf32> to vector<1024x128xf32>
    %mul3A_15 = arith.mulf %concatenate3A, %mul3A : vector<1024x128xf32>
    %get3A_16 = arith.constant 0 : index
    %get3A_17 = arith.constant 0 : index
    %get3A_18 = vector.load %arg7[%get3A_16, %get3A_17] : memref<128x64xf32, #tpu.memory_space<vmem>>, vector<128x64xf32>
    %dot_general3A = arith.constant dense<0.000000e+00> : vector<1024x64xf32>
    %dot_general3A_19 = tpu.matmul %mul3A_15, %get3A_18, %dot_general3A {dimension_numbers = #tpu.dot_dimension_numbers<[1], [0], [0], [1], [0, 0, 1, 1], [], []>, transpose_lhs_hint = false} : vector<1024x128xf32>, vector<128x64xf32>, vector<1024x64xf32> -> vector<1024x64xf32>
    %get3A_20 = arith.constant 0 : index
    %get3A_21 = arith.constant 0 : index
    %get3A_22 = vector.load %arg6[%get3A_20, %get3A_21] : memref<1024x128xf32, #tpu.memory_space<vmem>>, vector<1024x128xf32>
    %get3A_23 = arith.constant 0 : index
    %get3A_24 = arith.constant 0 : index
    %get3A_25 = vector.load %arg8[%get3A_23, %get3A_24] : memref<128x64xf32, #tpu.memory_space<vmem>>, vector<128x64xf32>
    %dot_general3A_26 = arith.constant dense<0.000000e+00> : vector<1024x64xf32>
    %dot_general3A_27 = tpu.matmul %get3A_22, %get3A_25, %dot_general3A_26 {dimension_numbers = #tpu.dot_dimension_numbers<[1], [0], [0], [1], [0, 0, 1, 1], [], []>, transpose_lhs_hint = false} : vector<1024x128xf32>, vector<128x64xf32>, vector<1024x64xf32> -> vector<1024x64xf32>
    %add3A_28 = arith.addf %dot_general3A_19, %dot_general3A_27 : vector<1024x64xf32>
    %get3A_29 = arith.constant 0 : index
    %get3A_30 = arith.constant 0 : index
    %get3A_31 = vector.load %arg9[%get3A_29, %get3A_30] : memref<2x64xf32, #tpu.memory_space<vmem>>, vector<2x64xf32>
    %eq3A = arith.constant 0 : i32
    %eq3A_32 = arith.cmpi eq, %arg1, %eq3A : i32
    %slice3A = vector.extract_strided_slice %get3A_31 {offsets = [0, 0], sizes = [1, 64], strides = [1, 1]} : vector<2x64xf32> to vector<1x64xf32>
    %squeeze3A = vector.shape_cast %slice3A : vector<1x64xf32> to vector<64xf32>
    %slice3A_33 = vector.extract_strided_slice %get3A_31 {offsets = [1, 0], sizes = [1, 64], strides = [1, 1]} : vector<2x64xf32> to vector<1x64xf32>
    %squeeze3A_34 = vector.shape_cast %slice3A_33 : vector<1x64xf32> to vector<64xf32>
    %select_n3A = arith.select %eq3A_32, %squeeze3A, %squeeze3A_34 : vector<64xf32>
    %broadcast_in_dim3A = vector.shape_cast %select_n3A : vector<64xf32> to vector<1x64xf32>
    %add3A_35 = vector.broadcast %broadcast_in_dim3A : vector<1x64xf32> to vector<1024x64xf32>
    %add3A_36 = arith.addf %add3A_28, %add3A_35 : vector<1024x64xf32>
    %max3A_37 = arith.constant 0.000000e+00 : f32
    %max3A_38 = vector.broadcast %max3A_37 : f32 to vector<1024x64xf32>
    %max3A_39 = arith.maximumf %add3A_36, %max3A_38 : vector<1024x64xf32>
    %swap3A = arith.constant 0 : index
    %swap3A_40 = arith.constant 0 : index
    %swap3A_41 = vector.load %arg10[%swap3A, %swap3A_40] : memref<1024x64xf32, #tpu.memory_space<vmem>>, vector<1024x64xf32>
    tpu.vector_store %arg10[%swap3A, %swap3A_40], %max3A_39 {strides = array<i32>} : memref<1024x64xf32, #tpu.memory_space<vmem>>, vector<1024x64xf32>,
    return
  }
  func.func @transform_0(%arg0: i32, %arg1: i32) -> (i32, i32) {
    %c0_i32 = arith.constant 0 : i32
    %c0_i32_0 = arith.constant 0 : i32
    return %arg0, %c0_i32 : i32, i32
  }
  func.func @transform_1(%arg0: i32, %arg1: i32) -> (i32, i32) {
    %add3A = arith.constant 10 : i32
    %add3A_0 = arith.addi %add3A, %arg0 : i32
    %c0_i32 = arith.constant 0 : i32
    %c0_i32_1 = arith.constant 0 : i32
    return %add3A_0, %c0_i32 : i32, i32
  }
  func.func @transform_2(%arg0: i32, %arg1: i32) -> (i32, i32) {
    %c0_i32 = arith.constant 0 : i32
    %c0_i32_0 = arith.constant 0 : i32
    return %arg0, %c0_i32 : i32, i32
  }
  func.func @transform_3(%arg0: i32, %arg1: i32) -> (i32, i32) {
    %add3A = arith.constant 10 : i32
    %add3A_0 = arith.addi %add3A, %arg0 : i32
    %c0_i32 = arith.constant 0 : i32
    %c0_i32_1 = arith.constant 0 : i32
    return %add3A_0, %c0_i32 : i32, i32
  }
  func.func @transform_4(%arg0: i32, %arg1: i32) -> (i32, i32) {
    %c0_i32 = arith.constant 0 : i32
    %c0_i32_0 = arith.constant 0 : i32
    return %arg0, %c0_i32 : i32, i32
  }
  func.func @transform_5(%arg0: i32, %arg1: i32) -> (i32, i32) {
    %c0_i32 = arith.constant 0 : i32
    %c0_i32_0 = arith.constant 0 : i32
    return %arg1, %c0_i32 : i32, i32
  }
  func.func @transform_6(%arg0: i32, %arg1: i32) -> (i32, i32) {
    %c0_i32 = arith.constant 0 : i32
    %c0_i32_0 = arith.constant 0 : i32
    return %arg1, %c0_i32 : i32, i32
  }
  func.func @transform_7(%arg0: i32, %arg1: i32) -> (i32, i32) {
    %c0_i32 = arith.constant 0 : i32
    %c0_i32_0 = arith.constant 0 : i32
    %c0_i32_1 = arith.constant 0 : i32
    return %c0_i32, %c0_i32_0 : i32, i32
  }
  func.func @transform_8(%arg0: i32, %arg1: i32) -> (i32, i32) {
    %mul3A = arith.constant 10 : i32
    %mul3A_0 = arith.muli %arg1, %mul3A : i32
    %add3A = arith.addi %mul3A_0, %arg0 : i32
    %c0_i32 = arith.constant 0 : i32
    %c0_i32_1 = arith.constant 0 : i32
    return %add3A, %c0_i32 : i32, i32
  }
}

module attributes {stable_mosaic.version = 14 : i64} {
  func.func @_dense2_body(%arg0: i32, %arg1: memref<1024x64xf32, #tpu.memory_space<vmem>>, %arg2: memref<1024x64xf32, #tpu.memory_space<vmem>>, %arg3: memref<1024x1xf32, #tpu.memory_space<vmem>>, %arg4: memref<1024x1xf32, #tpu.memory_space<vmem>>, %arg5: memref<1024x64xf32, #tpu.memory_space<vmem>>, %arg6: memref<1024x64xf32, #tpu.memory_space<vmem>>, %arg7: memref<128x128xf32, #tpu.memory_space<vmem>>, %arg8: memref<128x128xf32, #tpu.memory_space<vmem>>, %arg9: memref<1x128xf32, #tpu.memory_space<vmem>>, %arg10: memref<1024x128xf32, #tpu.memory_space<vmem>>) attributes {dimension_semantics = [#tpu.dimension_semantics<arbitrary>], iteration_bounds = array<i64: 10>, scalar_prefetch = 0 : i64, scratch_operands = 0 : i64, tpu.core_type = #tpu.core_type<tc>, window_params = [{transform_indices = @transform_0, window_bounds = array<i64: 1024, 64>}, {transform_indices = @transform_1, window_bounds = array<i64: 1024, 64>}, {transform_indices = @transform_2, window_bounds = array<i64: 1024, 1>}, {transform_indices = @transform_3, window_bounds = array<i64: 1024, 1>}, {transform_indices = @transform_4, window_bounds = array<i64: 1024, 64>}, {transform_indices = @transform_5, window_bounds = array<i64: 1024, 64>}, {pipeline_mode = #tpu.pipeline_mode<synchronous>, transform_indices = @transform_6, window_bounds = array<i64: 128, 128>}, {pipeline_mode = #tpu.pipeline_mode<synchronous>, transform_indices = @transform_7, window_bounds = array<i64: 128, 128>}, {pipeline_mode = #tpu.pipeline_mode<synchronous>, transform_indices = @transform_8, window_bounds = array<i64: 1, 128>}, {transform_indices = @transform_9, window_bounds = array<i64: 1024, 128>}]} {
    %get3A = arith.constant 0 : index
    %get3A_0 = arith.constant 0 : index
    %get3A_1 = vector.load %arg3[%get3A, %get3A_0] : memref<1024x1xf32, #tpu.memory_space<vmem>>, vector<1024x1xf32>
    %get3A_2 = arith.constant 0 : index
    %get3A_3 = arith.constant 0 : index
    %get3A_4 = vector.load %arg4[%get3A_2, %get3A_3] : memref<1024x1xf32, #tpu.memory_space<vmem>>, vector<1024x1xf32>
    %add3A = arith.addf %get3A_1, %get3A_4 : vector<1024x1xf32>
    %max3A = arith.constant 1.000000e+00 : f32
    %max3A_5 = vector.broadcast %max3A : f32 to vector<1024x1xf32>
    %max3A_6 = arith.maximumf %add3A, %max3A_5 : vector<1024x1xf32>
    %div3A = arith.constant 1.000000e+00 : f32
    %div3A_7 = vector.broadcast %div3A : f32 to vector<1024x1xf32>
    %div3A_8 = arith.divf %div3A_7, %max3A_6 : vector<1024x1xf32>
    %get3A_9 = arith.constant 0 : index
    %get3A_10 = arith.constant 0 : index
    %get3A_11 = vector.load %arg1[%get3A_9, %get3A_10] : memref<1024x64xf32, #tpu.memory_space<vmem>>, vector<1024x64xf32>
    %get3A_12 = arith.constant 0 : index
    %get3A_13 = arith.constant 0 : index
    %get3A_14 = vector.load %arg2[%get3A_12, %get3A_13] : memref<1024x64xf32, #tpu.memory_space<vmem>>, vector<1024x64xf32>
    %concatenate3A = tpu.concatenate %get3A_11, %get3A_14 in 1 : vector<1024x64xf32>, vector<1024x64xf32> -> vector<1024x128xf32>
    %mul3A = vector.broadcast %div3A_8 : vector<1024x1xf32> to vector<1024x128xf32>
    %mul3A_15 = arith.mulf %concatenate3A, %mul3A : vector<1024x128xf32>
    %get3A_16 = arith.constant 0 : index
    %get3A_17 = arith.constant 0 : index
    %get3A_18 = vector.load %arg5[%get3A_16, %get3A_17] : memref<1024x64xf32, #tpu.memory_space<vmem>>, vector<1024x64xf32>
    %get3A_19 = arith.constant 0 : index
    %get3A_20 = arith.constant 0 : index
    %get3A_21 = vector.load %arg6[%get3A_19, %get3A_20] : memref<1024x64xf32, #tpu.memory_space<vmem>>, vector<1024x64xf32>
    %concatenate3A_22 = tpu.concatenate %get3A_18, %get3A_21 in 1 : vector<1024x64xf32>, vector<1024x64xf32> -> vector<1024x128xf32>
    %get3A_23 = arith.constant 0 : index
    %get3A_24 = arith.constant 0 : index
    %get3A_25 = vector.load %arg7[%get3A_23, %get3A_24] : memref<128x128xf32, #tpu.memory_space<vmem>>, vector<128x128xf32>
    %dot_general3A = arith.constant dense<0.000000e+00> : vector<1024x128xf32>
    %dot_general3A_26 = tpu.matmul %mul3A_15, %get3A_25, %dot_general3A {dimension_numbers = #tpu.dot_dimension_numbers<[1], [0], [0], [1], [0, 0, 1, 1], [], []>, transpose_lhs_hint = false} : vector<1024x128xf32>, vector<128x128xf32>, vector<1024x128xf32> -> vector<1024x128xf32>
    %get3A_27 = arith.constant 0 : index
    %get3A_28 = arith.constant 0 : index
    %get3A_29 = vector.load %arg8[%get3A_27, %get3A_28] : memref<128x128xf32, #tpu.memory_space<vmem>>, vector<128x128xf32>
    %dot_general3A_30 = arith.constant dense<0.000000e+00> : vector<1024x128xf32>
    %dot_general3A_31 = tpu.matmul %concatenate3A_22, %get3A_29, %dot_general3A_30 {dimension_numbers = #tpu.dot_dimension_numbers<[1], [0], [0], [1], [0, 0, 1, 1], [], []>, transpose_lhs_hint = false} : vector<1024x128xf32>, vector<128x128xf32>, vector<1024x128xf32> -> vector<1024x128xf32>
    %add3A_32 = arith.addf %dot_general3A_26, %dot_general3A_31 : vector<1024x128xf32>
    %get3A_33 = arith.constant 0 : index
    %get3A_34 = arith.constant 0 : index
    %get3A_35 = vector.load %arg9[%get3A_33, %get3A_34] : memref<1x128xf32, #tpu.memory_space<vmem>>, vector<1x128xf32>
    %add3A_36 = vector.broadcast %get3A_35 : vector<1x128xf32> to vector<1024x128xf32>
    %add3A_37 = arith.addf %add3A_32, %add3A_36 : vector<1024x128xf32>
    %swap3A = arith.constant 0 : index
    %swap3A_38 = arith.constant 0 : index
    %swap3A_39 = vector.load %arg10[%swap3A, %swap3A_38] : memref<1024x128xf32, #tpu.memory_space<vmem>>, vector<1024x128xf32>
    tpu.vector_store %arg10[%swap3A, %swap3A_38], %add3A_37 {strides = array<i32>} : memref<1024x128xf32, #tpu.memory_space<vmem>>, vector<1024x128xf32>,
    return
  }
  func.func @transform_0(%arg0: i32) -> (i32, i32) {
    %c0_i32 = arith.constant 0 : i32
    %c0_i32_0 = arith.constant 0 : i32
    return %arg0, %c0_i32 : i32, i32
  }
  func.func @transform_1(%arg0: i32) -> (i32, i32) {
    %add3A = arith.constant 10 : i32
    %add3A_0 = arith.addi %add3A, %arg0 : i32
    %c0_i32 = arith.constant 0 : i32
    %c0_i32_1 = arith.constant 0 : i32
    return %add3A_0, %c0_i32 : i32, i32
  }
  func.func @transform_2(%arg0: i32) -> (i32, i32) {
    %c0_i32 = arith.constant 0 : i32
    %c0_i32_0 = arith.constant 0 : i32
    return %arg0, %c0_i32 : i32, i32
  }
  func.func @transform_3(%arg0: i32) -> (i32, i32) {
    %add3A = arith.constant 10 : i32
    %add3A_0 = arith.addi %add3A, %arg0 : i32
    %c0_i32 = arith.constant 0 : i32
    %c0_i32_1 = arith.constant 0 : i32
    return %add3A_0, %c0_i32 : i32, i32
  }
  func.func @transform_4(%arg0: i32) -> (i32, i32) {
    %c0_i32 = arith.constant 0 : i32
    %c0_i32_0 = arith.constant 0 : i32
    return %arg0, %c0_i32 : i32, i32
  }
  func.func @transform_5(%arg0: i32) -> (i32, i32) {
    %add3A = arith.constant 10 : i32
    %add3A_0 = arith.addi %add3A, %arg0 : i32
    %c0_i32 = arith.constant 0 : i32
    %c0_i32_1 = arith.constant 0 : i32
    return %add3A_0, %c0_i32 : i32, i32
  }
  func.func @transform_6(%arg0: i32) -> (i32, i32) {
    %c0_i32 = arith.constant 0 : i32
    %c0_i32_0 = arith.constant 0 : i32
    %c0_i32_1 = arith.constant 0 : i32
    return %c0_i32, %c0_i32_0 : i32, i32
  }
  func.func @transform_7(%arg0: i32) -> (i32, i32) {
    %c0_i32 = arith.constant 0 : i32
    %c0_i32_0 = arith.constant 0 : i32
    %c0_i32_1 = arith.constant 0 : i32
    return %c0_i32, %c0_i32_0 : i32, i32
  }
  func.func @transform_8(%arg0: i32) -> (i32, i32) {
    %c0_i32 = arith.constant 0 : i32
    %c0_i32_0 = arith.constant 0 : i32
    %c0_i32_1 = arith.constant 0 : i32
    return %c0_i32, %c0_i32_0 : i32, i32
  }
  func.func @transform_9(%arg0: i32) -> (i32, i32) {
    %c0_i32 = arith.constant 0 : i32
    %c0_i32_0 = arith.constant 0 : i32
    return %arg0, %c0_i32 : i32, i32
  }
}

</mosaic_0001>

<sc_bundles>
// kernel: kernel.6.cloned.1.call-start
scs
__scs_entry_jumppad:
0x0: {  	(pc) =	sbr.rel $0x88, $3  }
0x1: {  	(tag) =	ssettag $0x0;
	lr =	simm.s32 $0x1  }
0x2: {  	[smem:$0x3F99] =	sst lr;
	_ =	strace $0xD0000000  }
0x3: {  	_ = 	snop  }
0x4: {  	_ = 	snop  }
0x5: {  	_ = 	snop  }
0x6: {  	_ = 	snop  }
0x7: {  	_ = 	snop  }
__scs_overlays_trampoline_lowered:
0x8: {  	[smem:$0x3FA8] =	sst s0  }
0x9: {  	[smem:$0x3FA9] =	sst s1  }
0xa: {  	[smem:$0x3FAA] =	sst s2  }
0xb: {  	[smem:$0x3FAB] =	sst s3  }
0xc: {  	[smem:$0x3FAC] =	sst s4  }
0xd: {  	[smem:$0x3FAD] =	sst s5  }
0xe: {  	[smem:$0x3FAE] =	sst s6  }
0xf: {  	[smem:$0x3FAF] =	sst s7  }
0x10: {  	[smem:$0x3FB0] =	sst s8  }
0x11: {  	[smem:$0x3FB1] =	sst s9;
	s0 =	simm.s32 @!p0 $0x0  }
0x12: {  	s1 =	sld [smem:$0x3F97];
	s0 =	simm.s32 @p0 $0x1  }
0x13: {  	[smem:$0x3FB2] =	sst s0;
	s0 =	simm.s32 @!p1 $0x0  }
0x14: {  	s2 =	sld [smem:$0x3F96];
	s0 =	simm.s32 @p1 $0x1  }
0x15: {  	[smem:$0x3FB3] =	sst s0;
	s0 =	simm.s32 @!p2 $0x0  }
0x16: {  	s3 =	sld [smem:$0x3FDB];
	s0 =	simm.s32 @p2 $0x1  }
0x17: {  	s4 =	simm.s32 $0x1BF5;
	[smem:$0x3FB5] =	sst s0  }
0x18: {  	s0 =	sld [smem:$0x3F98];
	_ =	swait.ge [sflag:s4], $0x0  }
0x19: {  	s7 =	sld [smem:$0x3F99]  }
0x1a: {  	s8 =	sadd.s32 $0xFFFFE003, lr  }
0x1b: {  	s9 =	sadd.s32 $0xFFFFFEF7, lr;
	s5 =	simm.s32 $0xFFFFFFFF;
	p2 =	slt.u32 s8, $0xFFFFF086  }
0x1c: {  	p1 =	slt.u32 s9, $0xF7A;
	s5 =	simm.s32 @!p2 $0x0  }
0x1d: {  	s5 =	simm.s32 @p1 $0x1;
	p0 =	seq.s32 s7, s2  }
0x1e: {  	s7 =	smul.u32 @!p0 $0xF7A, s2;
	p2 =	seq.s32 @!p0 s5, $0x0  }
0x1f: {  	s9 =	smul.u32 $0xF7A, s1;
	s8 =	simm.s32 @!p0 $0x1BF5;
	p2 =	por !p2, p0  }
0x20: {  	[sflag:s8] =	ssyncset.s32 @!p0 $0xFFFFF086;
	s6 =	sadd.s32 @!p0 s3, s7;
	s7 =	simm.s32 @!p0 $0x108  }
0x21: {  	s3 =	sadd.s32 s3, s9;
	s6 =	sadd.s32 @!p0 $0x88, s6;
	s7 =	simm.s32 @p2 $0x1082  }
0x22: {  	[simem:s7], [sflag:s8] =	dma.local @!p0 [hbm:s6], $0xF7A  }
0x23: {  	s9 =	sor.u32 $0xD0000000, s2;
	s6 =	simm.s32 $0x108;
	_ =	swait.ge @!p0 [sflag:s8], $0x0  }
0x24: {  	s3 =	sadd.s32 $0x88, s3;
	s6 =	simm.s32 @!p1 $0x1082;
	[sflag:s4] =	ssyncset.s32 $0xFFFFF086  }
0x25: {  	[simem:s6], [sflag:s4] =	dma.local [hbm:s3], $0xF7A  }
0x26: {  	[smem:$0x3F99] =	sst s1;
	(tag) =	ssettag s2;
	_ =	strace s9  }
0x27: {  	s1 =	sld [smem:$0x3FA9]  }
0x28: {  	s2 =	sld [smem:$0x3FAA]  }
0x29: {  	s4 =	sld [smem:$0x3FAC]  }
0x2a: {  	p0 =	seq.s32 s5, $0x0;
	s5 =	sld [smem:$0x3FAD]  }
0x2b: {  	s6 =	sld [smem:$0x3FAE]  }
0x2c: {  	s7 =	sld [smem:$0x3FAF]  }
0x2d: {  	s3 =	simm.s32 $0x108;
	s8 =	sld [smem:$0x3FB0]  }
0x2e: {  	s3 =	simm.s32 @!p0 $0x1082;
	s9 =	sld [smem:$0x3FB1]  }
0x2f: {  	lr =	sadd.s32 s0, s3;
	s0 =	sld [smem:$0x3FA8]  }
0x30: {  	s3 =	sld [smem:$0x3FAB]  }
0x31: {  	[smem:$0x3FB4] =	sst s10  }
0x32: {  	s10 =	sld [smem:$0x3FB2];
	_ =	sdelay $0x3  }
0x33: {  	p0 =	seq.s32 s10, $0x1;
	s10 =	sld [smem:$0x3FB4];
	_ =	sdelay $0x3  }
0x34: {  	[smem:$0x3FB4] =	sst s10  }
0x35: {  	s10 =	sld [smem:$0x3FB3];
	_ =	sdelay $0x3  }
0x36: {  	p1 =	seq.s32 s10, $0x1;
	s10 =	sld [smem:$0x3FB4];
	_ =	sdelay $0x3  }
0x37: {  	[smem:$0x3FB4] =	sst s10  }
0x38: {  	s10 =	sld [smem:$0x3FB5]  }
0x39: {  	_ = 	snop;
	(pc) =	sbr.ind lr, $3  }
0x3a: {  	_ = 	snop  }
0x3b: {  	_ = 	snop  }
0x3c: {  	p2 =	seq.s32 s10, $0x1;
	s10 =	sld [smem:$0x3FB4]  }
0x3d: {  	_ =	shalt  }
0x3e: {  	_ =	shalt  }
0x3f: {  	_ =	shalt  }
0x40: {  	_ =	shalt  }
0x41: {  	_ =	shalt  }
0x42: {  	_ =	shalt  }
0x43: {  	_ =	shalt  }
0x44: {  	_ =	shalt  }
0x45: {  	_ =	shalt  }
0x46: {  	_ =	shalt  }
0x47: {  	_ =	shalt  }
0x48: {  	_ =	shalt  }
0x49: {  	_ =	shalt  }
0x4a: {  	_ =	shalt  }
0x4b: {  	_ =	shalt  }
0x4c: {  	_ =	shalt  }
0x4d: {  	_ =	shalt  }
0x4e: {  	_ =	shalt  }
0x4f: {  	_ =	shalt  }
0x50: {  	_ =	shalt  }
0x51: {  	_ =	shalt  }
0x52: {  	_ =	shalt  }
0x53: {  	_ =	shalt  }
0x54: {  	_ =	shalt  }
0x55: {  	_ =	shalt  }
0x56: {  	_ =	shalt  }
0x57: {  	_ =	shalt  }
0x58: {  	_ =	shalt  }
0x59: {  	_ =	shalt  }
0x5a: {  	_ =	shalt  }
0x5b: {  	_ =	shalt  }
0x5c: {  	_ =	shalt  }
0x5d: {  	_ =	shalt  }
0x5e: {  	_ =	shalt  }
0x5f: {  	_ =	shalt  }
0x60: {  	_ =	shalt  }
0x61: {  	_ =	shalt  }
0x62: {  	_ =	shalt  }
0x63: {  	_ =	shalt  }
0x64: {  	_ =	shalt  }
0x65: {  	_ =	shalt  }
0x66: {  	_ =	shalt  }
0x67: {  	_ =	shalt  }
0x68: {  	_ =	shalt  }
0x69: {  	_ =	shalt  }
0x6a: {  	_ =	shalt  }
0x6b: {  	_ =	shalt  }
0x6c: {  	_ =	shalt  }
0x6d: {  	_ =	shalt  }
0x6e: {  	_ =	shalt  }
0x6f: {  	_ =	shalt  }
0x70: {  	_ =	shalt  }
0x71: {  	_ =	shalt  }
0x72: {  	_ =	shalt  }
0x73: {  	_ =	shalt  }
0x74: {  	_ =	shalt  }
0x75: {  	_ =	shalt  }
0x76: {  	_ =	shalt  }
0x77: {  	_ =	shalt  }
0x78: {  	_ =	shalt  }
0x79: {  	_ =	shalt  }
0x7a: {  	_ =	shalt  }
0x7b: {  	_ =	shalt  }
0x7c: {  	_ =	shalt  }
0x7d: {  	_ =	shalt  }
0x7e: {  	_ =	shalt  }
0x7f: {  	_ =	shalt  }
0x80: {  	_ =	shalt  }
0x81: {  	_ =	shalt  }
0x82: {  	_ =	shalt  }
0x83: {  	_ =	shalt  }
0x84: {  	_ =	shalt  }
0x85: {  	_ =	shalt  }
0x86: {  	_ =	shalt  }
0x87: {  	_ =	shalt  }
.Lfunc_end0:
.L_simem_size_0:
called_computation_lowered:
.L_overlay_start_0:
0x88: {  	s2 =	sld [smem:$0x3FD9]  }
0x89: {  	s3 =	sld [smem:$0x3FFE];
	_ =	sdelay $0x1  }
0x8a: {  	s1 =	srdreg.scid  }
0x8b: {  	s0 =	sand.u32 $0x1, s1  }
0x8c: {  	s17 =	sshll.u32 s0, $0xA;
	s2 =	sadd.s32 s3, s2  }
0x8d: {  	s2 =	sadd.s32 s2, s17  }
0x8e: {  	[smem:$0x3FC0] =	sst s2  }
0x8f: {  	_ = 	snop  }
0x90: {  	s2 =	sld [smem:$0x3FD0];
	(tm) =	ssettm $0x1  }
0x91: {  	s18 =	sld [smem:$0x3FFB];
	_ =	sdelay $0x3  }
0x92: {  	_ =	strace s18  }
0x93: {  	s3 =	sld [smem:$0x3FFC];
	_ =	sdelay $0x3  }
0x94: {  	_ =	strace s3  }
0x95: {  	s3 =	sld [smem:$0x3FFD];
	_ =	sdelay $0x3  }
0x96: {  	_ =	strace s3  }
0x97: {  	_ =	strace $0x8FFFFFFF  }
0x98: {  	s19 =	sld [smem:$0x3FDB];
	_ =	sdelay $0x1  }
0x99: {  	s4 =	simm.s32 $_scs_section_size  }
0x9a: {  	s5 =	simm.s32 $_size__tile_overlayer_lowered;
	s6 =	simm.s32 $_tile_overlayer_lowered  }
0x9b: {  	s22 =	simm.s32 $0x1BFF;
	s21 =	sshll.u32 s6, $0x1;
	s3 =	sadd.s32 s4, s19  }
0x9c: {  	s7 =	simm.s32 $0x0;
	s20 =	sshll.u32 s5, $0x1;
	s5 =	sadd.s32 s21, s3  }
0x9d: {  	[timem:s7], [sflag:s22] =	dma.local [hbm:s5], s20  }
0x9e: {  	_ =	swait.ge [sflag:s22], s20  }
0x9f: {  	s4 =	ssub.s32 $0x0, s20;
	[sflag:s22] =	ssyncset.done $0x0  }
0xa0: {  	[sflag:s22] =	ssyncadd.s32 s4;
	_ =	sdelay $0x1  }
0xa1: {  	s23 =	simm.s32 $0x1B8B  }
0xa2: {  	_ =	swait.ge [sflag:s23], $0x1  }
0xa3: {  	[sflag:s23] =	ssyncset.done $0x0  }
0xa4: {  	s25 =	simm.s32 $0x1B8E;
	s24 =	sld [smem:$0x3FFE];
	[sflag:s23] =	ssyncadd.s32 $0xFFFFFFFF  }
0xa5: {  	s26 =	simm.s32 $execute0_lowered;
	[smem:$0x3FD2] =	sst s25  }
0xa6: {  	s5 =	sshll.u32 s26, $0x1;
	_ =	strace $0x80000046;
	[dreg:$0x1] =	wrdreg $0xFFFFFFFF  }
0xa7: {  	s28 =	simm.s32 $_size_execute0_lowered;
	s3 =	sadd.s32 s3, s5;
	[dreg:$0x0] =	wrdreg $0x0  }
0xa8: {  	s5 =	sshll.u32 s28, $0x1;
	[dreg:$0x2] =	wrdreg s3  }
0xa9: {  	[dreg:$0x3] =	wrdreg s5  }
0xaa: {  	[dreg:$0x4] =	wrdreg $0xC0  }
0xab: {  	_ =	task [dreg:s7], $0x5FFFF  }
0xac: {  	[dreg:$0x1] =	wrdreg $0xFFFFFFFF  }
0xad: {  	[dreg:$0x0] =	wrdreg $0x60  }
0xae: {  	[dreg:$0x2] =	wrdreg s24  }
0xaf: {  	[dreg:$0x3] =	wrdreg s2  }
0xb0: {  	[dreg:$0x4] =	wrdreg $0x0  }
0xb1: {  	[dreg:$0x5] =	wrdreg $0xA0000  }
0xb2: {  	[dreg:$0x6] =	wrdreg $0x9  }
0xb3: {  	_ =	task.clear_ibuf [dreg:s7], $0x7FFFF;
	_ =	strace $0x90000046  }
0xb4: {  	s29 =	simm.s32 $0x9;
	_ =	strace $0x80000048  }
0xb5: {  	_ =	swait.ge [sflag:s29], $0x1  }
0xb6: {  	[sflag:s29] =	ssyncadd.s32 $0xFFFFFFFF  }
0xb7: {  	_ =	strace $0x90000048  }
0xb8: {  	_ =	sfence  }
0xb9: {  	s30 =	sld [smem:$0x0];
	_ =	sdelay $0x2  }
0xba: {  	s31 =	sshll.u32 s1, $0xD;
	s1 =	sshrl.u32 s1, $0x2  }
0xbb: {  	s3 =	sand.u32 $0x4000, s31;
	s1 =	sadd.s32 s1, s30  }
0xbc: {  	s0 =	sor.u32 s3, s0;
	s1 =	sshll.u32 s1, $0x11  }
0xbd: {  	s0 =	sor.u32 s1, s0  }
0xbe: {  	s0 =	sadd.s32 $0x8F2B, s0  }
0xbf: {  	[sflag:s0] =	ssyncadd.remote.s32 $0x1  }
0xc0: {  	_ =	sfence.sel $0xFFFF  }
0xc1: {  	[dreg:$0x0] =	wrdreg $0xFFFFFFFF;
	(pc) =	sbr.abs _section_cstart, $3  }
0xc2: {  	[dreg:$0x1] =	wrdreg $0xFFFFFFFF  }
0xc3: {  	_ =	task.clear_ibuf [dreg:s7], $0x2FFFF;
	_ =	strace $0x9FFFFFFF  }
0xc4: {  	(tm) =	ssettm $0x7FFFFFFF  }
0xc5: {  	_ =	shalt  }
tec
execute0_lowered:
.L_overlay_start_1:
0x0: {  	(tag) =	ssettag $0x1  }
0x1: {  	s0 =	rddreg [dreg:$0x0]  }
0x2: {  	s1 =	rddreg [dreg:$0x1]  }
0x3: {  	s2 =	rddreg [dreg:$0x2];
	s10 =	stileid.u32  }
0x4: {  	s4 =	srdreg.scid;
	s3 =	rddreg [dreg:$0x3];
	s5 =	simm.s32 $0x0  }
0x5: {  	s28 =	simm.s32 $0x80;
	s30 =	simm.s32 $0x16280;
	s8 =	smul.u32 $0x280, s10  }
0x6: {  	s31 =	simm.s32 $0x1C280;
	s29 =	simm.s32 $0x2;
	s13 =	smul.u32 $0xA00, s10  }
0x7: {  	s4 =	sand.u32 $0x1, s4;
	[smem:$0x7FF] =	sst s5;
	s10 =	smul.u32 $0x28000, s10  }
0x8: {  	s6 =	sadd.s32 $0x2600, s0;
	s7 =	smul.u32 $0x2800, s4;
	_ =	strace $0x80000047  }
0x9: {  	s24 =	ssub.s32 $0x2, s4;
	s17 =	smul.u32 $0xA000, s4;
	p0 =	seq.s32 s4, $0x0  }
0xa: {  	s14 =	sadd.s32 s13, s0;
	s25 =	sshrl.u32 s24, $0x1;
	s10 =	sshrl.u32 s10, $0x2  }
0xb: {  	s18 =	sadd.s32 s8, s3;
	s7 =	sadd.s32 s8, s7;
	s16 =	ssub.s32 s24, s25  }
0xc: {  	[dreg:$0xa] =	wrdreg s18;
	s19 =	sadd.s32 s13, s17;
	s20 =	sadd.s32 $0x2A600, s14  }
0xd: {  	s13 =	simm.s32 $0x4;
	s14 =	simm.s32 $0x5;
	s17 =	simm.s32 $0x8  }
0xe: {  	s9 =	sshll.u32 s7, $0x3;
	s1 =	sadd.s32 s1, s19;
	[dreg:$0xc] =	wrdreg s20  }
0xf: {  	s15 =	sadd.s32 s9, s0;
	s9 =	sadd.s32 s10, s2;
	[dreg:$0xb] =	wrdreg s1  }
0x10: {  	s18 =	simm.s32 $0xA;
	s26 =	sadd.s32 $0x8000, s9;
	[dreg:$0x5] =	wrdreg s9  }
0x11: {  	s7 =	sshrl.u32 s7, $0x3;
	s21 =	sadd.s32 $0x34600, s15;
	[dreg:$0x9] =	wrdreg s26  }
0x12: {  	s19 =	simm.s32 $0xB;
	s22 =	sadd.s32 $0x34A00, s15;
	[dreg:$0xd] =	wrdreg s21  }
0x13: {  	s0 =	sadd.s32 s7, s0;
	s23 =	sadd.s32 $0x34E00, s15;
	[dreg:$0xe] =	wrdreg s22  }
0x14: {  	s1 =	simm.s32 $0x18280;
	s24 =	sadd.s32 $0x35200, s15;
	[dreg:$0xf] =	wrdreg s23  }
0x15: {  	s10 =	sadd.s32 $0x2000, s9;
	s25 =	sadd.s32 $0x35600, s15;
	[dreg:$0x10] =	wrdreg s24  }
0x16: {  	s11 =	sadd.s32 $0x4000, s9;
	s0 =	sadd.s32 $0x5C600, s0;
	[dreg:$0x11] =	wrdreg s25  }
0x17: {  	s12 =	sadd.s32 $0x6000, s9;
	s15 =	simm.s32 $0x6;
	[dreg:$0x12] =	wrdreg s0  }
0x18: {  	s26 =	smax.u32 s16, $0x1;
	s22 =	simm.s32 $0x14280;
	[dreg:$0x6] =	wrdreg s10  }
0x19: {  	s23 =	simm.s32 $0xC;
	s24 =	simm.s32 $0x1;
	[dreg:$0x7] =	wrdreg s11  }
0x1a: {  	s0 =	simm.s32 $0x3;
	s16 =	simm.s32 $0x7;
	[dreg:$0x8] =	wrdreg s12  }
0x1b: {  	v0 =	vimm.f32 $0.0e+00;
	v1 =	vimm.f32 $1.000000000e+00;
	s25 =	simm.s32 $0x9;
	[dreg:$0x13] =	wrdreg s26;
	s26 =	simm.s32 $0x1A280  }
.LBB2_1:
0x1c: {  	s20 =	simm.s32 $0x100;
	s8 =	simm.s32 $0x0  }
.LBB2_2:
0x1d: {  	p1 =	sne.s32 s20, $0x7F00;
	[tilespmem:s8+$0x142B0] =	vst v0;
	s21 =	smov.u32 s20;
	s20 =	sadd.s32 $0x100, s20  }
.Ltmp0:
0x1e: {  	[tilespmem:s8+$0x142A0] =	vst v0;
	(pc) =	sbr.rel @p1 .LBB2_2-.Ltmp0, $3  }
0x1f: {  	[tilespmem:s8+$0x14280] =	vst v0  }
0x20: {  	[tilespmem:s8+$0x14290] =	vst v0;
	_ =	sdelay $0x1  }
0x21: {  	s8 =	sshra.s32 s21, $0x2  }
0x22: {  	[tilespmem:s8+$0x142B0] =	vst v0  }
0x23: {  	[tilespmem:s8+$0x142A0] =	vst v0  }
0x24: {  	[tilespmem:s8+$0x14280] =	vst v0  }
0x25: {  	[tilespmem:s8+$0x14290] =	vst v0  }
0x26: {  	[spmem:s9] =	stream.linear.scatter [tilespmem:s22], [sflag:$0xC], $0x2000, $0x38;
	[tilespmem:$0x1E580] =	vst v63  }
0x27: {  	_ =	swait.ge [sflag:s23], $0x2000  }
0x28: {  	[sflag:s23] =	ssyncset.done $0x0  }
0x29: {  	[sflag:s23] =	ssyncadd.s32 $0xFFFFE000  }
0x2a: {  	[spmem:s10] =	stream.linear.scatter [tilespmem:s22], [sflag:$0xC], $0x2000, $0x38;
	[tilespmem:$0x1E580] =	vst v63  }
0x2b: {  	_ =	swait.ge [sflag:s23], $0x2000  }
0x2c: {  	[sflag:s23] =	ssyncset.done $0x0  }
0x2d: {  	[sflag:s23] =	ssyncadd.s32 $0xFFFFE000  }
0x2e: {  	[spmem:s11] =	stream.linear.scatter [tilespmem:s22], [sflag:$0xC], $0x2000, $0x38;
	[tilespmem:$0x1E580] =	vst v63  }
0x2f: {  	_ =	swait.ge [sflag:s23], $0x2000  }
0x30: {  	[sflag:s23] =	ssyncset.done $0x0  }
0x31: {  	[sflag:s23] =	ssyncadd.s32 $0xFFFFE000  }
0x32: {  	[spmem:s12] =	stream.linear.scatter [tilespmem:s22], [sflag:$0xC], $0x2000, $0x38;
	[tilespmem:$0x1E580] =	vst v63  }
0x33: {  	_ =	swait.ge [sflag:s23], $0x2000  }
0x34: {  	[sflag:s23] =	ssyncset.done $0x0  }
0x35: {  	s7 =	rddreg [dreg:$0x9];
	[sflag:s23] =	ssyncadd.s32 $0xFFFFE000  }
0x36: {  	[spmem:s7] =	stream.linear.scatter [tilespmem:s22], [sflag:$0xC], $0x2000, $0x38;
	[tilespmem:$0x1E580] =	vst v63  }
0x37: {  	_ =	swait.ge [sflag:s23], $0x2000  }
0x38: {  	[sflag:s23] =	ssyncset.done $0x0  }
0x39: {  	[sflag:s23] =	ssyncadd.s32 $0xFFFFE000  }
0x3a: {  	[tilespmem:$0x1E300] =	vst v0  }
0x3b: {  	[tilespmem:$0x1E310] =	vst v0  }
0x3c: {  	[tilespmem:$0x1E320] =	vst v0  }
0x3d: {  	[tilespmem:$0x1E330] =	vst v0  }
0x3e: {  	[tilespmem:$0x1E340] =	vst v0  }
0x3f: {  	[tilespmem:$0x1E350] =	vst v0  }
0x40: {  	[tilespmem:$0x1E360] =	vst v0  }
0x41: {  	[tilespmem:$0x1E370] =	vst v0  }
0x42: {  	[tilespmem:$0x1E380] =	vst v0  }
0x43: {  	[tilespmem:$0x1E390] =	vst v0  }
0x44: {  	[tilespmem:$0x1E3A0] =	vst v0  }
0x45: {  	[tilespmem:$0x1E3B0] =	vst v0  }
0x46: {  	[tilespmem:$0x1E3C0] =	vst v0  }
0x47: {  	[tilespmem:$0x1E3D0] =	vst v0  }
0x48: {  	[tilespmem:$0x1E3E0] =	vst v0  }
0x49: {  	[tilespmem:$0x1E3F0] =	vst v0  }
0x4a: {  	[tilespmem:$0x1E400] =	vst v0  }
0x4b: {  	[tilespmem:$0x1E410] =	vst v0  }
0x4c: {  	[tilespmem:$0x1E420] =	vst v0  }
0x4d: {  	[tilespmem:$0x1E430] =	vst v0  }
0x4e: {  	[tilespmem:$0x1E440] =	vst v0  }
0x4f: {  	[tilespmem:$0x1E450] =	vst v0  }
0x50: {  	[tilespmem:$0x1E460] =	vst v0  }
0x51: {  	[tilespmem:$0x1E470] =	vst v0  }
0x52: {  	[tilespmem:$0x1E480] =	vst v0  }
0x53: {  	[tilespmem:$0x1E490] =	vst v0  }
0x54: {  	[tilespmem:$0x1E4A0] =	vst v0  }
0x55: {  	[tilespmem:$0x1E4B0] =	vst v0  }
0x56: {  	[tilespmem:$0x1E4C0] =	vst v0  }
0x57: {  	[tilespmem:$0x1E4D0] =	vst v0  }
0x58: {  	[tilespmem:$0x1E4E0] =	vst v0  }
0x59: {  	[tilespmem:$0x1E4F0] =	vst v0  }
0x5a: {  	[tilespmem:$0x1E500] =	vst v0  }
0x5b: {  	[tilespmem:$0x1E510] =	vst v0  }
0x5c: {  	[tilespmem:$0x1E520] =	vst v0  }
0x5d: {  	[tilespmem:$0x1E530] =	vst v0  }
0x5e: {  	[tilespmem:$0x1E540] =	vst v0  }
0x5f: {  	[tilespmem:$0x1E550] =	vst v0  }
0x60: {  	[tilespmem:$0x1E560] =	vst v0  }
0x61: {  	[tilespmem:$0x1E570] =	vst v0  }
0x62: {  	[tilespmem:$0x1E280] =	vst v1  }
0x63: {  	[tilespmem:$0x1E290] =	vst v1  }
0x64: {  	[tilespmem:$0x1E2A0] =	vst v1  }
0x65: {  	[tilespmem:$0x1E2B0] =	vst v1  }
0x66: {  	[tilespmem:$0x1E2C0] =	vst v1  }
0x67: {  	[tilespmem:$0x1E2D0] =	vst v1  }
0x68: {  	[tilespmem:$0x1E2E0] =	vst v1  }
0x69: {  	s21 =	simm.s32 $0x1E300;
	s20 =	rddreg [dreg:$0xa];
	[tilespmem:$0x1E2F0] =	vst v1  }
0x6a: {  	[spmem:s20] =	stream.linear.scatter [tilespmem:s21], [sflag:$0xC], $0x280, $0x38;
	[tilespmem:$0x1E580] =	vst v63  }
0x6b: {  	_ =	swait.ge [sflag:s23], $0x280  }
0x6c: {  	s10 =	simm.s32 $0xA280;
	[sflag:s23] =	ssyncset.done $0x0  }
0x6d: {  	s20 =	simm.s32 $0x0;
	s9 =	rddreg [dreg:$0xb];
	[sflag:s23] =	ssyncadd.s32 $0xFFFFFD80  }
0x6e: {  	[tilespmem:s10], [sflag:$0xC] =	stream.linear.gather [hbm4b:s9+s20], $0x5000, $0x38;
	[tilespmem:$0x1E580] =	vst v63  }
0x6f: {  	_ =	swait.ge [sflag:s23], $0x5000  }
0x70: {  	[sflag:s23] =	ssyncset.done $0x0  }
0x71: {  	s12 =	simm.s32 $0xF280;
	s11 =	rddreg [dreg:$0xc];
	[sflag:s23] =	ssyncadd.s32 $0xFFFFB000  }
0x72: {  	[tilespmem:s12], [sflag:$0xC] =	stream.linear.gather [hbm4b:s11+s20], $0x5000, $0x38;
	[tilespmem:$0x1E580] =	vst v63  }
0x73: {  	_ =	swait.ge [sflag:s23], $0x5000  }
0x74: {  	[sflag:s23] =	ssyncset.done $0x0  }
0x75: {  	[sflag:s23] =	ssyncadd.s32 $0xFFFFB000  }
0x76: {  	[tilespmem:s22], [sflag:$0x1] =	stream.indirect.gather [hbm4b:s6+s28], $0x40, s10, s28, $0xb8;
	[tilespmem:$0x1E580] =	vst v63  }
0x77: {  	s21 =	simm.s32 $0xA300  }
0x78: {  	[tilespmem:s30], [sflag:$0x2] =	stream.indirect.gather [hbm4b:s6+s28], $0x40, s21, s28, $0xb8;
	[tilespmem:$0x1E580] =	vst v63  }
0x79: {  	s8 =	simm.s32 $0xA380  }
0x7a: {  	[tilespmem:s1], [sflag:$0x3] =	stream.indirect.gather [hbm4b:s6+s28], $0x40, s8, s28, $0xb8;
	[tilespmem:$0x1E580] =	vst v63  }
0x7b: {  	s9 =	simm.s32 $0xA400  }
0x7c: {  	[tilespmem:s26], [sflag:$0x4] =	stream.indirect.gather [hbm4b:s6+s28], $0x40, s9, s28, $0xb8;
	[tilespmem:$0x1E580] =	vst v63  }
0x7d: {  	s10 =	simm.s32 $0xA480  }
0x7e: {  	[tilespmem:s31], [sflag:$0x5] =	stream.indirect.gather [hbm4b:s6+s28], $0x40, s10, s28, $0xb8;
	[tilespmem:$0x1E580] =	vst v63  }
0x7f: {  	[bflag:$0x0] =	sbarrier.arrive $0xFFFF  }
0x80: {  	_ =	swait.ge [sflag:s24], $0x2000  }
0x81: {  	s11 =	sand.u32 $0x1, s20;
	[sflag:s24] =	ssyncset.done $0x0  }
0x82: {  	p1 =	sne.s32 s11, s4;
	s21 =	simm.s32 $0xF280;
	[sflag:s24] =	ssyncadd.s32 $0xFFFFE000  }
0x83: {  	[spmem:s2] =	stream.indirect.scatter.add.f32 [tilespmem:s22], [sflag:$0x6], $0x40, s21, s28, $0xb8;
	[tilespmem:$0x1E580] =	vst v63  }
0x84: {  	s8 =	simm.s32 @!p1 $0x80;
	s9 =	simm.s32 @!p1 $0x1E280  }
0x85: {  	[spmem:s3] =	stream.indirect.scatter.add.f32 @!p1 [tilespmem:s9], [sflag:$0xB], $0x1, s21, s8, $0xb8;
	[tilespmem:$0x1E580] =	vst v63  }
0x86: {  	s12 =	sxor.u32 $0xFFFFFFFF, s20;
	_ =	swait.ge [sflag:s29], $0x2000  }
0x87: {  	s21 =	sand.u32 $0x1, s12;
	[sflag:s29] =	ssyncset.done $0x0  }
0x88: {  	s10 =	simm.s32 $0xF300;
	p2 =	sne.s32 s21, s4;
	[sflag:s29] =	ssyncadd.s32 $0xFFFFE000  }
0x89: {  	[spmem:s2] =	stream.indirect.scatter.add.f32 [tilespmem:s30], [sflag:$0x7], $0x40, s10, s28, $0xb8;
	[tilespmem:$0x1E580] =	vst v63  }
0x8a: {  	s21 =	simm.s32 @!p2 $0x80;
	s11 =	simm.s32 @!p2 $0x1E280  }
0x8b: {  	[spmem:s3] =	stream.indirect.scatter.add.f32 @!p2 [tilespmem:s11], [sflag:$0xB], $0x1, s10, s21, $0xb8;
	[tilespmem:$0x1E580] =	vst v63  }
0x8c: {  	_ =	swait.ge [sflag:s0], $0x2000  }
0x8d: {  	[sflag:s0] =	ssyncset.done $0x0  }
0x8e: {  	s10 =	simm.s32 $0xF380;
	[sflag:s0] =	ssyncadd.s32 $0xFFFFE000  }
0x8f: {  	[spmem:s2] =	stream.indirect.scatter.add.f32 [tilespmem:s1], [sflag:$0x8], $0x40, s10, s28, $0xb8;
	[tilespmem:$0x1E580] =	vst v63  }
0x90: {  	_ = 	snop  }
0x91: {  	[spmem:s3] =	stream.indirect.scatter.add.f32 @!p1 [tilespmem:s9], [sflag:$0xB], $0x1, s10, s8, $0xb8;
	[tilespmem:$0x1E580] =	vst v63  }
0x92: {  	s7 =	simm.s32 $0xFFFFFFFF;
	_ =	swait.ge [sflag:s13], $0x2000  }
0x93: {  	s10 =	sand.u32 $0x1, s7;
	[sflag:s13] =	ssyncset.done $0x0  }
0x94: {  	s11 =	simm.s32 $0xF400;
	p2 =	sne.s32 s10, s4;
	[sflag:s13] =	ssyncadd.s32 $0xFFFFE000  }
0x95: {  	[spmem:s2] =	stream.indirect.scatter.add.f32 [tilespmem:s26], [sflag:$0x9], $0x40, s11, s28, $0xb8;
	[tilespmem:$0x1E580] =	vst v63  }
0x96: {  	s10 =	simm.s32 @!p2 $0x80;
	s21 =	simm.s32 @!p2 $0x1E280  }
0x97: {  	[spmem:s3] =	stream.indirect.scatter.add.f32 @!p2 [tilespmem:s21], [sflag:$0xB], $0x1, s11, s10, $0xb8;
	[tilespmem:$0x1E580] =	vst v63  }
0x98: {  	_ =	swait.ge [sflag:s14], $0x2000  }
0x99: {  	[sflag:s14] =	ssyncset.done $0x0  }
0x9a: {  	s10 =	simm.s32 $0xF480;
	[sflag:s14] =	ssyncadd.s32 $0xFFFFE000  }
0x9b: {  	[spmem:s2] =	stream.indirect.scatter.add.f32 [tilespmem:s31], [sflag:$0xA], $0x40, s10, s28, $0xb8;
	[tilespmem:$0x1E580] =	vst v63  }
0x9c: {  	_ = 	snop  }
0x9d: {  	[spmem:s3] =	stream.indirect.scatter.add.f32 @!p1 [tilespmem:s9], [sflag:$0xB], $0x1, s10, s8, $0xb8;
	[tilespmem:$0x1E580] =	vst v63  }
0x9e: {  	_ =	swait.ge [sflag:s15], $0x2000  }
0x9f: {  	[sflag:s15] =	ssyncset.done $0x0  }
0xa0: {  	s10 =	simm.s32 $0xA500;
	[sflag:s15] =	ssyncadd.s32 $0xFFFFE000  }
0xa1: {  	[tilespmem:s22], [sflag:$0x1] =	stream.indirect.gather [hbm4b:s6+s28], $0x40, s10, s28, $0xb8;
	[tilespmem:$0x1E580] =	vst v63  }
0xa2: {  	_ =	swait.ge [sflag:s16], $0x2000  }
0xa3: {  	[sflag:s16] =	ssyncset.done $0x0  }
0xa4: {  	s11 =	simm.s32 $0xA580;
	[sflag:s16] =	ssyncadd.s32 $0xFFFFE000  }
0xa5: {  	[tilespmem:s30], [sflag:$0x2] =	stream.indirect.gather [hbm4b:s6+s28], $0x40, s11, s28, $0xb8;
	[tilespmem:$0x1E580] =	vst v63  }
0xa6: {  	_ =	swait.ge [sflag:s17], $0x2000  }
0xa7: {  	[sflag:s17] =	ssyncset.done $0x0  }
0xa8: {  	s12 =	simm.s32 $0xA600;
	[sflag:s17] =	ssyncadd.s32 $0xFFFFE000  }
0xa9: {  	[tilespmem:s1], [sflag:$0x3] =	stream.indirect.gather [hbm4b:s6+s28], $0x40, s12, s28, $0xb8;
	[tilespmem:$0x1E580] =	vst v63  }
0xaa: {  	_ =	swait.ge [sflag:s25], $0x2000  }
0xab: {  	[sflag:s25] =	ssyncset.done $0x0  }
0xac: {  	s21 =	simm.s32 $0xA680;
	[sflag:s25] =	ssyncadd.s32 $0xFFFFE000  }
0xad: {  	[tilespmem:s26], [sflag:$0x4] =	stream.indirect.gather [hbm4b:s6+s28], $0x40, s21, s28, $0xb8;
	[tilespmem:$0x1E580] =	vst v63  }
0xae: {  	s8 =	simm.s32 $0xA00;
	s21 =	simm.s32 $0x0  }
.LBB2_4:
0xaf: {  	_ =	swait.ge [sflag:s18], $0x2000  }
0xb0: {  	s20 =	sadd.s32 $0x5, s20;
	s9 =	smov.u32 s8;
	s8 =	sadd.s32 $0xA00, s8  }
0xb1: {  	s10 =	sadd.s32 $0xA700, s21;
	p1 =	sne.s32 s8, $0x13600;
	[sflag:s18] =	ssyncset.done $0x0  }
0xb2: {  	s21 =	sshra.s32 s9, $0x2;
	[sflag:s18] =	ssyncadd.s32 $0xFFFFE000  }
0xb3: {  	[tilespmem:s31], [sflag:$0x5] =	stream.indirect.gather [hbm4b:s6+s28], $0x40, s10, s28, $0xb8;
	[tilespmem:$0x1E580] =	vst v63  }
0xb4: {  	s9 =	sadd.s32 $0xF280, s21;
	s10 =	sand.u32 $0x1, s20;
	_ =	swait.ge [sflag:s24], $0x2000  }
0xb5: {  	p2 =	sne.s32 s10, s4;
	[sflag:s24] =	ssyncset.done $0x0  }
0xb6: {  	[sflag:s24] =	ssyncadd.s32 $0xFFFFE000  }
0xb7: {  	[spmem:s2] =	stream.indirect.scatter.add.f32 [tilespmem:s22], [sflag:$0x6], $0x40, s9, s28, $0xb8;
	[tilespmem:$0x1E580] =	vst v63  }
0xb8: {  	s12 =	sxor.u32 $0xFFFFFFFF, s20;
	s10 =	simm.s32 @!p2 $0x80;
	s11 =	simm.s32 @!p2 $0x1E280  }
0xb9: {  	[spmem:s3] =	stream.indirect.scatter.add.f32 @!p2 [tilespmem:s11], [sflag:$0xB], $0x1, s9, s10, $0xb8;
	[tilespmem:$0x1E580] =	vst v63  }
0xba: {  	s12 =	sand.u32 $0x1, s12;
	s9 =	sadd.s32 $0xF300, s21;
	_ =	swait.ge [sflag:s29], $0x2000  }
0xbb: {  	p3 =	sne.s32 s12, s4;
	[sflag:s29] =	ssyncset.done $0x0  }
0xbc: {  	s12 =	simm.s32 @!p3 $0x80;
	s7 =	simm.s32 @!p3 $0x1E280;
	[sflag:s29] =	ssyncadd.s32 $0xFFFFE000  }
0xbd: {  	[spmem:s2] =	stream.indirect.scatter.add.f32 [tilespmem:s30], [sflag:$0x7], $0x40, s9, s28, $0xb8;
	[tilespmem:$0x1E580] =	vst v63  }
0xbe: {  	_ = 	snop  }
0xbf: {  	[spmem:s3] =	stream.indirect.scatter.add.f32 @!p3 [tilespmem:s7], [sflag:$0xB], $0x1, s9, s12, $0xb8;
	[tilespmem:$0x1E580] =	vst v63  }
0xc0: {  	_ =	swait.ge [sflag:s0], $0x2000  }
0xc1: {  	s7 =	sadd.s32 $0xF380, s21;
	[sflag:s0] =	ssyncset.done $0x0  }
0xc2: {  	[sflag:s0] =	ssyncadd.s32 $0xFFFFE000  }
0xc3: {  	[spmem:s2] =	stream.indirect.scatter.add.f32 [tilespmem:s1], [sflag:$0x8], $0x40, s7, s28, $0xb8;
	[tilespmem:$0x1E580] =	vst v63  }
0xc4: {  	_ = 	snop  }
0xc5: {  	[spmem:s3] =	stream.indirect.scatter.add.f32 @!p2 [tilespmem:s11], [sflag:$0xB], $0x1, s7, s10, $0xb8;
	[tilespmem:$0x1E580] =	vst v63  }
0xc6: {  	s7 =	sadd.s32 $0xFFFFFFFF, s20;
	_ =	swait.ge [sflag:s13], $0x2000  }
0xc7: {  	s9 =	sadd.s32 $0xF400, s21;
	s7 =	sand.u32 $0x1, s7;
	[sflag:s13] =	ssyncset.done $0x0  }
0xc8: {  	p3 =	sne.s32 s7, s4;
	[sflag:s13] =	ssyncadd.s32 $0xFFFFE000  }
0xc9: {  	s7 =	simm.s32 @!p3 $0x80;
	s12 =	simm.s32 @!p3 $0x1E280  }
0xca: {  	[spmem:s2] =	stream.indirect.scatter.add.f32 [tilespmem:s26], [sflag:$0x9], $0x40, s9, s28, $0xb8;
	[tilespmem:$0x1E580] =	vst v63  }
0xcb: {  	_ = 	snop  }
0xcc: {  	[spmem:s3] =	stream.indirect.scatter.add.f32 @!p3 [tilespmem:s12], [sflag:$0xB], $0x1, s9, s7, $0xb8;
	[tilespmem:$0x1E580] =	vst v63  }
0xcd: {  	_ =	swait.ge [sflag:s14], $0x2000  }
0xce: {  	s7 =	sadd.s32 $0xF480, s21;
	[sflag:s14] =	ssyncset.done $0x0  }
0xcf: {  	[sflag:s14] =	ssyncadd.s32 $0xFFFFE000  }
0xd0: {  	[spmem:s2] =	stream.indirect.scatter.add.f32 [tilespmem:s31], [sflag:$0xA], $0x40, s7, s28, $0xb8;
	[tilespmem:$0x1E580] =	vst v63  }
0xd1: {  	_ = 	snop  }
0xd2: {  	[spmem:s3] =	stream.indirect.scatter.add.f32 @!p2 [tilespmem:s11], [sflag:$0xB], $0x1, s7, s10, $0xb8;
	[tilespmem:$0x1E580] =	vst v63  }
0xd3: {  	_ =	swait.ge [sflag:s15], $0x2000  }
0xd4: {  	s7 =	sadd.s32 $0xA500, s21;
	[sflag:s15] =	ssyncset.done $0x0  }
0xd5: {  	[sflag:s15] =	ssyncadd.s32 $0xFFFFE000  }
0xd6: {  	[tilespmem:s22], [sflag:$0x1] =	stream.indirect.gather [hbm4b:s6+s28], $0x40, s7, s28, $0xb8;
	[tilespmem:$0x1E580] =	vst v63  }
0xd7: {  	_ =	swait.ge [sflag:s16], $0x2000  }
0xd8: {  	s7 =	sadd.s32 $0xA580, s21;
	[sflag:s16] =	ssyncset.done $0x0  }
0xd9: {  	[sflag:s16] =	ssyncadd.s32 $0xFFFFE000  }
0xda: {  	[tilespmem:s30], [sflag:$0x2] =	stream.indirect.gather [hbm4b:s6+s28], $0x40, s7, s28, $0xb8;
	[tilespmem:$0x1E580] =	vst v63  }
0xdb: {  	_ =	swait.ge [sflag:s17], $0x2000  }
0xdc: {  	s7 =	sadd.s32 $0xA600, s21;
	[sflag:s17] =	ssyncset.done $0x0  }
0xdd: {  	[sflag:s17] =	ssyncadd.s32 $0xFFFFE000  }
0xde: {  	[tilespmem:s1], [sflag:$0x3] =	stream.indirect.gather [hbm4b:s6+s28], $0x40, s7, s28, $0xb8;
	[tilespmem:$0x1E580] =	vst v63  }
.Ltmp1:
0xdf: {  	_ = 	snop;
	(pc) =	sbr.rel @p1 .LBB2_4-.Ltmp1, $4  }
0xe0: {  	_ =	swait.ge [sflag:s25], $0x2000  }
0xe1: {  	s7 =	sadd.s32 $0xA680, s21;
	[sflag:s25] =	ssyncset.done $0x0  }
0xe2: {  	[sflag:s25] =	ssyncadd.s32 $0xFFFFE000  }
0xe3: {  	[tilespmem:s26], [sflag:$0x4] =	stream.indirect.gather [hbm4b:s6+s28], $0x40, s7, s28, $0xb8;
	[tilespmem:$0x1E580] =	vst v63  }
0xe4: {  	_ =	swait.ge [sflag:s18], $0x2000  }
0xe5: {  	[sflag:s18] =	ssyncset.done $0x0  }
0xe6: {  	s7 =	sadd.s32 $0xA700, s21;
	[sflag:s18] =	ssyncadd.s32 $0xFFFFE000  }
0xe7: {  	[tilespmem:s31], [sflag:$0x5] =	stream.indirect.gather [hbm4b:s6+s28], $0x40, s7, s28, $0xb8;
	[tilespmem:$0x1E580] =	vst v63  }
0xe8: {  	_ =	swait.ge [sflag:s24], $0x2000  }
0xe9: {  	[sflag:s24] =	ssyncset.done $0x0  }
0xea: {  	s21 =	simm.s32 $0x14000;
	s7 =	simm.s32 @p0 $0x2;
	[sflag:s24] =	ssyncadd.s32 $0xFFFFE000  }
0xeb: {  	[spmem:s2] =	stream.indirect.scatter.add.f32 [tilespmem:s22], [sflag:$0x6], $0x40, s21, s28, $0xb8;
	[tilespmem:$0x1E580] =	vst v63  }
0xec: {  	_ =	swait.ge @p0 [sflag:s7], $0x2000  }
0xed: {  	s8 =	simm.s32 @p0 $0x14080;
	[sflag:s7] =	ssyncset.done @p0 $0x0  }
0xee: {  	s9 =	simm.s32 @p0 $0x16280;
	[sflag:s7] =	ssyncadd.s32 @p0 $0xFFFFE000;
	s7 =	simm.s32 @p0 $0x80  }
0xef: {  	[spmem:s2] =	stream.indirect.scatter.add.f32 @p0 [tilespmem:s9], [sflag:$0x7], $0x40, s8, s7, $0xb8;
	[tilespmem:$0x1E580] =	vst v63  }
0xf0: {  	s9 =	simm.s32 @p0 $0x1E280  }
0xf1: {  	[spmem:s3] =	stream.indirect.scatter.add.f32 @p0 [tilespmem:s9], [sflag:$0xB], $0x1, s8, s7, $0xb8;
	[tilespmem:$0x1E580] =	vst v63  }
0xf2: {  	s8 =	simm.s32 @p0 $0x3  }
0xf3: {  	_ =	swait.ge @p0 [sflag:s8], $0x2000  }
0xf4: {  	[sflag:s8] =	ssyncset.done @p0 $0x0  }
0xf5: {  	s10 =	simm.s32 @p0 $0x18280;
	[sflag:s8] =	ssyncadd.s32 @p0 $0xFFFFE000;
	s8 =	simm.s32 @p0 $0x14100  }
0xf6: {  	[spmem:s2] =	stream.indirect.scatter.add.f32 @p0 [tilespmem:s10], [sflag:$0x8], $0x40, s8, s7, $0xb8;
	[tilespmem:$0x1E580] =	vst v63  }
0xf7: {  	s8 =	simm.s32 @p0 $0x4  }
0xf8: {  	_ =	swait.ge @p0 [sflag:s8], $0x2000  }
0xf9: {  	[sflag:s8] =	ssyncset.done @p0 $0x0  }
0xfa: {  	s10 =	simm.s32 @p0 $0x1A280;
	[sflag:s8] =	ssyncadd.s32 @p0 $0xFFFFE000;
	s8 =	simm.s32 @p0 $0x14180  }
0xfb: {  	[spmem:s2] =	stream.indirect.scatter.add.f32 @p0 [tilespmem:s10], [sflag:$0x9], $0x40, s8, s7, $0xb8;
	[tilespmem:$0x1E580] =	vst v63  }
0xfc: {  	_ = 	snop  }
0xfd: {  	[spmem:s3] =	stream.indirect.scatter.add.f32 @p0 [tilespmem:s9], [sflag:$0xB], $0x1, s8, s7, $0xb8;
	[tilespmem:$0x1E580] =	vst v63  }
0xfe: {  	s8 =	simm.s32 @p0 $0x5  }
0xff: {  	_ =	swait.ge @p0 [sflag:s8], $0x2000  }
0x100: {  	[sflag:s8] =	ssyncset.done @p0 $0x0  }
0x101: {  	s9 =	simm.s32 @p0 $0x1C280;
	[sflag:s8] =	ssyncadd.s32 @p0 $0xFFFFE000;
	s8 =	simm.s32 @p0 $0x14200  }
0x102: {  	[spmem:s2] =	stream.indirect.scatter.add.f32 @p0 [tilespmem:s9], [sflag:$0xA], $0x40, s8, s7, $0xb8;
	[tilespmem:$0x1E580] =	vst v63  }
0x103: {  	s7 =	simm.s32 @!p0 $0x80;
	s8 =	simm.s32 @!p0 $0x14000;
	s9 =	simm.s32 @!p0 $0x1E280  }
0x104: {  	[spmem:s3] =	stream.indirect.scatter.add.f32 @!p0 [tilespmem:s9], [sflag:$0xB], $0x1, s8, s7, $0xb8;
	[tilespmem:$0x1E580] =	vst v63  }
0x105: {  	s8 =	simm.s32 @!p0 $0x2  }
0x106: {  	_ =	swait.ge @!p0 [sflag:s8], $0x2000  }
0x107: {  	[sflag:s8] =	ssyncset.done @!p0 $0x0  }
0x108: {  	s10 =	simm.s32 @!p0 $0x16280;
	[sflag:s8] =	ssyncadd.s32 @!p0 $0xFFFFE000;
	s8 =	simm.s32 @!p0 $0x14080  }
0x109: {  	[spmem:s2] =	stream.indirect.scatter.add.f32 @!p0 [tilespmem:s10], [sflag:$0x7], $0x40, s8, s7, $0xb8;
	[tilespmem:$0x1E580] =	vst v63  }
0x10a: {  	s8 =	simm.s32 @!p0 $0x3  }
0x10b: {  	_ =	swait.ge @!p0 [sflag:s8], $0x2000  }
0x10c: {  	[sflag:s8] =	ssyncset.done @!p0 $0x0  }
0x10d: {  	s10 =	simm.s32 @!p0 $0x18280;
	[sflag:s8] =	ssyncadd.s32 @!p0 $0xFFFFE000;
	s8 =	simm.s32 @!p0 $0x14100  }
0x10e: {  	[spmem:s2] =	stream.indirect.scatter.add.f32 @!p0 [tilespmem:s10], [sflag:$0x8], $0x40, s8, s7, $0xb8;
	[tilespmem:$0x1E580] =	vst v63  }
0x10f: {  	_ = 	snop  }
0x110: {  	[spmem:s3] =	stream.indirect.scatter.add.f32 @!p0 [tilespmem:s9], [sflag:$0xB], $0x1, s8, s7, $0xb8;
	[tilespmem:$0x1E580] =	vst v63  }
0x111: {  	s8 =	simm.s32 @!p0 $0x4  }
0x112: {  	_ =	swait.ge @!p0 [sflag:s8], $0x2000  }
0x113: {  	[sflag:s8] =	ssyncset.done @!p0 $0x0  }
0x114: {  	s10 =	simm.s32 @!p0 $0x1A280;
	[sflag:s8] =	ssyncadd.s32 @!p0 $0xFFFFE000;
	s8 =	simm.s32 @!p0 $0x14180  }
0x115: {  	[spmem:s2] =	stream.indirect.scatter.add.f32 @!p0 [tilespmem:s10], [sflag:$0x9], $0x40, s8, s7, $0xb8;
	[tilespmem:$0x1E580] =	vst v63  }
0x116: {  	s8 =	simm.s32 @!p0 $0x5  }
0x117: {  	_ =	swait.ge @!p0 [sflag:s8], $0x2000  }
0x118: {  	[sflag:s8] =	ssyncset.done @!p0 $0x0  }
0x119: {  	s10 =	simm.s32 @!p0 $0x1C280;
	[sflag:s8] =	ssyncadd.s32 @!p0 $0xFFFFE000;
	s8 =	simm.s32 @!p0 $0x14200  }
0x11a: {  	[spmem:s2] =	stream.indirect.scatter.add.f32 @!p0 [tilespmem:s10], [sflag:$0xA], $0x40, s8, s7, $0xb8;
	[tilespmem:$0x1E580] =	vst v63  }
0x11b: {  	_ = 	snop  }
0x11c: {  	[spmem:s3] =	stream.indirect.scatter.add.f32 @!p0 [tilespmem:s9], [sflag:$0xB], $0x1, s8, s7, $0xb8;
	[tilespmem:$0x1E580] =	vst v63  }
0x11d: {  	_ =	swait.ge [sflag:s15], $0x2000  }
0x11e: {  	[sflag:s15] =	ssyncset.done $0x0  }
0x11f: {  	[sflag:s15] =	ssyncadd.s32 $0xFFFFE000  }
0x120: {  	_ =	swait.ge [sflag:s16], $0x2000  }
0x121: {  	[sflag:s16] =	ssyncset.done $0x0  }
0x122: {  	[sflag:s16] =	ssyncadd.s32 $0xFFFFE000  }
0x123: {  	_ =	swait.ge [sflag:s17], $0x2000  }
0x124: {  	[sflag:s17] =	ssyncset.done $0x0  }
0x125: {  	[sflag:s17] =	ssyncadd.s32 $0xFFFFE000  }
0x126: {  	_ =	swait.ge [sflag:s25], $0x2000  }
0x127: {  	[sflag:s25] =	ssyncset.done $0x0  }
0x128: {  	[sflag:s25] =	ssyncadd.s32 $0xFFFFE000  }
0x129: {  	_ =	swait.ge [sflag:s18], $0x2000  }
0x12a: {  	[sflag:s18] =	ssyncset.done $0x0  }
0x12b: {  	[sflag:s18] =	ssyncadd.s32 $0xFFFFE000  }
0x12c: {  	_ =	swait.ge [sflag:s19], $0x80  }
0x12d: {  	s8 =	simm.s32 $0x4F;
	[sflag:s19] =	ssyncset.done $0x0  }
.LBB2_6:
0x12e: {  	p1 =	sne.s32 s8, $0x1;
	s8 =	sadd.s32 $0xFFFFFFFF, s8;
	[sflag:s19] =	ssyncadd.s32 $0xFFFFFF80  }
.Ltmp2:
0x12f: {  	(pc) =	sbr.rel @p1 .LBB2_6-.Ltmp2, $3  }
0x130: {  	_ =	sdelay $0x1  }
0x131: {  	_ =	swait.ge [sflag:s19], $0x80  }
0x132: {  	[sflag:s19] =	ssyncset.done $0x0  }
0x133: {  	[sflag:s19] =	ssyncadd.s32 $0xFFFFFF80  }
0x134: {  	s7 =	stileid.u32;
	[bflag:$0x0] =	sbarrier.arrive $0xFFFF  }
0x135: {  	s7 =	sshll.u32 s7, $0x6;
	s9 =	rddreg [dreg:$0x5]  }
0x136: {  	s7 =	sor.u32 $0x1C0C, s7;
	s10 =	rddreg [dreg:$0xd];
	s8 =	sshrl.u32 s9, $0x3  }
0x137: {  	[hbm:s10], [sflag:s7] =	dma.local [spmem:s8], $0x400  }
0x138: {  	_ =	swait.ge [sflag:s23], $0x400  }
0x139: {  	[sflag:s23] =	ssyncset.done $0x0;
	s10 =	rddreg [dreg:$0x6]  }
0x13a: {  	s11 =	rddreg [dreg:$0xe];
	[sflag:s23] =	ssyncadd.s32 $0xFFFFFC00;
	s12 =	sshrl.u32 s10, $0x3  }
0x13b: {  	[hbm:s11], [sflag:s7] =	dma.local [spmem:s12], $0x400  }
0x13c: {  	_ =	swait.ge [sflag:s23], $0x400  }
0x13d: {  	[sflag:s23] =	ssyncset.done $0x0;
	s11 =	rddreg [dreg:$0x7]  }
0x13e: {  	s12 =	rddreg [dreg:$0xf];
	[sflag:s23] =	ssyncadd.s32 $0xFFFFFC00;
	s20 =	sshrl.u32 s11, $0x3  }
0x13f: {  	[hbm:s12], [sflag:s7] =	dma.local [spmem:s20], $0x400  }
0x140: {  	_ =	swait.ge [sflag:s23], $0x400  }
0x141: {  	[sflag:s23] =	ssyncset.done $0x0;
	s12 =	rddreg [dreg:$0x8]  }
0x142: {  	s20 =	rddreg [dreg:$0x10];
	[sflag:s23] =	ssyncadd.s32 $0xFFFFFC00;
	s21 =	sshrl.u32 s12, $0x3  }
0x143: {  	[hbm:s20], [sflag:s7] =	dma.local [spmem:s21], $0x400  }
0x144: {  	_ =	swait.ge [sflag:s23], $0x400  }
0x145: {  	[sflag:s23] =	ssyncset.done $0x0;
	s20 =	rddreg [dreg:$0x9]  }
0x146: {  	s21 =	rddreg [dreg:$0x11];
	[sflag:s23] =	ssyncadd.s32 $0xFFFFFC00;
	s8 =	sshrl.u32 s20, $0x3  }
0x147: {  	[hbm:s21], [sflag:s7] =	dma.local [spmem:s8], $0x400  }
0x148: {  	_ =	swait.ge [sflag:s23], $0x400  }
0x149: {  	[sflag:s23] =	ssyncset.done $0x0;
	s20 =	rddreg [dreg:$0xa]  }
0x14a: {  	s21 =	rddreg [dreg:$0x12];
	[sflag:s23] =	ssyncadd.s32 $0xFFFFFC00;
	s8 =	sshrl.u32 s20, $0x3  }
0x14b: {  	[hbm:s21], [sflag:s7] =	dma.local [spmem:s8], $0x50  }
0x14c: {  	_ =	swait.ge [sflag:s23], $0x50  }
0x14d: {  	s5 =	sadd.s32 $0x1, s5;
	s21 =	rddreg [dreg:$0x13]  }
0x14e: {  	p1 =	sne.s32 s5, s21  }
.Ltmp3:
0x14f: {  	_ = 	snop;
	(pc) =	sbr.rel @p1 .LBB2_1-.Ltmp3, $3  }
0x150: {  	_ =	sdelay $0x1  }
0x151: {  	[sflag:s23] =	ssyncset.done $0x0  }
0x152: {  	[sflag:s23] =	ssyncadd.s32 $0xFFFFFFB0  }
0x153: {  	_ =	sfence.sel $0x180000  }
0x154: {  	[bflag:$0x0] =	sbarrier.arrive $0xFFFF  }
0x155: {  	_ =	strace $0x90000047  }
0x156: {  	s0 =	stileid.u32;
	[bflag:$0x2] =	sbarrier.arrive $0xFFFF  }
0x157: {  	p0 =	sne.s32 s0, $0x0;
	s0 =	rddreg [dreg:$0x4]  }
0x158: {  	s0 =	sadd.s32 @!p0 $0x100000, s0  }
0x159: {  	[sflag:s0] =	ssyncadd.tile.s32 @!p0 $0x1;
	_ =	shalt  }
.Lfunc_end2:
_tile_overlayer_lowered:
.L_overlay_start_2:
0x15a: {  	(tag) =	ssettag $0x2  }
0x15b: {  	s0 =	rddreg [dreg:$0x0];
	s2 =	stileid.u32  }
0x15c: {  	s1 =	rddreg [dreg:$0x1];
	p0 =	sne.s32 s2, $0x0  }
0x15d: {  	s3 =	rddreg [dreg:$0x2];
	[bflag:$0x3] =	sbarrier.arrive $0xFFFF;
	s2 =	simm.s32 @!p0 $0x1C0C  }
0x15e: {  	[timem:s3], [sflag:s2] =	dma.local @!p0 [hbm:s0], s1  }
0x15f: {  	s0 =	simm.s32 @!p0 $0xC  }
0x160: {  	_ =	swait.ge @!p0 [sflag:s0], s1  }
0x161: {  	s1 =	ssub.s32 @!p0 $0x0, s1;
	[sflag:s0] =	ssyncset.done @!p0 $0x0  }
0x162: {  	[sflag:s0] =	ssyncadd.s32 @!p0 s1  }
0x163: {  	[bflag:$0x3] =	sbarrier.arrive $0xFFFF  }
0x164: {  	_ =	shalt  }

// kernel: kernel.9.cloned.1.call-start
scs
__scs_entry_jumppad:
0x0: {  	(pc) =	sbr.rel $0x88, $3  }
0x1: {  	(tag) =	ssettag $0x0;
	lr =	simm.s32 $0x1  }
0x2: {  	[smem:$0x3F99] =	sst lr;
	_ =	strace $0xD0000000  }
0x3: {  	_ = 	snop  }
0x4: {  	_ = 	snop  }
0x5: {  	_ = 	snop  }
0x6: {  	_ = 	snop  }
0x7: {  	_ = 	snop  }
__scs_overlays_trampoline_lowered:
0x8: {  	[smem:$0x3FA8] =	sst s0  }
0x9: {  	[smem:$0x3FA9] =	sst s1  }
0xa: {  	[smem:$0x3FAA] =	sst s2  }
0xb: {  	[smem:$0x3FAB] =	sst s3  }
0xc: {  	[smem:$0x3FAC] =	sst s4  }
0xd: {  	[smem:$0x3FAD] =	sst s5  }
0xe: {  	[smem:$0x3FAE] =	sst s6  }
0xf: {  	[smem:$0x3FAF] =	sst s7  }
0x10: {  	[smem:$0x3FB0] =	sst s8  }
0x11: {  	[smem:$0x3FB1] =	sst s9;
	s0 =	simm.s32 @!p0 $0x0  }
0x12: {  	s1 =	sld [smem:$0x3F97];
	s0 =	simm.s32 @p0 $0x1  }
0x13: {  	[smem:$0x3FB2] =	sst s0;
	s0 =	simm.s32 @!p1 $0x0  }
0x14: {  	s2 =	sld [smem:$0x3F96];
	s0 =	simm.s32 @p1 $0x1  }
0x15: {  	[smem:$0x3FB3] =	sst s0;
	s0 =	simm.s32 @!p2 $0x0  }
0x16: {  	s3 =	sld [smem:$0x3FDB];
	s0 =	simm.s32 @p2 $0x1  }
0x17: {  	s4 =	simm.s32 $0x1BF5;
	[smem:$0x3FB5] =	sst s0  }
0x18: {  	s0 =	sld [smem:$0x3F98];
	_ =	swait.ge [sflag:s4], $0x0  }
0x19: {  	s7 =	sld [smem:$0x3F99]  }
0x1a: {  	s8 =	sadd.s32 $0xFFFFE003, lr  }
0x1b: {  	s9 =	sadd.s32 $0xFFFFFEF7, lr;
	s5 =	simm.s32 $0xFFFFFFFF;
	p2 =	slt.u32 s8, $0xFFFFF086  }
0x1c: {  	p1 =	slt.u32 s9, $0xF7A;
	s5 =	simm.s32 @!p2 $0x0  }
0x1d: {  	s5 =	simm.s32 @p1 $0x1;
	p0 =	seq.s32 s7, s2  }
0x1e: {  	s7 =	smul.u32 @!p0 $0xF7A, s2;
	p2 =	seq.s32 @!p0 s5, $0x0  }
0x1f: {  	s9 =	smul.u32 $0xF7A, s1;
	s8 =	simm.s32 @!p0 $0x1BF5;
	p2 =	por !p2, p0  }
0x20: {  	[sflag:s8] =	ssyncset.s32 @!p0 $0xFFFFF086;
	s6 =	sadd.s32 @!p0 s3, s7;
	s7 =	simm.s32 @!p0 $0x108  }
0x21: {  	s3 =	sadd.s32 s3, s9;
	s6 =	sadd.s32 @!p0 $0x88, s6;
	s7 =	simm.s32 @p2 $0x1082  }
0x22: {  	[simem:s7], [sflag:s8] =	dma.local @!p0 [hbm:s6], $0xF7A  }
0x23: {  	s9 =	sor.u32 $0xD0000000, s2;
	s6 =	simm.s32 $0x108;
	_ =	swait.ge @!p0 [sflag:s8], $0x0  }
0x24: {  	s3 =	sadd.s32 $0x88, s3;
	s6 =	simm.s32 @!p1 $0x1082;
	[sflag:s4] =	ssyncset.s32 $0xFFFFF086  }
0x25: {  	[simem:s6], [sflag:s4] =	dma.local [hbm:s3], $0xF7A  }
0x26: {  	[smem:$0x3F99] =	sst s1;
	(tag) =	ssettag s2;
	_ =	strace s9  }
0x27: {  	s1 =	sld [smem:$0x3FA9]  }
0x28: {  	s2 =	sld [smem:$0x3FAA]  }
0x29: {  	s4 =	sld [smem:$0x3FAC]  }
0x2a: {  	p0 =	seq.s32 s5, $0x0;
	s5 =	sld [smem:$0x3FAD]  }
0x2b: {  	s6 =	sld [smem:$0x3FAE]  }
0x2c: {  	s7 =	sld [smem:$0x3FAF]  }
0x2d: {  	s3 =	simm.s32 $0x108;
	s8 =	sld [smem:$0x3FB0]  }
0x2e: {  	s3 =	simm.s32 @!p0 $0x1082;
	s9 =	sld [smem:$0x3FB1]  }
0x2f: {  	lr =	sadd.s32 s0, s3;
	s0 =	sld [smem:$0x3FA8]  }
0x30: {  	s3 =	sld [smem:$0x3FAB]  }
0x31: {  	[smem:$0x3FB4] =	sst s10  }
0x32: {  	s10 =	sld [smem:$0x3FB2];
	_ =	sdelay $0x3  }
0x33: {  	p0 =	seq.s32 s10, $0x1;
	s10 =	sld [smem:$0x3FB4];
	_ =	sdelay $0x3  }
0x34: {  	[smem:$0x3FB4] =	sst s10  }
0x35: {  	s10 =	sld [smem:$0x3FB3];
	_ =	sdelay $0x3  }
0x36: {  	p1 =	seq.s32 s10, $0x1;
	s10 =	sld [smem:$0x3FB4];
	_ =	sdelay $0x3  }
0x37: {  	[smem:$0x3FB4] =	sst s10  }
0x38: {  	s10 =	sld [smem:$0x3FB5]  }
0x39: {  	_ = 	snop;
	(pc) =	sbr.ind lr, $3  }
0x3a: {  	_ = 	snop  }
0x3b: {  	_ = 	snop  }
0x3c: {  	p2 =	seq.s32 s10, $0x1;
	s10 =	sld [smem:$0x3FB4]  }
0x3d: {  	_ =	shalt  }
0x3e: {  	_ =	shalt  }
0x3f: {  	_ =	shalt  }
0x40: {  	_ =	shalt  }
0x41: {  	_ =	shalt  }
0x42: {  	_ =	shalt  }
0x43: {  	_ =	shalt  }
0x44: {  	_ =	shalt  }
0x45: {  	_ =	shalt  }
0x46: {  	_ =	shalt  }
0x47: {  	_ =	shalt  }
0x48: {  	_ =	shalt  }
0x49: {  	_ =	shalt  }
0x4a: {  	_ =	shalt  }
0x4b: {  	_ =	shalt  }
0x4c: {  	_ =	shalt  }
0x4d: {  	_ =	shalt  }
0x4e: {  	_ =	shalt  }
0x4f: {  	_ =	shalt  }
0x50: {  	_ =	shalt  }
0x51: {  	_ =	shalt  }
0x52: {  	_ =	shalt  }
0x53: {  	_ =	shalt  }
0x54: {  	_ =	shalt  }
0x55: {  	_ =	shalt  }
0x56: {  	_ =	shalt  }
0x57: {  	_ =	shalt  }
0x58: {  	_ =	shalt  }
0x59: {  	_ =	shalt  }
0x5a: {  	_ =	shalt  }
0x5b: {  	_ =	shalt  }
0x5c: {  	_ =	shalt  }
0x5d: {  	_ =	shalt  }
0x5e: {  	_ =	shalt  }
0x5f: {  	_ =	shalt  }
0x60: {  	_ =	shalt  }
0x61: {  	_ =	shalt  }
0x62: {  	_ =	shalt  }
0x63: {  	_ =	shalt  }
0x64: {  	_ =	shalt  }
0x65: {  	_ =	shalt  }
0x66: {  	_ =	shalt  }
0x67: {  	_ =	shalt  }
0x68: {  	_ =	shalt  }
0x69: {  	_ =	shalt  }
0x6a: {  	_ =	shalt  }
0x6b: {  	_ =	shalt  }
0x6c: {  	_ =	shalt  }
0x6d: {  	_ =	shalt  }
0x6e: {  	_ =	shalt  }
0x6f: {  	_ =	shalt  }
0x70: {  	_ =	shalt  }
0x71: {  	_ =	shalt  }
0x72: {  	_ =	shalt  }
0x73: {  	_ =	shalt  }
0x74: {  	_ =	shalt  }
0x75: {  	_ =	shalt  }
0x76: {  	_ =	shalt  }
0x77: {  	_ =	shalt  }
0x78: {  	_ =	shalt  }
0x79: {  	_ =	shalt  }
0x7a: {  	_ =	shalt  }
0x7b: {  	_ =	shalt  }
0x7c: {  	_ =	shalt  }
0x7d: {  	_ =	shalt  }
0x7e: {  	_ =	shalt  }
0x7f: {  	_ =	shalt  }
0x80: {  	_ =	shalt  }
0x81: {  	_ =	shalt  }
0x82: {  	_ =	shalt  }
0x83: {  	_ =	shalt  }
0x84: {  	_ =	shalt  }
0x85: {  	_ =	shalt  }
0x86: {  	_ =	shalt  }
0x87: {  	_ =	shalt  }
.Lfunc_end0:
.L_simem_size_0:
called_computation.1_lowered:
.L_overlay_start_0:
0x88: {  	s2 =	sld [smem:$0x3FD9]  }
0x89: {  	s3 =	sld [smem:$0x3FFE];
	_ =	sdelay $0x1  }
0x8a: {  	s1 =	srdreg.scid  }
0x8b: {  	s0 =	sand.u32 $0x1, s1  }
0x8c: {  	s17 =	sshll.u32 s0, $0xA;
	s2 =	sadd.s32 s3, s2  }
0x8d: {  	s2 =	sadd.s32 s2, s17  }
0x8e: {  	[smem:$0x3FC0] =	sst s2  }
0x8f: {  	_ = 	snop  }
0x90: {  	s2 =	sld [smem:$0x3FD0];
	(tm) =	ssettm $0x1  }
0x91: {  	s18 =	sld [smem:$0x3FFB];
	_ =	sdelay $0x3  }
0x92: {  	_ =	strace s18  }
0x93: {  	s3 =	sld [smem:$0x3FFC];
	_ =	sdelay $0x3  }
0x94: {  	_ =	strace s3  }
0x95: {  	s3 =	sld [smem:$0x3FFD];
	_ =	sdelay $0x3  }
0x96: {  	_ =	strace s3  }
0x97: {  	_ =	strace $0x8FFFFFFF  }
0x98: {  	s19 =	sld [smem:$0x3FDB];
	_ =	sdelay $0x1  }
0x99: {  	s4 =	simm.s32 $_scs_section_size  }
0x9a: {  	s5 =	simm.s32 $_size__tile_overlayer_lowered;
	s6 =	simm.s32 $_tile_overlayer_lowered  }
0x9b: {  	s22 =	simm.s32 $0x1BFF;
	s21 =	sshll.u32 s6, $0x1;
	s3 =	sadd.s32 s4, s19  }
0x9c: {  	s7 =	simm.s32 $0x0;
	s20 =	sshll.u32 s5, $0x1;
	s5 =	sadd.s32 s21, s3  }
0x9d: {  	[timem:s7], [sflag:s22] =	dma.local [hbm:s5], s20  }
0x9e: {  	_ =	swait.ge [sflag:s22], s20  }
0x9f: {  	s4 =	ssub.s32 $0x0, s20;
	[sflag:s22] =	ssyncset.done $0x0  }
0xa0: {  	[sflag:s22] =	ssyncadd.s32 s4;
	_ =	sdelay $0x1  }
0xa1: {  	s23 =	simm.s32 $0x1B8B  }
0xa2: {  	_ =	swait.ge [sflag:s23], $0x1  }
0xa3: {  	[sflag:s23] =	ssyncset.done $0x0  }
0xa4: {  	s25 =	simm.s32 $0x1B8E;
	s24 =	sld [smem:$0x3FFE];
	[sflag:s23] =	ssyncadd.s32 $0xFFFFFFFF  }
0xa5: {  	s26 =	simm.s32 $execute0_lowered;
	[smem:$0x3FD2] =	sst s25  }
0xa6: {  	s5 =	sshll.u32 s26, $0x1;
	_ =	strace $0x80000049;
	[dreg:$0x1] =	wrdreg $0xFFFFFFFF  }
0xa7: {  	s28 =	simm.s32 $_size_execute0_lowered;
	s3 =	sadd.s32 s3, s5;
	[dreg:$0x0] =	wrdreg $0x0  }
0xa8: {  	s5 =	sshll.u32 s28, $0x1;
	[dreg:$0x2] =	wrdreg s3  }
0xa9: {  	[dreg:$0x3] =	wrdreg s5  }
0xaa: {  	[dreg:$0x4] =	wrdreg $0xC0  }
0xab: {  	_ =	task [dreg:s7], $0x5FFFF  }
0xac: {  	[dreg:$0x1] =	wrdreg $0xFFFFFFFF  }
0xad: {  	[dreg:$0x0] =	wrdreg $0x60  }
0xae: {  	[dreg:$0x2] =	wrdreg s24  }
0xaf: {  	[dreg:$0x3] =	wrdreg s2  }
0xb0: {  	[dreg:$0x4] =	wrdreg $0x0  }
0xb1: {  	[dreg:$0x5] =	wrdreg $0x9  }
0xb2: {  	_ =	task.clear_ibuf [dreg:s7], $0x6FFFF;
	_ =	strace $0x90000049  }
0xb3: {  	s29 =	simm.s32 $0x9;
	_ =	strace $0x8000004B  }
0xb4: {  	_ =	swait.ge [sflag:s29], $0x1  }
0xb5: {  	[sflag:s29] =	ssyncadd.s32 $0xFFFFFFFF  }
0xb6: {  	_ =	strace $0x9000004B  }
0xb7: {  	_ =	sfence  }
0xb8: {  	s30 =	sld [smem:$0x0];
	_ =	sdelay $0x2  }
0xb9: {  	s31 =	sshll.u32 s1, $0xD;
	s1 =	sshrl.u32 s1, $0x2  }
0xba: {  	s3 =	sand.u32 $0x4000, s31;
	s1 =	sadd.s32 s1, s30  }
0xbb: {  	s0 =	sor.u32 s3, s0;
	s1 =	sshll.u32 s1, $0x11  }
0xbc: {  	s0 =	sor.u32 s1, s0  }
0xbd: {  	s0 =	sadd.s32 $0x8F2B, s0  }
0xbe: {  	[sflag:s0] =	ssyncadd.remote.s32 $0x1  }
0xbf: {  	_ =	sfence.sel $0xFFFF  }
0xc0: {  	[dreg:$0x0] =	wrdreg $0xFFFFFFFF;
	(pc) =	sbr.abs _section_cstart, $3  }
0xc1: {  	[dreg:$0x1] =	wrdreg $0xFFFFFFFF  }
0xc2: {  	_ =	task.clear_ibuf [dreg:s7], $0x2FFFF;
	_ =	strace $0x9FFFFFFF  }
0xc3: {  	(tm) =	ssettm $0x7FFFFFFF  }
tec
execute0_lowered:
.L_overlay_start_1:
0x0: {  	(tag) =	ssettag $0x1  }
0x1: {  	s0 =	rddreg [dreg:$0x0]  }
0x2: {  	s1 =	rddreg [dreg:$0x1];
	s7 =	stileid.u32  }
0x3: {  	s3 =	srdreg.scid;
	s2 =	rddreg [dreg:$0x2];
	s18 =	simm.s32 $0x14000  }
0x4: {  	s19 =	simm.s32 $0xB;
	s29 =	simm.s32 $0x1A000;
	s4 =	smul.u32 $0x280, s7  }
0x5: {  	s31 =	simm.s32 $0x1C000;
	s28 =	simm.s32 $0x6;
	s10 =	smul.u32 $0xA00, s7  }
0x6: {  	s6 =	sand.u32 $0x1, s3;
	s3 =	simm.s32 $0x0;
	s7 =	smul.u32 $0x28000, s7  }
0x7: {  	s30 =	simm.s32 $0x7;
	s5 =	smul.u32 $0x2800, s6;
	[smem:$0x7FF] =	sst s3  }
0x8: {  	s8 =	ssub.s32 $0x2, s6;
	s12 =	smul.u32 $0xA000, s6;
	_ =	strace $0x8000004A  }
0x9: {  	s11 =	sadd.s32 s10, s0;
	s20 =	sshrl.u32 s7, $0x2;
	s21 =	sshrl.u32 s8, $0x1  }
0xa: {  	s5 =	sadd.s32 s4, s5;
	s4 =	sadd.s32 $0x2600, s0;
	s13 =	ssub.s32 s8, s21  }
0xb: {  	s10 =	sadd.s32 s10, s12;
	s22 =	sadd.s32 $0x2A600, s11;
	s21 =	simm.s32 $0x3  }
0xc: {  	s11 =	simm.s32 $0x9;
	s12 =	simm.s32 $0xA;
	s5 =	sshll.u32 s5, $0x3  }
0xd: {  	s1 =	sadd.s32 s1, s10;
	[dreg:$0x5] =	wrdreg s22;
	s17 =	smax.u32 s13, $0x1  }
0xe: {  	s22 =	simm.s32 $0x80;
	s10 =	simm.s32 $0x8;
	s0 =	sadd.s32 s5, s0  }
0xf: {  	s5 =	sadd.s32 s20, s2;
	[dreg:$0x4] =	wrdreg s1;
	s1 =	simm.s32 $0x1  }
0x10: {  	s6 =	sadd.s32 $0x2000, s5;
	s7 =	sadd.s32 $0x4000, s5;
	s23 =	sadd.s32 $0x84600, s0  }
0x11: {  	s8 =	sadd.s32 $0x6000, s5;
	s24 =	sadd.s32 $0x84A00, s0;
	[dreg:$0x6] =	wrdreg s23  }
0x12: {  	s9 =	sadd.s32 $0x8000, s5;
	s25 =	sadd.s32 $0x84E00, s0;
	[dreg:$0x7] =	wrdreg s24  }
0x13: {  	s26 =	sadd.s32 $0x85200, s0;
	s16 =	sadd.s32 $0x85600, s0;
	[dreg:$0x8] =	wrdreg s25  }
0x14: {  	s0 =	simm.s32 $0x2;
	[dreg:$0x9] =	wrdreg s26;
	s24 =	simm.s32 $0x16000  }
0x15: {  	v0 =	vimm.f32 $0.0e+00;
	s26 =	simm.s32 $0x18000;
	s23 =	simm.s32 $0x4;
	s25 =	simm.s32 $0x5  }
.LBB2_1:
0x16: {  	s14 =	simm.s32 $0x100;
	s13 =	simm.s32 $0x0  }
.LBB2_2:
0x17: {  	p0 =	sne.s32 s14, $0x7F00;
	[tilespmem:s13+$0x14030] =	vst v0;
	s20 =	smov.u32 s14;
	s14 =	sadd.s32 $0x100, s14  }
.Ltmp0:
0x18: {  	[tilespmem:s13+$0x14020] =	vst v0;
	(pc) =	sbr.rel @p0 .LBB2_2-.Ltmp0, $3  }
0x19: {  	[tilespmem:s13+$0x14000] =	vst v0  }
0x1a: {  	[tilespmem:s13+$0x14010] =	vst v0;
	_ =	sdelay $0x1  }
0x1b: {  	s13 =	sshra.s32 s20, $0x2  }
0x1c: {  	[tilespmem:s13+$0x14030] =	vst v0  }
0x1d: {  	[tilespmem:s13+$0x14020] =	vst v0  }
0x1e: {  	[tilespmem:s13+$0x14000] =	vst v0  }
0x1f: {  	[tilespmem:s13+$0x14010] =	vst v0  }
0x20: {  	[spmem:s5] =	stream.linear.scatter [tilespmem:s18], [sflag:$0xB], $0x2000, $0x38;
	[tilespmem:$0x1E000] =	vst v63  }
0x21: {  	_ =	swait.ge [sflag:s19], $0x2000  }
0x22: {  	[sflag:s19] =	ssyncset.done $0x0  }
0x23: {  	[sflag:s19] =	ssyncadd.s32 $0xFFFFE000  }
0x24: {  	[spmem:s6] =	stream.linear.scatter [tilespmem:s18], [sflag:$0xB], $0x2000, $0x38;
	[tilespmem:$0x1E000] =	vst v63  }
0x25: {  	_ =	swait.ge [sflag:s19], $0x2000  }
0x26: {  	[sflag:s19] =	ssyncset.done $0x0  }
0x27: {  	[sflag:s19] =	ssyncadd.s32 $0xFFFFE000  }
0x28: {  	[spmem:s7] =	stream.linear.scatter [tilespmem:s18], [sflag:$0xB], $0x2000, $0x38;
	[tilespmem:$0x1E000] =	vst v63  }
0x29: {  	_ =	swait.ge [sflag:s19], $0x2000  }
0x2a: {  	[sflag:s19] =	ssyncset.done $0x0  }
0x2b: {  	[sflag:s19] =	ssyncadd.s32 $0xFFFFE000  }
0x2c: {  	[spmem:s8] =	stream.linear.scatter [tilespmem:s18], [sflag:$0xB], $0x2000, $0x38;
	[tilespmem:$0x1E000] =	vst v63  }
0x2d: {  	_ =	swait.ge [sflag:s19], $0x2000  }
0x2e: {  	[sflag:s19] =	ssyncset.done $0x0  }
0x2f: {  	[sflag:s19] =	ssyncadd.s32 $0xFFFFE000  }
0x30: {  	[spmem:s9] =	stream.linear.scatter [tilespmem:s18], [sflag:$0xB], $0x2000, $0x38;
	[tilespmem:$0x1E000] =	vst v63  }
0x31: {  	_ =	swait.ge [sflag:s19], $0x2000  }
0x32: {  	s13 =	simm.s32 $0x0;
	[sflag:s19] =	ssyncset.done $0x0  }
0x33: {  	s20 =	simm.s32 $0xA000;
	s14 =	rddreg [dreg:$0x4];
	[sflag:s19] =	ssyncadd.s32 $0xFFFFE000  }
0x34: {  	[tilespmem:s20], [sflag:$0xB] =	stream.linear.gather [hbm4b:s14+s13], $0x5000, $0x38;
	[tilespmem:$0x1E000] =	vst v63  }
0x35: {  	_ =	swait.ge [sflag:s19], $0x5000  }
0x36: {  	[sflag:s19] =	ssyncset.done $0x0  }
0x37: {  	s15 =	simm.s32 $0xF000;
	s14 =	rddreg [dreg:$0x5];
	[sflag:s19] =	ssyncadd.s32 $0xFFFFB000  }
0x38: {  	[tilespmem:s15], [sflag:$0xB] =	stream.linear.gather [hbm4b:s14+s13], $0x5000, $0x38;
	[tilespmem:$0x1E000] =	vst v63  }
0x39: {  	_ =	swait.ge [sflag:s19], $0x5000  }
0x3a: {  	[sflag:s19] =	ssyncset.done $0x0  }
0x3b: {  	[sflag:s19] =	ssyncadd.s32 $0xFFFFB000  }
0x3c: {  	[tilespmem:s18], [sflag:$0x1] =	stream.indirect.gather [hbm4b:s4+s22], $0x40, s20, s22, $0xb8;
	[tilespmem:$0x1E000] =	vst v63  }
0x3d: {  	s20 =	simm.s32 $0xA080  }
0x3e: {  	[tilespmem:s24], [sflag:$0x2] =	stream.indirect.gather [hbm4b:s4+s22], $0x40, s20, s22, $0xb8;
	[tilespmem:$0x1E000] =	vst v63  }
0x3f: {  	s14 =	simm.s32 $0xA100  }
0x40: {  	[tilespmem:s26], [sflag:$0x3] =	stream.indirect.gather [hbm4b:s4+s22], $0x40, s14, s22, $0xb8;
	[tilespmem:$0x1E000] =	vst v63  }
0x41: {  	s15 =	simm.s32 $0xA180  }
0x42: {  	[tilespmem:s29], [sflag:$0x4] =	stream.indirect.gather [hbm4b:s4+s22], $0x40, s15, s22, $0xb8;
	[tilespmem:$0x1E000] =	vst v63  }
0x43: {  	s20 =	simm.s32 $0xA200  }
0x44: {  	[tilespmem:s31], [sflag:$0x5] =	stream.indirect.gather [hbm4b:s4+s22], $0x40, s20, s22, $0xb8;
	[tilespmem:$0x1E000] =	vst v63  }
0x45: {  	[bflag:$0x0] =	sbarrier.arrive $0xFFFF  }
0x46: {  	_ =	swait.ge [sflag:s1], $0x2000  }
0x47: {  	[sflag:s1] =	ssyncset.done $0x0  }
0x48: {  	s14 =	simm.s32 $0xF000;
	[sflag:s1] =	ssyncadd.s32 $0xFFFFE000  }
0x49: {  	[spmem:s2] =	stream.indirect.scatter.add.f32 [tilespmem:s18], [sflag:$0x6], $0x40, s14, s22, $0xb8;
	[tilespmem:$0x1E000] =	vst v63  }
0x4a: {  	_ =	swait.ge [sflag:s0], $0x2000  }
0x4b: {  	[sflag:s0] =	ssyncset.done $0x0  }
0x4c: {  	s15 =	simm.s32 $0xF080;
	[sflag:s0] =	ssyncadd.s32 $0xFFFFE000  }
0x4d: {  	[spmem:s2] =	stream.indirect.scatter.add.f32 [tilespmem:s24], [sflag:$0x7], $0x40, s15, s22, $0xb8;
	[tilespmem:$0x1E000] =	vst v63  }
0x4e: {  	_ =	swait.ge [sflag:s21], $0x2000  }
0x4f: {  	[sflag:s21] =	ssyncset.done $0x0  }
0x50: {  	s20 =	simm.s32 $0xF100;
	[sflag:s21] =	ssyncadd.s32 $0xFFFFE000  }
0x51: {  	[spmem:s2] =	stream.indirect.scatter.add.f32 [tilespmem:s26], [sflag:$0x8], $0x40, s20, s22, $0xb8;
	[tilespmem:$0x1E000] =	vst v63  }
0x52: {  	_ =	swait.ge [sflag:s23], $0x2000  }
0x53: {  	[sflag:s23] =	ssyncset.done $0x0  }
0x54: {  	s14 =	simm.s32 $0xF180;
	[sflag:s23] =	ssyncadd.s32 $0xFFFFE000  }
0x55: {  	[spmem:s2] =	stream.indirect.scatter.add.f32 [tilespmem:s29], [sflag:$0x9], $0x40, s14, s22, $0xb8;
	[tilespmem:$0x1E000] =	vst v63  }
0x56: {  	_ =	swait.ge [sflag:s25], $0x2000  }
0x57: {  	[sflag:s25] =	ssyncset.done $0x0  }
0x58: {  	s15 =	simm.s32 $0xF200;
	[sflag:s25] =	ssyncadd.s32 $0xFFFFE000  }
0x59: {  	[spmem:s2] =	stream.indirect.scatter.add.f32 [tilespmem:s31], [sflag:$0xA], $0x40, s15, s22, $0xb8;
	[tilespmem:$0x1E000] =	vst v63  }
0x5a: {  	_ =	swait.ge [sflag:s28], $0x2000  }
0x5b: {  	[sflag:s28] =	ssyncset.done $0x0  }
0x5c: {  	s20 =	simm.s32 $0xA280;
	[sflag:s28] =	ssyncadd.s32 $0xFFFFE000  }
0x5d: {  	[tilespmem:s18], [sflag:$0x1] =	stream.indirect.gather [hbm4b:s4+s22], $0x40, s20, s22, $0xb8;
	[tilespmem:$0x1E000] =	vst v63  }
0x5e: {  	_ =	swait.ge [sflag:s30], $0x2000  }
0x5f: {  	[sflag:s30] =	ssyncset.done $0x0  }
0x60: {  	s14 =	simm.s32 $0xA300;
	[sflag:s30] =	ssyncadd.s32 $0xFFFFE000  }
0x61: {  	[tilespmem:s24], [sflag:$0x2] =	stream.indirect.gather [hbm4b:s4+s22], $0x40, s14, s22, $0xb8;
	[tilespmem:$0x1E000] =	vst v63  }
0x62: {  	_ =	swait.ge [sflag:s10], $0x2000  }
0x63: {  	[sflag:s10] =	ssyncset.done $0x0  }
0x64: {  	s15 =	simm.s32 $0xA380;
	[sflag:s10] =	ssyncadd.s32 $0xFFFFE000  }
0x65: {  	[tilespmem:s26], [sflag:$0x3] =	stream.indirect.gather [hbm4b:s4+s22], $0x40, s15, s22, $0xb8;
	[tilespmem:$0x1E000] =	vst v63  }
0x66: {  	_ =	swait.ge [sflag:s11], $0x2000  }
0x67: {  	[sflag:s11] =	ssyncset.done $0x0  }
0x68: {  	s20 =	simm.s32 $0xA400;
	[sflag:s11] =	ssyncadd.s32 $0xFFFFE000  }
0x69: {  	[tilespmem:s29], [sflag:$0x4] =	stream.indirect.gather [hbm4b:s4+s22], $0x40, s20, s22, $0xb8;
	[tilespmem:$0x1E000] =	vst v63  }
0x6a: {  	_ =	swait.ge [sflag:s12], $0x2000  }
0x6b: {  	[sflag:s12] =	ssyncset.done $0x0  }
0x6c: {  	s13 =	simm.s32 $0xA00;
	s14 =	simm.s32 $0xA480;
	[sflag:s12] =	ssyncadd.s32 $0xFFFFE000  }
.LBB2_4:
0x6d: {  	[tilespmem:s31], [sflag:$0x5] =	stream.indirect.gather [hbm4b:s4+s22], $0x40, s14, s22, $0xb8;
	[tilespmem:$0x1E000] =	vst v63  }
0x6e: {  	s14 =	smov.u32 s13  }
0x6f: {  	p0 =	sne.s32 s13, $0x12C00;
	s13 =	sadd.s32 $0xA00, s13;
	_ =	swait.ge [sflag:s1], $0x2000  }
0x70: {  	s14 =	sshra.s32 s14, $0x2;
	[sflag:s1] =	ssyncset.done $0x0  }
0x71: {  	s20 =	sadd.s32 $0xF000, s14;
	[sflag:s1] =	ssyncadd.s32 $0xFFFFE000  }
0x72: {  	[spmem:s2] =	stream.indirect.scatter.add.f32 [tilespmem:s18], [sflag:$0x6], $0x40, s20, s22, $0xb8;
	[tilespmem:$0x1E000] =	vst v63  }
0x73: {  	_ =	swait.ge [sflag:s0], $0x2000  }
0x74: {  	[sflag:s0] =	ssyncset.done $0x0  }
0x75: {  	s20 =	sadd.s32 $0xF080, s14;
	[sflag:s0] =	ssyncadd.s32 $0xFFFFE000  }
0x76: {  	[spmem:s2] =	stream.indirect.scatter.add.f32 [tilespmem:s24], [sflag:$0x7], $0x40, s20, s22, $0xb8;
	[tilespmem:$0x1E000] =	vst v63  }
0x77: {  	_ =	swait.ge [sflag:s21], $0x2000  }
0x78: {  	[sflag:s21] =	ssyncset.done $0x0  }
0x79: {  	s20 =	sadd.s32 $0xF100, s14;
	[sflag:s21] =	ssyncadd.s32 $0xFFFFE000  }
0x7a: {  	[spmem:s2] =	stream.indirect.scatter.add.f32 [tilespmem:s26], [sflag:$0x8], $0x40, s20, s22, $0xb8;
	[tilespmem:$0x1E000] =	vst v63  }
0x7b: {  	_ =	swait.ge [sflag:s23], $0x2000  }
0x7c: {  	[sflag:s23] =	ssyncset.done $0x0  }
0x7d: {  	s20 =	sadd.s32 $0xF180, s14;
	[sflag:s23] =	ssyncadd.s32 $0xFFFFE000  }
0x7e: {  	[spmem:s2] =	stream.indirect.scatter.add.f32 [tilespmem:s29], [sflag:$0x9], $0x40, s20, s22, $0xb8;
	[tilespmem:$0x1E000] =	vst v63  }
0x7f: {  	_ =	swait.ge [sflag:s25], $0x2000  }
0x80: {  	[sflag:s25] =	ssyncset.done $0x0  }
0x81: {  	s20 =	sadd.s32 $0xF200, s14;
	[sflag:s25] =	ssyncadd.s32 $0xFFFFE000  }
0x82: {  	[spmem:s2] =	stream.indirect.scatter.add.f32 [tilespmem:s31], [sflag:$0xA], $0x40, s20, s22, $0xb8;
	[tilespmem:$0x1E000] =	vst v63  }
0x83: {  	_ =	swait.ge [sflag:s28], $0x2000  }
0x84: {  	[sflag:s28] =	ssyncset.done $0x0  }
0x85: {  	s20 =	sadd.s32 $0xA280, s14;
	[sflag:s28] =	ssyncadd.s32 $0xFFFFE000  }
0x86: {  	[tilespmem:s18], [sflag:$0x1] =	stream.indirect.gather [hbm4b:s4+s22], $0x40, s20, s22, $0xb8;
	[tilespmem:$0x1E000] =	vst v63  }
0x87: {  	_ =	swait.ge [sflag:s30], $0x2000  }
0x88: {  	[sflag:s30] =	ssyncset.done $0x0  }
0x89: {  	s20 =	sadd.s32 $0xA300, s14;
	[sflag:s30] =	ssyncadd.s32 $0xFFFFE000  }
0x8a: {  	[tilespmem:s24], [sflag:$0x2] =	stream.indirect.gather [hbm4b:s4+s22], $0x40, s20, s22, $0xb8;
	[tilespmem:$0x1E000] =	vst v63  }
0x8b: {  	_ =	swait.ge [sflag:s10], $0x2000  }
0x8c: {  	[sflag:s10] =	ssyncset.done $0x0  }
0x8d: {  	s20 =	sadd.s32 $0xA380, s14;
	[sflag:s10] =	ssyncadd.s32 $0xFFFFE000  }
0x8e: {  	[tilespmem:s26], [sflag:$0x3] =	stream.indirect.gather [hbm4b:s4+s22], $0x40, s20, s22, $0xb8;
	[tilespmem:$0x1E000] =	vst v63  }
0x8f: {  	_ =	swait.ge [sflag:s11], $0x2000  }
0x90: {  	[sflag:s11] =	ssyncset.done $0x0  }
.Ltmp1:
0x91: {  	s20 =	sadd.s32 $0xA400, s14;
	[sflag:s11] =	ssyncadd.s32 $0xFFFFE000;
	(pc) =	sbr.rel @p0 .LBB2_4-.Ltmp1, $4  }
0x92: {  	[tilespmem:s29], [sflag:$0x4] =	stream.indirect.gather [hbm4b:s4+s22], $0x40, s20, s22, $0xb8;
	[tilespmem:$0x1E000] =	vst v63  }
0x93: {  	_ =	swait.ge [sflag:s12], $0x2000  }
0x94: {  	[sflag:s12] =	ssyncset.done $0x0  }
0x95: {  	s14 =	sadd.s32 $0xA480, s14;
	[sflag:s12] =	ssyncadd.s32 $0xFFFFE000  }
0x96: {  	[tilespmem:s31], [sflag:$0x5] =	stream.indirect.gather [hbm4b:s4+s22], $0x40, s14, s22, $0xb8;
	[tilespmem:$0x1E000] =	vst v63  }
0x97: {  	_ =	swait.ge [sflag:s1], $0x2000  }
0x98: {  	[sflag:s1] =	ssyncset.done $0x0  }
0x99: {  	s13 =	simm.s32 $0x13D80;
	[sflag:s1] =	ssyncadd.s32 $0xFFFFE000  }
0x9a: {  	[spmem:s2] =	stream.indirect.scatter.add.f32 [tilespmem:s18], [sflag:$0x6], $0x40, s13, s22, $0xb8;
	[tilespmem:$0x1E000] =	vst v63  }
0x9b: {  	_ =	swait.ge [sflag:s0], $0x2000  }
0x9c: {  	[sflag:s0] =	ssyncset.done $0x0  }
0x9d: {  	s20 =	simm.s32 $0x13E00;
	[sflag:s0] =	ssyncadd.s32 $0xFFFFE000  }
0x9e: {  	[spmem:s2] =	stream.indirect.scatter.add.f32 [tilespmem:s24], [sflag:$0x7], $0x40, s20, s22, $0xb8;
	[tilespmem:$0x1E000] =	vst v63  }
0x9f: {  	_ =	swait.ge [sflag:s21], $0x2000  }
0xa0: {  	[sflag:s21] =	ssyncset.done $0x0  }
0xa1: {  	s14 =	simm.s32 $0x13E80;
	[sflag:s21] =	ssyncadd.s32 $0xFFFFE000  }
0xa2: {  	[spmem:s2] =	stream.indirect.scatter.add.f32 [tilespmem:s26], [sflag:$0x8], $0x40, s14, s22, $0xb8;
	[tilespmem:$0x1E000] =	vst v63  }
0xa3: {  	_ =	swait.ge [sflag:s23], $0x2000  }
0xa4: {  	[sflag:s23] =	ssyncset.done $0x0  }
0xa5: {  	s15 =	simm.s32 $0x13F00;
	[sflag:s23] =	ssyncadd.s32 $0xFFFFE000  }
0xa6: {  	[spmem:s2] =	stream.indirect.scatter.add.f32 [tilespmem:s29], [sflag:$0x9], $0x40, s15, s22, $0xb8;
	[tilespmem:$0x1E000] =	vst v63  }
0xa7: {  	_ =	swait.ge [sflag:s25], $0x2000  }
0xa8: {  	[sflag:s25] =	ssyncset.done $0x0  }
0xa9: {  	s20 =	simm.s32 $0x13F80;
	[sflag:s25] =	ssyncadd.s32 $0xFFFFE000  }
0xaa: {  	[spmem:s2] =	stream.indirect.scatter.add.f32 [tilespmem:s31], [sflag:$0xA], $0x40, s20, s22, $0xb8;
	[tilespmem:$0x1E000] =	vst v63  }
0xab: {  	_ =	swait.ge [sflag:s28], $0x2000  }
0xac: {  	[sflag:s28] =	ssyncset.done $0x0  }
0xad: {  	[sflag:s28] =	ssyncadd.s32 $0xFFFFE000  }
0xae: {  	_ =	swait.ge [sflag:s30], $0x2000  }
0xaf: {  	[sflag:s30] =	ssyncset.done $0x0  }
0xb0: {  	[sflag:s30] =	ssyncadd.s32 $0xFFFFE000  }
0xb1: {  	_ =	swait.ge [sflag:s10], $0x2000  }
0xb2: {  	[sflag:s10] =	ssyncset.done $0x0  }
0xb3: {  	[sflag:s10] =	ssyncadd.s32 $0xFFFFE000  }
0xb4: {  	_ =	swait.ge [sflag:s11], $0x2000  }
0xb5: {  	[sflag:s11] =	ssyncset.done $0x0  }
0xb6: {  	[sflag:s11] =	ssyncadd.s32 $0xFFFFE000  }
0xb7: {  	_ =	swait.ge [sflag:s12], $0x2000  }
0xb8: {  	[sflag:s12] =	ssyncset.done $0x0  }
0xb9: {  	s14 =	stileid.u32;
	[sflag:s12] =	ssyncadd.s32 $0xFFFFE000  }
0xba: {  	s13 =	sshll.u32 s14, $0x6;
	[bflag:$0x0] =	sbarrier.arrive $0xFFFF  }
0xbb: {  	s13 =	sor.u32 $0x1C0B, s13;
	s15 =	sshrl.u32 s5, $0x3;
	s20 =	rddreg [dreg:$0x6]  }
0xbc: {  	[hbm:s20], [sflag:s13] =	dma.local [spmem:s15], $0x400  }
0xbd: {  	_ =	swait.ge [sflag:s19], $0x400  }
0xbe: {  	[sflag:s19] =	ssyncset.done $0x0  }
0xbf: {  	s20 =	sshrl.u32 s6, $0x3;
	s15 =	rddreg [dreg:$0x7];
	[sflag:s19] =	ssyncadd.s32 $0xFFFFFC00  }
0xc0: {  	[hbm:s15], [sflag:s13] =	dma.local [spmem:s20], $0x400  }
0xc1: {  	_ =	swait.ge [sflag:s19], $0x400  }
0xc2: {  	[sflag:s19] =	ssyncset.done $0x0  }
0xc3: {  	s20 =	sshrl.u32 s7, $0x3;
	s15 =	rddreg [dreg:$0x8];
	[sflag:s19] =	ssyncadd.s32 $0xFFFFFC00  }
0xc4: {  	[hbm:s15], [sflag:s13] =	dma.local [spmem:s20], $0x400  }
0xc5: {  	_ =	swait.ge [sflag:s19], $0x400  }
0xc6: {  	[sflag:s19] =	ssyncset.done $0x0  }
0xc7: {  	s20 =	sshrl.u32 s8, $0x3;
	s15 =	rddreg [dreg:$0x9];
	[sflag:s19] =	ssyncadd.s32 $0xFFFFFC00  }
0xc8: {  	[hbm:s15], [sflag:s13] =	dma.local [spmem:s20], $0x400  }
0xc9: {  	s3 =	sadd.s32 $0x1, s3;
	_ =	swait.ge [sflag:s19], $0x400  }
0xca: {  	p0 =	sne.s32 s3, s17;
	[sflag:s19] =	ssyncset.done $0x0  }
.Ltmp2:
0xcb: {  	s20 =	sshrl.u32 s9, $0x3;
	[sflag:s19] =	ssyncadd.s32 $0xFFFFFC00;
	(pc) =	sbr.rel @p0 .LBB2_1-.Ltmp2, $4  }
0xcc: {  	[hbm:s16], [sflag:s13] =	dma.local [spmem:s20], $0x400  }
0xcd: {  	_ =	swait.ge [sflag:s19], $0x400  }
0xce: {  	[sflag:s19] =	ssyncset.done $0x0  }
0xcf: {  	[sflag:s19] =	ssyncadd.s32 $0xFFFFFC00  }
0xd0: {  	_ =	sfence.sel $0x180000  }
0xd1: {  	[bflag:$0x0] =	sbarrier.arrive $0xFFFF  }
0xd2: {  	_ =	strace $0x9000004A  }
0xd3: {  	s0 =	stileid.u32;
	[bflag:$0x2] =	sbarrier.arrive $0xFFFF  }
0xd4: {  	p0 =	sne.s32 s0, $0x0;
	s0 =	rddreg [dreg:$0x3]  }
0xd5: {  	s0 =	sadd.s32 @!p0 $0x100000, s0  }
0xd6: {  	[sflag:s0] =	ssyncadd.tile.s32 @!p0 $0x1;
	_ =	shalt  }
.Lfunc_end2:
_tile_overlayer_lowered:
.L_overlay_start_2:
0xd7: {  	(tag) =	ssettag $0x2  }
0xd8: {  	s0 =	rddreg [dreg:$0x0];
	s2 =	stileid.u32  }
0xd9: {  	s1 =	rddreg [dreg:$0x1];
	p0 =	sne.s32 s2, $0x0  }
0xda: {  	s3 =	rddreg [dreg:$0x2];
	[bflag:$0x3] =	sbarrier.arrive $0xFFFF;
	s2 =	simm.s32 @!p0 $0x1C0B  }
0xdb: {  	[timem:s3], [sflag:s2] =	dma.local @!p0 [hbm:s0], s1  }
0xdc: {  	s0 =	simm.s32 @!p0 $0xB  }
0xdd: {  	_ =	swait.ge @!p0 [sflag:s0], s1  }
0xde: {  	s1 =	ssub.s32 @!p0 $0x0, s1;
	[sflag:s0] =	ssyncset.done @!p0 $0x0  }
0xdf: {  	[sflag:s0] =	ssyncadd.s32 @!p0 s1  }
0xe0: {  	[bflag:$0x3] =	sbarrier.arrive $0xFFFF  }
0xe1: {  	_ =	shalt  }

</sc_bundles>
